<compile_context>
chip_gen: v7x
topology: tpu7x:2x2x1
jax: 0.10.2.dev20260603
libtpu: 0.0.44.dev20260713+nightly
codegen_flags: <defaults>
</compile_context>

<pallas_src>
import functools

import jax
import jax.numpy as jnp
from jax import lax
from jax.experimental import pallas as pl
from jax.experimental.pallas import tpu as pltpu
from jax.experimental.pallas import tpu_sc as plsc

B = 128
V = 100000
TOPK = 32
HID = 128
OUT = 128

NC = 2
NS = 16
NW = NC * NS
ROWS_PER_W = B // NW
LANES = 16

GROUP = 10
NG = V // (GROUP * LANES)
NQUAD = NG // 4
CAND_CAP = 2048

_NEG = float("-inf")


def _sortd(x):
  return lax.rev(jnp.sort(x), (0,))


def _any16(mask):
  cnt = plsc.all_reduce_population_count(mask)
  return cnt[0] > 0


def _splat_lane(x, lane):
  idx = jnp.full((LANES, 1), lane, jnp.int32)
  dnums = lax.GatherDimensionNumbers(
      offset_dims=(), collapsed_slice_dims=(0,), start_index_map=(0,))
  return lax.gather(x, idx, dnums, (1,),
                    mode=lax.GatherScatterMode.PROMISE_IN_BOUNDS)


def _merge32(a, b, v):
  vs = _sortd(v)
  m = jnp.maximum(b, lax.rev(vs, (0,)))
  ms = _sortd(m)
  x = jnp.maximum(a, lax.rev(ms, (0,)))
  y = jnp.minimum(a, lax.rev(ms, (0,)))
  return _sortd(x), _sortd(y)


def _maybe_merge(v, carry):
  a, b, t = carry

  def do(_):
    a2, b2 = _merge32(a, b, v)
    t2 = jnp.maximum(t, _splat_lane(b2, LANES - 1))
    return a2, b2, t2

  return lax.cond(_any16(v >= t), do, lambda _: (a, b, t), None)


def _sc_topk(logits):
  mesh = plsc.VectorSubcoreMesh(
      core_axis_name="c", subcore_axis_name="s", num_cores=NC, num_subcores=NS)

  @functools.partial(
      pl.kernel,
      out_type=jax.ShapeDtypeStruct((B, TOPK), jnp.float32),
      mesh=mesh,
      scratch_types=[
          pltpu.VMEM((V,), jnp.float32),
          pltpu.VMEM((NG * LANES,), jnp.float32),
          pltpu.VMEM((NG * LANES + 2 * LANES,), jnp.int32),
          pltpu.VMEM((CAND_CAP + LANES,), jnp.float32),
          pltpu.VMEM((TOPK,), jnp.float32),
          pltpu.SMEM((2,), jnp.int32),
      ],
      compiler_params=pltpu.CompilerParams(needs_layout_passes=False),
  )
  def k(logits_hbm, out_hbm, buf, gmax, wl, cand, obuf, cnt_ref):
    wid = lax.axis_index("s") * NC + lax.axis_index("c")

    def row_body(r, _):
      row = wid * ROWS_PER_W + r
      pltpu.sync_copy(logits_hbm.at[row], buf)

      neg = jnp.full((LANES,), _NEG, jnp.float32)

      @plsc.parallel_loop(0, NG, unroll=2, carry=(neg, neg, neg, neg))
      def seed(g, sc):
        m1, m2, m3, m4 = sc
        vecs = [buf[pl.ds((g * GROUP + j) * LANES, LANES)]
                for j in range(GROUP)]
        while len(vecs) > 1:
          vecs = [jnp.maximum(vecs[i], vecs[i + 1])
                  for i in range(0, len(vecs) - 1, 2)] + (
                      [vecs[-1]] if len(vecs) % 2 else [])
        gmx = vecs[0]
        hi1 = jnp.maximum(m1, gmx)
        lo1 = jnp.minimum(m1, gmx)
        hi2 = jnp.maximum(m2, lo1)
        lo2 = jnp.minimum(m2, lo1)
        hi3 = jnp.maximum(m3, lo2)
        lo3 = jnp.minimum(m3, lo2)
        gmax[pl.ds(g * LANES, LANES)] = gmx
        return hi1, hi2, hi3, jnp.maximum(m4, lo3)

      s1, s2, s3, s4 = (_sortd(m) for m in seed)
      a0 = _sortd(jnp.maximum(s1, lax.rev(s2, (0,))))
      b0 = _sortd(jnp.minimum(s1, lax.rev(s2, (0,))))
      for s in (s3, s4):
        ms = _sortd(jnp.maximum(b0, lax.rev(s, (0,))))
        x2 = jnp.maximum(a0, lax.rev(ms, (0,)))
        y2 = jnp.minimum(a0, lax.rev(ms, (0,)))
        a0 = _sortd(x2)
        b0 = _sortd(y2)
      t0 = _splat_lane(b0, LANES - 1)

      cnt_ref[0] = 0
      iota = lax.iota(jnp.int32, LANES)

      def compress_one(gv_idx):
        gv = gmax[pl.ds(gv_idx * LANES, LANES)]
        mask = gv >= t0
        ids = gv_idx * LANES + iota
        c = cnt_ref[0]
        plsc.store_compressed(wl.at[pl.ds(c, LANES)], ids, mask=mask)
        cnt_ref[0] = c + plsc.all_reduce_population_count(mask)[0]

      def quad_body(q, _):
        gvi = q * 4
        g0 = gmax[pl.ds(gvi * LANES, LANES)]
        g1 = gmax[pl.ds((gvi + 1) * LANES, LANES)]
        g2 = gmax[pl.ds((gvi + 2) * LANES, LANES)]
        g3 = gmax[pl.ds((gvi + 3) * LANES, LANES)]
        gm = jnp.maximum(jnp.maximum(g0, g1), jnp.maximum(g2, g3))

        def hit(_2):
          for k2 in range(4):
            compress_one(gvi + k2)
          return 0

        return lax.cond(_any16(gm >= t0), hit, lambda _2: 0, 0)

      lax.fori_loop(0, NQUAD, quad_body, 0)
      compress_one(NQUAD * 4)
      n = cnt_ref[0]
      wl[pl.ds(n, LANES)] = jnp.full((LANES,), -1, jnp.int32)

      validc = iota < GROUP
      cnt_ref[1] = 0

      def flush(st):
        c2 = cnt_ref[1]
        cand[pl.ds(c2, LANES)] = jnp.full((LANES,), _NEG, jnp.float32)

        def mb(i, s):
          return _maybe_merge(cand[pl.ds(i * LANES, LANES)], s)

        st = lax.fori_loop(0, (c2 + LANES - 1) // LANES, mb, st)
        cnt_ref[1] = 0
        return st

      def drain_block(i, st):
        st = lax.cond(cnt_ref[1] >= CAND_CAP - LANES * LANES,
                      flush, lambda s: s, st)
        wvec = wl[pl.ds(i * LANES, LANES)]

        for j in range(LANES):
          e = wvec[j]
          g = lax.shift_right_logical(e, 4)
          lane = lax.bitwise_and(e, 15)
          base = g * (GROUP * LANES) + lane
          vmask = jnp.logical_and(validc, e >= 0)
          idx = jnp.where(vmask, base + iota * LANES, 0)
          v = plsc.load_gather(buf, [idx])
          cmask = jnp.logical_and(vmask, v >= t0)
          c2 = cnt_ref[1]
          plsc.store_compressed(cand.at[pl.ds(c2, LANES)], v, mask=cmask)
          cnt_ref[1] = c2 + plsc.all_reduce_population_count(cmask)[0]
        return st

      nblk = (n + LANES - 1) // LANES
      state = lax.fori_loop(0, nblk, drain_block, (neg, neg, t0))
      state = flush(state)

      a, b, _ = state
      obuf[pl.ds(0, LANES)] = a
      obuf[pl.ds(LANES, LANES)] = b
      pltpu.sync_copy(obuf, out_hbm.at[row])
      return 0

    lax.fori_loop(0, ROWS_PER_W, row_body, 0)

  return k(logits)


def _tc_head(x, ln_w, ln_b, w1, b1, w2, b2):
  def body(x_ref, lnw_ref, lnb_ref, w1_ref, b1_ref, w2_ref, b2_ref, o_ref):
    xv = x_ref[...]
    mean = jnp.mean(xv, axis=-1, keepdims=True)
    var = jnp.mean((xv - mean) ** 2, axis=-1, keepdims=True)
    xn = (xv - mean) * lax.rsqrt(var + 1e-5) * lnw_ref[...] + lnb_ref[...]
    h = jnp.dot(xn, w1_ref[...], preferred_element_type=jnp.float32) + b1_ref[...]
    h = 0.5 * h * (1.0 + lax.erf(h * jnp.float32(0.7071067811865476)))
    o_ref[...] = jnp.dot(h, w2_ref[...], preferred_element_type=jnp.float32) + b2_ref[...]

  return pl.pallas_call(
      body,
      out_shape=jax.ShapeDtypeStruct((B, OUT), jnp.float32),
  )(x, ln_w.reshape(1, TOPK), ln_b.reshape(1, TOPK),
    w1, b1.reshape(1, HID), w2, b2.reshape(1, OUT))


def kernel(logits, ln_w, ln_b, W1, b1, W2, b2):
  topk = _sc_topk(logits)
  return _tc_head(topk, ln_w, ln_b, W1, b1, W2, b2)

# --- scband reference (transcript-rebuilt; emitter-appended) ---
"""Pipeline reference for scband-logits-encoder-49220325212754 (READ-ONLY COPY).

The authoritative reference and input builder live on the scoring server;
editing this copy changes nothing except your own understanding.
"""

import jax, jax.numpy as jnp
import numpy as np

B = 128
V = 100000
TOPK = 32
HID = 128
OUT = 128


def setup_inputs(seed: int = 0) -> dict:
    key = jax.random.key(seed)
    ks = jax.random.split(key, 4)
    logits = jax.random.normal(ks[0], (B, V), dtype=jnp.float32)
    # LayerNorm params (torch default init: weight=1, bias=0)
    ln_w = jnp.ones((TOPK,), dtype=jnp.float32)
    ln_b = jnp.zeros((TOPK,), dtype=jnp.float32)
    # Linear layers stored as [in, out] so y = x @ W + b (equivalent to torch x @ W.T + b)
    W1 = jax.random.normal(ks[1], (TOPK, HID), dtype=jnp.float32) * 0.05
    b1 = jnp.zeros((HID,), dtype=jnp.float32)
    W2 = jax.random.normal(ks[2], (HID, OUT), dtype=jnp.float32) * 0.05
    b2 = jnp.zeros((OUT,), dtype=jnp.float32)
    return {"logits": logits, "ln_w": ln_w, "ln_b": ln_b, "W1": W1, "b1": b1, "W2": W2, "b2": b2}


def reference(logits, ln_w, ln_b, W1, b1, W2, b2):
    # logits: [B, V]; squeeze(1) is a no-op since V != 1
    topk_logits, _ = jax.lax.top_k(logits, TOPK)  # [B, TOPK]
    # torch.sort(..., descending=True).values (faithful re-sort, already descending)
    topk_logits = jnp.flip(jnp.sort(topk_logits, axis=-1), axis=-1)
    # LayerNorm over last dim (eps=1e-5, torch default)
    mean = jnp.mean(topk_logits, axis=-1, keepdims=True)
    var = jnp.var(topk_logits, axis=-1, keepdims=True)
    x = (topk_logits - mean) / jnp.sqrt(var + 1e-5) * ln_w + ln_b
    # MLP: Linear -> GELU(exact) -> Dropout(eval: identity) -> Linear
    h = jax.nn.gelu(x @ W1 + b1, approximate=False)
    out = h @ W2 + b2
    return out

if __name__ == "__main__":
    import jax
    _d = setup_inputs()
    print(jax.jit(kernel)(*tuple(_d.values())))

</pallas_src>

<mosaic_0001>
#map = affine_map<(d0, d1) -> (0, 0)>
module attributes {stable_mosaic.version = 14 : i64} {
  func.func @k(%arg0: i32, %arg1: i32, %arg2: memref<128x100000xf32, #tpu.memory_space<hbm>>, %arg3: memref<128x32xf32, #tpu.memory_space<hbm>>, %arg4: memref<100000xf32, #tpu.memory_space<vmem>>, %arg5: memref<10000xf32, #tpu.memory_space<vmem>>, %arg6: memref<10032xi32, #tpu.memory_space<vmem>>, %arg7: memref<2064xf32, #tpu.memory_space<vmem>>, %arg8: memref<32xf32, #tpu.memory_space<vmem>>, %arg9: memref<2xi32, #tpu.memory_space<smem>>) attributes {dimension_semantics = [#tpu.dimension_semantics<core_parallel>, #tpu.dimension_semantics<subcore_parallel>], iteration_bounds = array<i64: 2, 16>, scalar_prefetch = 0 : i64, scratch_operands = 6 : i64, tpu.core_type = #tpu.core_type<sc_vector_subcore>, window_params = [{transform_indices = #map}, {transform_indices = #map}]} {
    %mul3A = arith.constant 2 : i32
    %mul3A_0 = arith.muli %arg1, %mul3A : i32
    %add3A = arith.addi %mul3A_0, %arg0 : i32
    %scan3A = arith.constant 0 : i32
    %scan3A_1 = arith.constant 0 : i32
    %scan3A_2 = arith.constant 4 : i32
    %scan3A_3 = arith.addi %scan3A_1, %scan3A_2 : i32
    %scan3A_4 = arith.constant 1 : i32
    %scan3A_5 = scf.for %scan3A_7 = %scan3A_1 to %scan3A_3 step %scan3A_4 iter_args(%scan3A_8 = %scan3A) -> (i32)  : i32 {
      %mul3A_9 = arith.constant 4 : i32
      %mul3A_10 = arith.muli %add3A, %mul3A_9 : i32
      %add3A_11 = arith.addi %mul3A_10, %scan3A_7 : i32
      "tpu.region"() ({
        %run_scoped3A = tpu.sem_alloc : memref<!tpu.dma_semaphore, #tpu.memory_space<semaphore_mem>>
        %dma_start3A = arith.constant 0 : i32
        %dma_start3A_292 = tpu.memref_slice %arg2[%add3A_11, %dma_start3A] : memref<128x100000xf32, #tpu.memory_space<hbm>> -> memref<1x100000xf32, #tpu.memory_space<hbm>>
        %dma_start3A_293 = tpu.memref_squeeze %dma_start3A_292 : memref<1x100000xf32, #tpu.memory_space<hbm>> -> memref<100000xf32, #tpu.memory_space<hbm>>
        %dma_start3A_294 = arith.constant 0 : i32
        %dma_start3A_295 = tpu.memref_slice %arg2[%add3A_11, %dma_start3A_294] : memref<128x100000xf32, #tpu.memory_space<hbm>> -> memref<1x100000xf32, #tpu.memory_space<hbm>>
        %dma_start3A_296 = tpu.memref_squeeze %dma_start3A_295 : memref<1x100000xf32, #tpu.memory_space<hbm>> -> memref<100000xf32, #tpu.memory_space<hbm>>
        tpu.enqueue_dma source(%dma_start3A_296 : memref<100000xf32, #tpu.memory_space<hbm>>) target(%arg4 : memref<100000xf32, #tpu.memory_space<vmem>>) target_semaphore(%run_scoped3A : memref<!tpu.dma_semaphore, #tpu.memory_space<semaphore_mem>>)
        %dma_wait3A = arith.constant 0 : i32
        %dma_wait3A_297 = tpu.memref_slice %arg2[%add3A_11, %dma_wait3A] : memref<128x100000xf32, #tpu.memory_space<hbm>> -> memref<1x100000xf32, #tpu.memory_space<hbm>>
        %dma_wait3A_298 = tpu.memref_squeeze %dma_wait3A_297 : memref<1x100000xf32, #tpu.memory_space<hbm>> -> memref<100000xf32, #tpu.memory_space<hbm>>
        %dma_wait3A_299 = arith.constant 0 : i32
        %dma_wait3A_300 = tpu.memref_slice %arg2[%add3A_11, %dma_wait3A_299] : memref<128x100000xf32, #tpu.memory_space<hbm>> -> memref<1x100000xf32, #tpu.memory_space<hbm>>
        %dma_wait3A_301 = tpu.memref_squeeze %dma_wait3A_300 : memref<1x100000xf32, #tpu.memory_space<hbm>> -> memref<100000xf32, #tpu.memory_space<hbm>>
        tpu.wait_dma2 semaphore(%run_scoped3A : memref<!tpu.dma_semaphore, #tpu.memory_space<semaphore_mem>>) src(%dma_wait3A_301 : memref<100000xf32, #tpu.memory_space<hbm>>) dst(%arg4 : memref<100000xf32, #tpu.memory_space<vmem>>)
        tpu.yield
      }) : () -> ()
      %broadcast_in_dim3A = arith.constant 0xFF800000 : f32
      %broadcast_in_dim3A_12 = vector.broadcast %broadcast_in_dim3A : f32 to vector<16xf32>
      %parallel_loop3A = arith.constant 0 : i32
      %parallel_loop3A_13 = arith.constant 625 : i32
      %parallel_loop3A_14 = arith.constant 1 : i32
      %parallel_loop3A_15:4 = scf.for %parallel_loop3A_292 = %parallel_loop3A to %parallel_loop3A_13 step %parallel_loop3A_14 iter_args(%parallel_loop3A_293 = %broadcast_in_dim3A_12, %parallel_loop3A_294 = %broadcast_in_dim3A_12, %parallel_loop3A_295 = %broadcast_in_dim3A_12, %parallel_loop3A_296 = %broadcast_in_dim3A_12) -> (vector<16xf32>, vector<16xf32>, vector<16xf32>, vector<16xf32>)  : i32 {
        %parallel_loop3A_297 = arith.constant 10 : i32
        %parallel_loop3A_298 = arith.muli %parallel_loop3A_292, %parallel_loop3A_297 : i32
        %parallel_loop3A_299 = arith.constant 0 : i32
        %parallel_loop3A_300 = arith.addi %parallel_loop3A_298, %parallel_loop3A_299 : i32
        %parallel_loop3A_301 = arith.constant 16 : i32
        %parallel_loop3A_302 = arith.muli %parallel_loop3A_300, %parallel_loop3A_301 : i32
        %parallel_loop3A_303 = arith.index_cast %parallel_loop3A_302 : i32 to index
        %parallel_loop3A_304 = tpu.vector_load %arg4[%parallel_loop3A_303] {strides = array<i32>} : memref<100000xf32, #tpu.memory_space<vmem>>, vector<16xf32>,
        %parallel_loop3A_305 = arith.constant 10 : i32
        %parallel_loop3A_306 = arith.muli %parallel_loop3A_292, %parallel_loop3A_305 : i32
        %parallel_loop3A_307 = arith.constant 1 : i32
        %parallel_loop3A_308 = arith.addi %parallel_loop3A_306, %parallel_loop3A_307 : i32
        %parallel_loop3A_309 = arith.constant 16 : i32
        %parallel_loop3A_310 = arith.muli %parallel_loop3A_308, %parallel_loop3A_309 : i32
        %parallel_loop3A_311 = arith.index_cast %parallel_loop3A_310 : i32 to index
        %parallel_loop3A_312 = tpu.vector_load %arg4[%parallel_loop3A_311] {strides = array<i32>} : memref<100000xf32, #tpu.memory_space<vmem>>, vector<16xf32>,
        %parallel_loop3A_313 = arith.constant 10 : i32
        %parallel_loop3A_314 = arith.muli %parallel_loop3A_292, %parallel_loop3A_313 : i32
        %parallel_loop3A_315 = arith.constant 2 : i32
        %parallel_loop3A_316 = arith.addi %parallel_loop3A_314, %parallel_loop3A_315 : i32
        %parallel_loop3A_317 = arith.constant 16 : i32
        %parallel_loop3A_318 = arith.muli %parallel_loop3A_316, %parallel_loop3A_317 : i32
        %parallel_loop3A_319 = arith.index_cast %parallel_loop3A_318 : i32 to index
        %parallel_loop3A_320 = tpu.vector_load %arg4[%parallel_loop3A_319] {strides = array<i32>} : memref<100000xf32, #tpu.memory_space<vmem>>, vector<16xf32>,
        %parallel_loop3A_321 = arith.constant 10 : i32
        %parallel_loop3A_322 = arith.muli %parallel_loop3A_292, %parallel_loop3A_321 : i32
        %parallel_loop3A_323 = arith.constant 3 : i32
        %parallel_loop3A_324 = arith.addi %parallel_loop3A_322, %parallel_loop3A_323 : i32
        %parallel_loop3A_325 = arith.constant 16 : i32
        %parallel_loop3A_326 = arith.muli %parallel_loop3A_324, %parallel_loop3A_325 : i32
        %parallel_loop3A_327 = arith.index_cast %parallel_loop3A_326 : i32 to index
        %parallel_loop3A_328 = tpu.vector_load %arg4[%parallel_loop3A_327] {strides = array<i32>} : memref<100000xf32, #tpu.memory_space<vmem>>, vector<16xf32>,
        %parallel_loop3A_329 = arith.constant 10 : i32
        %parallel_loop3A_330 = arith.muli %parallel_loop3A_292, %parallel_loop3A_329 : i32
        %parallel_loop3A_331 = arith.constant 4 : i32
        %parallel_loop3A_332 = arith.addi %parallel_loop3A_330, %parallel_loop3A_331 : i32
        %parallel_loop3A_333 = arith.constant 16 : i32
        %parallel_loop3A_334 = arith.muli %parallel_loop3A_332, %parallel_loop3A_333 : i32
        %parallel_loop3A_335 = arith.index_cast %parallel_loop3A_334 : i32 to index
        %parallel_loop3A_336 = tpu.vector_load %arg4[%parallel_loop3A_335] {strides = array<i32>} : memref<100000xf32, #tpu.memory_space<vmem>>, vector<16xf32>,
        %parallel_loop3A_337 = arith.constant 10 : i32
        %parallel_loop3A_338 = arith.muli %parallel_loop3A_292, %parallel_loop3A_337 : i32
        %parallel_loop3A_339 = arith.constant 5 : i32
        %parallel_loop3A_340 = arith.addi %parallel_loop3A_338, %parallel_loop3A_339 : i32
        %parallel_loop3A_341 = arith.constant 16 : i32
        %parallel_loop3A_342 = arith.muli %parallel_loop3A_340, %parallel_loop3A_341 : i32
        %parallel_loop3A_343 = arith.index_cast %parallel_loop3A_342 : i32 to index
        %parallel_loop3A_344 = tpu.vector_load %arg4[%parallel_loop3A_343] {strides = array<i32>} : memref<100000xf32, #tpu.memory_space<vmem>>, vector<16xf32>,
        %parallel_loop3A_345 = arith.constant 10 : i32
        %parallel_loop3A_346 = arith.muli %parallel_loop3A_292, %parallel_loop3A_345 : i32
        %parallel_loop3A_347 = arith.constant 6 : i32
        %parallel_loop3A_348 = arith.addi %parallel_loop3A_346, %parallel_loop3A_347 : i32
        %parallel_loop3A_349 = arith.constant 16 : i32
        %parallel_loop3A_350 = arith.muli %parallel_loop3A_348, %parallel_loop3A_349 : i32
        %parallel_loop3A_351 = arith.index_cast %parallel_loop3A_350 : i32 to index
        %parallel_loop3A_352 = tpu.vector_load %arg4[%parallel_loop3A_351] {strides = array<i32>} : memref<100000xf32, #tpu.memory_space<vmem>>, vector<16xf32>,
        %parallel_loop3A_353 = arith.constant 10 : i32
        %parallel_loop3A_354 = arith.muli %parallel_loop3A_292, %parallel_loop3A_353 : i32
        %parallel_loop3A_355 = arith.constant 7 : i32
        %parallel_loop3A_356 = arith.addi %parallel_loop3A_354, %parallel_loop3A_355 : i32
        %parallel_loop3A_357 = arith.constant 16 : i32
        %parallel_loop3A_358 = arith.muli %parallel_loop3A_356, %parallel_loop3A_357 : i32
        %parallel_loop3A_359 = arith.index_cast %parallel_loop3A_358 : i32 to index
        %parallel_loop3A_360 = tpu.vector_load %arg4[%parallel_loop3A_359] {strides = array<i32>} : memref<100000xf32, #tpu.memory_space<vmem>>, vector<16xf32>,
        %parallel_loop3A_361 = arith.constant 10 : i32
        %parallel_loop3A_362 = arith.muli %parallel_loop3A_292, %parallel_loop3A_361 : i32
        %parallel_loop3A_363 = arith.constant 8 : i32
        %parallel_loop3A_364 = arith.addi %parallel_loop3A_362, %parallel_loop3A_363 : i32
        %parallel_loop3A_365 = arith.constant 16 : i32
        %parallel_loop3A_366 = arith.muli %parallel_loop3A_364, %parallel_loop3A_365 : i32
        %parallel_loop3A_367 = arith.index_cast %parallel_loop3A_366 : i32 to index
        %parallel_loop3A_368 = tpu.vector_load %arg4[%parallel_loop3A_367] {strides = array<i32>} : memref<100000xf32, #tpu.memory_space<vmem>>, vector<16xf32>,
        %parallel_loop3A_369 = arith.constant 10 : i32
        %parallel_loop3A_370 = arith.muli %parallel_loop3A_292, %parallel_loop3A_369 : i32
        %parallel_loop3A_371 = arith.constant 9 : i32
        %parallel_loop3A_372 = arith.addi %parallel_loop3A_370, %parallel_loop3A_371 : i32
        %parallel_loop3A_373 = arith.constant 16 : i32
        %parallel_loop3A_374 = arith.muli %parallel_loop3A_372, %parallel_loop3A_373 : i32
        %parallel_loop3A_375 = arith.index_cast %parallel_loop3A_374 : i32 to index
        %parallel_loop3A_376 = tpu.vector_load %arg4[%parallel_loop3A_375] {strides = array<i32>} : memref<100000xf32, #tpu.memory_space<vmem>>, vector<16xf32>,
        %parallel_loop3A_377 = arith.maximumf %parallel_loop3A_304, %parallel_loop3A_312 : vector<16xf32>
        %parallel_loop3A_378 = arith.maximumf %parallel_loop3A_320, %parallel_loop3A_328 : vector<16xf32>
        %parallel_loop3A_379 = arith.maximumf %parallel_loop3A_336, %parallel_loop3A_344 : vector<16xf32>
        %parallel_loop3A_380 = arith.maximumf %parallel_loop3A_352, %parallel_loop3A_360 : vector<16xf32>
        %parallel_loop3A_381 = arith.maximumf %parallel_loop3A_368, %parallel_loop3A_376 : vector<16xf32>
        %parallel_loop3A_382 = arith.maximumf %parallel_loop3A_377, %parallel_loop3A_378 : vector<16xf32>
        %parallel_loop3A_383 = arith.maximumf %parallel_loop3A_379, %parallel_loop3A_380 : vector<16xf32>
        %parallel_loop3A_384 = arith.maximumf %parallel_loop3A_382, %parallel_loop3A_383 : vector<16xf32>
        %parallel_loop3A_385 = arith.maximumf %parallel_loop3A_384, %parallel_loop3A_381 : vector<16xf32>
        %parallel_loop3A_386 = arith.maximumf %parallel_loop3A_293, %parallel_loop3A_385 : vector<16xf32>
        %parallel_loop3A_387 = arith.minimumf %parallel_loop3A_293, %parallel_loop3A_385 : vector<16xf32>
        %parallel_loop3A_388 = arith.maximumf %parallel_loop3A_294, %parallel_loop3A_387 : vector<16xf32>
        %parallel_loop3A_389 = arith.minimumf %parallel_loop3A_294, %parallel_loop3A_387 : vector<16xf32>
        %parallel_loop3A_390 = arith.maximumf %parallel_loop3A_295, %parallel_loop3A_389 : vector<16xf32>
        %parallel_loop3A_391 = arith.minimumf %parallel_loop3A_295, %parallel_loop3A_389 : vector<16xf32>
        %parallel_loop3A_392 = arith.constant 16 : i32
        %parallel_loop3A_393 = arith.muli %parallel_loop3A_292, %parallel_loop3A_392 : i32
        %parallel_loop3A_394 = arith.index_cast %parallel_loop3A_393 : i32 to index
        %parallel_loop3A_395 = tpu.vector_load %arg5[%parallel_loop3A_394] {strides = array<i32>} : memref<10000xf32, #tpu.memory_space<vmem>>, vector<16xf32>,
        tpu.vector_store %arg5[%parallel_loop3A_394], %parallel_loop3A_385 {strides = array<i32>} : memref<10000xf32, #tpu.memory_space<vmem>>, vector<16xf32>,
        %parallel_loop3A_396 = arith.maximumf %parallel_loop3A_296, %parallel_loop3A_391 : vector<16xf32>
        scf.yield %parallel_loop3A_386, %parallel_loop3A_388, %parallel_loop3A_390, %parallel_loop3A_396 : vector<16xf32>, vector<16xf32>, vector<16xf32>, vector<16xf32>
      } {sc.loop_unroll_factor = 2 : i64, sc.parallel_access}
      %sort3A = arith.constant dense<true> : vector<16xi1>
      %sort3A_16, %sort3A_17, %sort3A_18 = tpu.sort %parallel_loop3A_15#0, %parallel_loop3A_15#0 masked %sort3A : (vector<16xf32>, vector<16xf32>, vector<16xi1>) -> (vector<16xi1>, vector<16xf32>, vector<16xf32>)
      %rev3A = arith.constant 15 : i32
      %rev3A_19 = vector.broadcast %rev3A : i32 to vector<16xi32>
      %rev3A_20 = tpu.iota {dimensions = array<i32: 0>} : vector<16xi32>
      %rev3A_21 = arith.subi %rev3A_19, %rev3A_20 : vector<16xi32>
      %rev3A_22 = tpu.dynamic_gather %sort3A_17[%rev3A_21] in [0] : vector<16xf32>, vector<16xi32> -> vector<16xf32>
      %sort3A_23 = arith.constant dense<true> : vector<16xi1>
      %sort3A_24, %sort3A_25, %sort3A_26 = tpu.sort %parallel_loop3A_15#1, %parallel_loop3A_15#1 masked %sort3A_23 : (vector<16xf32>, vector<16xf32>, vector<16xi1>) -> (vector<16xi1>, vector<16xf32>, vector<16xf32>)
      %rev3A_27 = arith.constant 15 : i32
      %rev3A_28 = vector.broadcast %rev3A_27 : i32 to vector<16xi32>
      %rev3A_29 = tpu.iota {dimensions = array<i32: 0>} : vector<16xi32>
      %rev3A_30 = arith.subi %rev3A_28, %rev3A_29 : vector<16xi32>
      %rev3A_31 = tpu.dynamic_gather %sort3A_25[%rev3A_30] in [0] : vector<16xf32>, vector<16xi32> -> vector<16xf32>
      %sort3A_32 = arith.constant dense<true> : vector<16xi1>
      %sort3A_33, %sort3A_34, %sort3A_35 = tpu.sort %parallel_loop3A_15#2, %parallel_loop3A_15#2 masked %sort3A_32 : (vector<16xf32>, vector<16xf32>, vector<16xi1>) -> (vector<16xi1>, vector<16xf32>, vector<16xf32>)
      %rev3A_36 = arith.constant 15 : i32
      %rev3A_37 = vector.broadcast %rev3A_36 : i32 to vector<16xi32>
      %rev3A_38 = tpu.iota {dimensions = array<i32: 0>} : vector<16xi32>
      %rev3A_39 = arith.subi %rev3A_37, %rev3A_38 : vector<16xi32>
      %rev3A_40 = tpu.dynamic_gather %sort3A_34[%rev3A_39] in [0] : vector<16xf32>, vector<16xi32> -> vector<16xf32>
      %sort3A_41 = arith.constant dense<true> : vector<16xi1>
      %sort3A_42, %sort3A_43, %sort3A_44 = tpu.sort %parallel_loop3A_15#3, %parallel_loop3A_15#3 masked %sort3A_41 : (vector<16xf32>, vector<16xf32>, vector<16xi1>) -> (vector<16xi1>, vector<16xf32>, vector<16xf32>)
      %rev3A_45 = arith.constant 15 : i32
      %rev3A_46 = vector.broadcast %rev3A_45 : i32 to vector<16xi32>
      %rev3A_47 = tpu.iota {dimensions = array<i32: 0>} : vector<16xi32>
      %rev3A_48 = arith.subi %rev3A_46, %rev3A_47 : vector<16xi32>
      %rev3A_49 = tpu.dynamic_gather %sort3A_43[%rev3A_48] in [0] : vector<16xf32>, vector<16xi32> -> vector<16xf32>
      %rev3A_50 = arith.constant 15 : i32
      %rev3A_51 = vector.broadcast %rev3A_50 : i32 to vector<16xi32>
      %rev3A_52 = tpu.iota {dimensions = array<i32: 0>} : vector<16xi32>
      %rev3A_53 = arith.subi %rev3A_51, %rev3A_52 : vector<16xi32>
      %rev3A_54 = tpu.dynamic_gather %rev3A_31[%rev3A_53] in [0] : vector<16xf32>, vector<16xi32> -> vector<16xf32>
      %max3A = arith.maximumf %rev3A_22, %rev3A_54 : vector<16xf32>
      %sort3A_55 = arith.constant dense<true> : vector<16xi1>
      %sort3A_56, %sort3A_57, %sort3A_58 = tpu.sort %max3A, %max3A masked %sort3A_55 : (vector<16xf32>, vector<16xf32>, vector<16xi1>) -> (vector<16xi1>, vector<16xf32>, vector<16xf32>)
      %rev3A_59 = arith.constant 15 : i32
      %rev3A_60 = vector.broadcast %rev3A_59 : i32 to vector<16xi32>
      %rev3A_61 = tpu.iota {dimensions = array<i32: 0>} : vector<16xi32>
      %rev3A_62 = arith.subi %rev3A_60, %rev3A_61 : vector<16xi32>
      %rev3A_63 = tpu.dynamic_gather %sort3A_57[%rev3A_62] in [0] : vector<16xf32>, vector<16xi32> -> vector<16xf32>
      %rev3A_64 = arith.constant 15 : i32
      %rev3A_65 = vector.broadcast %rev3A_64 : i32 to vector<16xi32>
      %rev3A_66 = tpu.iota {dimensions = array<i32: 0>} : vector<16xi32>
      %rev3A_67 = arith.subi %rev3A_65, %rev3A_66 : vector<16xi32>
      %rev3A_68 = tpu.dynamic_gather %rev3A_31[%rev3A_67] in [0] : vector<16xf32>, vector<16xi32> -> vector<16xf32>
      %min3A = arith.minimumf %rev3A_22, %rev3A_68 : vector<16xf32>
      %sort3A_69 = arith.constant dense<true> : vector<16xi1>
      %sort3A_70, %sort3A_71, %sort3A_72 = tpu.sort %min3A, %min3A masked %sort3A_69 : (vector<16xf32>, vector<16xf32>, vector<16xi1>) -> (vector<16xi1>, vector<16xf32>, vector<16xf32>)
      %rev3A_73 = arith.constant 15 : i32
      %rev3A_74 = vector.broadcast %rev3A_73 : i32 to vector<16xi32>
      %rev3A_75 = tpu.iota {dimensions = array<i32: 0>} : vector<16xi32>
      %rev3A_76 = arith.subi %rev3A_74, %rev3A_75 : vector<16xi32>
      %rev3A_77 = tpu.dynamic_gather %sort3A_71[%rev3A_76] in [0] : vector<16xf32>, vector<16xi32> -> vector<16xf32>
      %rev3A_78 = arith.constant 15 : i32
      %rev3A_79 = vector.broadcast %rev3A_78 : i32 to vector<16xi32>
      %rev3A_80 = tpu.iota {dimensions = array<i32: 0>} : vector<16xi32>
      %rev3A_81 = arith.subi %rev3A_79, %rev3A_80 : vector<16xi32>
      %rev3A_82 = tpu.dynamic_gather %rev3A_40[%rev3A_81] in [0] : vector<16xf32>, vector<16xi32> -> vector<16xf32>
      %max3A_83 = arith.maximumf %rev3A_77, %rev3A_82 : vector<16xf32>
      %sort3A_84 = arith.constant dense<true> : vector<16xi1>
      %sort3A_85, %sort3A_86, %sort3A_87 = tpu.sort %max3A_83, %max3A_83 masked %sort3A_84 : (vector<16xf32>, vector<16xf32>, vector<16xi1>) -> (vector<16xi1>, vector<16xf32>, vector<16xf32>)
      %rev3A_88 = arith.constant 15 : i32
      %rev3A_89 = vector.broadcast %rev3A_88 : i32 to vector<16xi32>
      %rev3A_90 = tpu.iota {dimensions = array<i32: 0>} : vector<16xi32>
      %rev3A_91 = arith.subi %rev3A_89, %rev3A_90 : vector<16xi32>
      %rev3A_92 = tpu.dynamic_gather %sort3A_86[%rev3A_91] in [0] : vector<16xf32>, vector<16xi32> -> vector<16xf32>
      %rev3A_93 = arith.constant 15 : i32
      %rev3A_94 = vector.broadcast %rev3A_93 : i32 to vector<16xi32>
      %rev3A_95 = tpu.iota {dimensions = array<i32: 0>} : vector<16xi32>
      %rev3A_96 = arith.subi %rev3A_94, %rev3A_95 : vector<16xi32>
      %rev3A_97 = tpu.dynamic_gather %rev3A_92[%rev3A_96] in [0] : vector<16xf32>, vector<16xi32> -> vector<16xf32>
      %max3A_98 = arith.maximumf %rev3A_63, %rev3A_97 : vector<16xf32>
      %rev3A_99 = arith.constant 15 : i32
      %rev3A_100 = vector.broadcast %rev3A_99 : i32 to vector<16xi32>
      %rev3A_101 = tpu.iota {dimensions = array<i32: 0>} : vector<16xi32>
      %rev3A_102 = arith.subi %rev3A_100, %rev3A_101 : vector<16xi32>
      %rev3A_103 = tpu.dynamic_gather %rev3A_92[%rev3A_102] in [0] : vector<16xf32>, vector<16xi32> -> vector<16xf32>
      %min3A_104 = arith.minimumf %rev3A_63, %rev3A_103 : vector<16xf32>
      %sort3A_105 = arith.constant dense<true> : vector<16xi1>
      %sort3A_106, %sort3A_107, %sort3A_108 = tpu.sort %max3A_98, %max3A_98 masked %sort3A_105 : (vector<16xf32>, vector<16xf32>, vector<16xi1>) -> (vector<16xi1>, vector<16xf32>, vector<16xf32>)
      %rev3A_109 = arith.constant 15 : i32
      %rev3A_110 = vector.broadcast %rev3A_109 : i32 to vector<16xi32>
      %rev3A_111 = tpu.iota {dimensions = array<i32: 0>} : vector<16xi32>
      %rev3A_112 = arith.subi %rev3A_110, %rev3A_111 : vector<16xi32>
      %rev3A_113 = tpu.dynamic_gather %sort3A_107[%rev3A_112] in [0] : vector<16xf32>, vector<16xi32> -> vector<16xf32>
      %sort3A_114 = arith.constant dense<true> : vector<16xi1>
      %sort3A_115, %sort3A_116, %sort3A_117 = tpu.sort %min3A_104, %min3A_104 masked %sort3A_114 : (vector<16xf32>, vector<16xf32>, vector<16xi1>) -> (vector<16xi1>, vector<16xf32>, vector<16xf32>)
      %rev3A_118 = arith.constant 15 : i32
      %rev3A_119 = vector.broadcast %rev3A_118 : i32 to vector<16xi32>
      %rev3A_120 = tpu.iota {dimensions = array<i32: 0>} : vector<16xi32>
      %rev3A_121 = arith.subi %rev3A_119, %rev3A_120 : vector<16xi32>
      %rev3A_122 = tpu.dynamic_gather %sort3A_116[%rev3A_121] in [0] : vector<16xf32>, vector<16xi32> -> vector<16xf32>
      %rev3A_123 = arith.constant 15 : i32
      %rev3A_124 = vector.broadcast %rev3A_123 : i32 to vector<16xi32>
      %rev3A_125 = tpu.iota {dimensions = array<i32: 0>} : vector<16xi32>
      %rev3A_126 = arith.subi %rev3A_124, %rev3A_125 : vector<16xi32>
      %rev3A_127 = tpu.dynamic_gather %rev3A_49[%rev3A_126] in [0] : vector<16xf32>, vector<16xi32> -> vector<16xf32>
      %max3A_128 = arith.maximumf %rev3A_122, %rev3A_127 : vector<16xf32>
      %sort3A_129 = arith.constant dense<true> : vector<16xi1>
      %sort3A_130, %sort3A_131, %sort3A_132 = tpu.sort %max3A_128, %max3A_128 masked %sort3A_129 : (vector<16xf32>, vector<16xf32>, vector<16xi1>) -> (vector<16xi1>, vector<16xf32>, vector<16xf32>)
      %rev3A_133 = arith.constant 15 : i32
      %rev3A_134 = vector.broadcast %rev3A_133 : i32 to vector<16xi32>
      %rev3A_135 = tpu.iota {dimensions = array<i32: 0>} : vector<16xi32>
      %rev3A_136 = arith.subi %rev3A_134, %rev3A_135 : vector<16xi32>
      %rev3A_137 = tpu.dynamic_gather %sort3A_131[%rev3A_136] in [0] : vector<16xf32>, vector<16xi32> -> vector<16xf32>
      %rev3A_138 = arith.constant 15 : i32
      %rev3A_139 = vector.broadcast %rev3A_138 : i32 to vector<16xi32>
      %rev3A_140 = tpu.iota {dimensions = array<i32: 0>} : vector<16xi32>
      %rev3A_141 = arith.subi %rev3A_139, %rev3A_140 : vector<16xi32>
      %rev3A_142 = tpu.dynamic_gather %rev3A_137[%rev3A_141] in [0] : vector<16xf32>, vector<16xi32> -> vector<16xf32>
      %max3A_143 = arith.maximumf %rev3A_113, %rev3A_142 : vector<16xf32>
      %rev3A_144 = arith.constant 15 : i32
      %rev3A_145 = vector.broadcast %rev3A_144 : i32 to vector<16xi32>
      %rev3A_146 = tpu.iota {dimensions = array<i32: 0>} : vector<16xi32>
      %rev3A_147 = arith.subi %rev3A_145, %rev3A_146 : vector<16xi32>
      %rev3A_148 = tpu.dynamic_gather %rev3A_137[%rev3A_147] in [0] : vector<16xf32>, vector<16xi32> -> vector<16xf32>
      %min3A_149 = arith.minimumf %rev3A_113, %rev3A_148 : vector<16xf32>
      %sort3A_150 = arith.constant dense<true> : vector<16xi1>
      %sort3A_151, %sort3A_152, %sort3A_153 = tpu.sort %max3A_143, %max3A_143 masked %sort3A_150 : (vector<16xf32>, vector<16xf32>, vector<16xi1>) -> (vector<16xi1>, vector<16xf32>, vector<16xf32>)
      %rev3A_154 = arith.constant 15 : i32
      %rev3A_155 = vector.broadcast %rev3A_154 : i32 to vector<16xi32>
      %rev3A_156 = tpu.iota {dimensions = array<i32: 0>} : vector<16xi32>
      %rev3A_157 = arith.subi %rev3A_155, %rev3A_156 : vector<16xi32>
      %rev3A_158 = tpu.dynamic_gather %sort3A_152[%rev3A_157] in [0] : vector<16xf32>, vector<16xi32> -> vector<16xf32>
      %sort3A_159 = arith.constant dense<true> : vector<16xi1>
      %sort3A_160, %sort3A_161, %sort3A_162 = tpu.sort %min3A_149, %min3A_149 masked %sort3A_159 : (vector<16xf32>, vector<16xf32>, vector<16xi1>) -> (vector<16xi1>, vector<16xf32>, vector<16xf32>)
      %rev3A_163 = arith.constant 15 : i32
      %rev3A_164 = vector.broadcast %rev3A_163 : i32 to vector<16xi32>
      %rev3A_165 = tpu.iota {dimensions = array<i32: 0>} : vector<16xi32>
      %rev3A_166 = arith.subi %rev3A_164, %rev3A_165 : vector<16xi32>
      %rev3A_167 = tpu.dynamic_gather %sort3A_161[%rev3A_166] in [0] : vector<16xf32>, vector<16xi32> -> vector<16xf32>
      %broadcast_in_dim3A_168 = arith.constant 15 : i32
      %broadcast_in_dim3A_169 = vector.broadcast %broadcast_in_dim3A_168 : i32 to vector<16x1xi32>
      %gather3A = vector.shape_cast %broadcast_in_dim3A_169 : vector<16x1xi32> to vector<16xi32>
      %gather3A_170 = tpu.dynamic_gather %rev3A_167[%gather3A] in [0] : vector<16xf32>, vector<16xi32> -> vector<16xf32>
      %swap3A = arith.constant 0 : i32
      %swap3A_171 = arith.constant 0 : i32
      %swap3A_172 = arith.index_cast %swap3A_171 : i32 to index
      %swap3A_173 = memref.load %arg9[%swap3A_172] : memref<2xi32, #tpu.memory_space<smem>>
      memref.store %swap3A, %arg9[%swap3A_172] : memref<2xi32, #tpu.memory_space<smem>>
      %iota3A = tpu.iota {dimensions = array<i32: 0>} : vector<16xi32>
      %scan3A_174 = arith.constant 0 : i32
      %scan3A_175 = arith.constant 0 : i32
      %scan3A_176 = arith.constant 156 : i32
      %scan3A_177 = arith.addi %scan3A_175, %scan3A_176 : i32
      %scan3A_178 = arith.constant 1 : i32
      %scan3A_179 = scf.for %scan3A_292 = %scan3A_175 to %scan3A_177 step %scan3A_178 iter_args(%scan3A_293 = %scan3A_174) -> (i32)  : i32 {
        %mul3A_294 = arith.constant 4 : i32
        %mul3A_295 = arith.muli %scan3A_292, %mul3A_294 : i32
        %mul3A_296 = arith.constant 16 : i32
        %mul3A_297 = arith.muli %mul3A_295, %mul3A_296 : i32
        %get3A_298 = arith.index_cast %mul3A_297 : i32 to index
        %get3A_299 = tpu.vector_load %arg5[%get3A_298] {strides = array<i32>} : memref<10000xf32, #tpu.memory_space<vmem>>, vector<16xf32>,
        %add3A_300 = arith.constant 1 : i32
        %add3A_301 = arith.addi %mul3A_295, %add3A_300 : i32
        %mul3A_302 = arith.constant 16 : i32
        %mul3A_303 = arith.muli %add3A_301, %mul3A_302 : i32
        %get3A_304 = arith.index_cast %mul3A_303 : i32 to index
        %get3A_305 = tpu.vector_load %arg5[%get3A_304] {strides = array<i32>} : memref<10000xf32, #tpu.memory_space<vmem>>, vector<16xf32>,
        %add3A_306 = arith.constant 2 : i32
        %add3A_307 = arith.addi %mul3A_295, %add3A_306 : i32
        %mul3A_308 = arith.constant 16 : i32
        %mul3A_309 = arith.muli %add3A_307, %mul3A_308 : i32
        %get3A_310 = arith.index_cast %mul3A_309 : i32 to index
        %get3A_311 = tpu.vector_load %arg5[%get3A_310] {strides = array<i32>} : memref<10000xf32, #tpu.memory_space<vmem>>, vector<16xf32>,
        %add3A_312 = arith.constant 3 : i32
        %add3A_313 = arith.addi %mul3A_295, %add3A_312 : i32
        %mul3A_314 = arith.constant 16 : i32
        %mul3A_315 = arith.muli %add3A_313, %mul3A_314 : i32
        %get3A_316 = arith.index_cast %mul3A_315 : i32 to index
        %get3A_317 = tpu.vector_load %arg5[%get3A_316] {strides = array<i32>} : memref<10000xf32, #tpu.memory_space<vmem>>, vector<16xf32>,
        %max3A_318 = arith.maximumf %get3A_299, %get3A_305 : vector<16xf32>
        %max3A_319 = arith.maximumf %get3A_311, %get3A_317 : vector<16xf32>
        %max3A_320 = arith.maximumf %max3A_318, %max3A_319 : vector<16xf32>
        %ge3A_321 = arith.cmpf oge, %max3A_320, %gather3A_170 : vector<16xf32>
        %all_reduce_population_count3A_322 = tpu.all_reduce %ge3A_321 {dim = 0 : i64, kind = #tpu.reduction_kind<sum>} : vector<16xi1> -> vector<16xi32>
        %slice3A_323 = vector.extract_strided_slice %all_reduce_population_count3A_322 {offsets = [0], sizes = [1], strides = [1]} : vector<16xi32> to vector<1xi32>
        %squeeze3A_324 = vector.extract %slice3A_323[0] : i32 from vector<1xi32>
        %gt3A = arith.constant 0 : i32
        %gt3A_325 = arith.cmpi sgt, %squeeze3A_324, %gt3A : i32
        %convert_element_type3A = arith.extui %gt3A_325 : i1 to i32
        %cond3A = arith.constant 0 : i32
        %cond3A_326 = arith.constant 0 : i32
        %cond3A_327 = arith.cmpi ne, %convert_element_type3A, %cond3A_326 : i32
        %cond3A_328 = scf.if %cond3A_327 -> (i32) {
          %add3A_329 = arith.constant 0 : i32
          %add3A_330 = arith.addi %mul3A_295, %add3A_329 : i32
          %mul3A_331 = arith.constant 16 : i32
          %mul3A_332 = arith.muli %add3A_330, %mul3A_331 : i32
          %get3A_333 = arith.index_cast %mul3A_332 : i32 to index
          %get3A_334 = tpu.vector_load %arg5[%get3A_333] {strides = array<i32>} : memref<10000xf32, #tpu.memory_space<vmem>>, vector<16xf32>,
          %ge3A_335 = arith.cmpf oge, %get3A_334, %gather3A_170 : vector<16xf32>
          %mul3A_336 = arith.constant 16 : i32
          %mul3A_337 = arith.muli %add3A_330, %mul3A_336 : i32
          %add3A_338 = vector.broadcast %mul3A_337 : i32 to vector<16xi32>
          %add3A_339 = arith.addi %add3A_338, %iota3A : vector<16xi32>
          %get3A_340 = arith.constant 0 : i32
          %get3A_341 = arith.index_cast %get3A_340 : i32 to index
          %get3A_342 = memref.load %arg9[%get3A_341] : memref<2xi32, #tpu.memory_space<smem>>
          %swap3A_343 = arith.index_cast %get3A_342 : i32 to index
          %swap3A_344 = tpu.vector_load %arg6[%swap3A_343] masked %ge3A_335 {strides = array<i32>} : memref<10032xi32, #tpu.memory_space<vmem>>, vector<16xi32>, vector<16xi1>
          tpu.vector_store %arg6[%swap3A_343], %add3A_339 masked %ge3A_335 {strides = array<i32>} : memref<10032xi32, #tpu.memory_space<vmem>>, vector<16xi32>, vector<16xi1>
          %all_reduce_population_count3A_345 = tpu.all_reduce %ge3A_335 {dim = 0 : i64, kind = #tpu.reduction_kind<sum>} : vector<16xi1> -> vector<16xi32>
          %slice3A_346 = vector.extract_strided_slice %all_reduce_population_count3A_345 {offsets = [0], sizes = [1], strides = [1]} : vector<16xi32> to vector<1xi32>
          %squeeze3A_347 = vector.extract %slice3A_346[0] : i32 from vector<1xi32>
          %add3A_348 = arith.addi %get3A_342, %squeeze3A_347 : i32
          %swap3A_349 = arith.constant 0 : i32
          %swap3A_350 = arith.index_cast %swap3A_349 : i32 to index
          %swap3A_351 = memref.load %arg9[%swap3A_350] : memref<2xi32, #tpu.memory_space<smem>>
          memref.store %add3A_348, %arg9[%swap3A_350] : memref<2xi32, #tpu.memory_space<smem>>
          %add3A_352 = arith.constant 1 : i32
          %add3A_353 = arith.addi %mul3A_295, %add3A_352 : i32
          %mul3A_354 = arith.constant 16 : i32
          %mul3A_355 = arith.muli %add3A_353, %mul3A_354 : i32
          %get3A_356 = arith.index_cast %mul3A_355 : i32 to index
          %get3A_357 = tpu.vector_load %arg5[%get3A_356] {strides = array<i32>} : memref<10000xf32, #tpu.memory_space<vmem>>, vector<16xf32>,
          %ge3A_358 = arith.cmpf oge, %get3A_357, %gather3A_170 : vector<16xf32>
          %mul3A_359 = arith.constant 16 : i32
          %mul3A_360 = arith.muli %add3A_353, %mul3A_359 : i32
          %add3A_361 = vector.broadcast %mul3A_360 : i32 to vector<16xi32>
          %add3A_362 = arith.addi %add3A_361, %iota3A : vector<16xi32>
          %get3A_363 = arith.constant 0 : i32
          %get3A_364 = arith.index_cast %get3A_363 : i32 to index
          %get3A_365 = memref.load %arg9[%get3A_364] : memref<2xi32, #tpu.memory_space<smem>>
          %swap3A_366 = arith.index_cast %get3A_365 : i32 to index
          %swap3A_367 = tpu.vector_load %arg6[%swap3A_366] masked %ge3A_358 {strides = array<i32>} : memref<10032xi32, #tpu.memory_space<vmem>>, vector<16xi32>, vector<16xi1>
          tpu.vector_store %arg6[%swap3A_366], %add3A_362 masked %ge3A_358 {strides = array<i32>} : memref<10032xi32, #tpu.memory_space<vmem>>, vector<16xi32>, vector<16xi1>
          %all_reduce_population_count3A_368 = tpu.all_reduce %ge3A_358 {dim = 0 : i64, kind = #tpu.reduction_kind<sum>} : vector<16xi1> -> vector<16xi32>
          %slice3A_369 = vector.extract_strided_slice %all_reduce_population_count3A_368 {offsets = [0], sizes = [1], strides = [1]} : vector<16xi32> to vector<1xi32>
          %squeeze3A_370 = vector.extract %slice3A_369[0] : i32 from vector<1xi32>
          %add3A_371 = arith.addi %get3A_365, %squeeze3A_370 : i32
          %swap3A_372 = arith.constant 0 : i32
          %swap3A_373 = arith.index_cast %swap3A_372 : i32 to index
          %swap3A_374 = memref.load %arg9[%swap3A_373] : memref<2xi32, #tpu.memory_space<smem>>
          memref.store %add3A_371, %arg9[%swap3A_373] : memref<2xi32, #tpu.memory_space<smem>>
          %add3A_375 = arith.constant 2 : i32
          %add3A_376 = arith.addi %mul3A_295, %add3A_375 : i32
          %mul3A_377 = arith.constant 16 : i32
          %mul3A_378 = arith.muli %add3A_376, %mul3A_377 : i32
          %get3A_379 = arith.index_cast %mul3A_378 : i32 to index
          %get3A_380 = tpu.vector_load %arg5[%get3A_379] {strides = array<i32>} : memref<10000xf32, #tpu.memory_space<vmem>>, vector<16xf32>,
          %ge3A_381 = arith.cmpf oge, %get3A_380, %gather3A_170 : vector<16xf32>
          %mul3A_382 = arith.constant 16 : i32
          %mul3A_383 = arith.muli %add3A_376, %mul3A_382 : i32
          %add3A_384 = vector.broadcast %mul3A_383 : i32 to vector<16xi32>
          %add3A_385 = arith.addi %add3A_384, %iota3A : vector<16xi32>
          %get3A_386 = arith.constant 0 : i32
          %get3A_387 = arith.index_cast %get3A_386 : i32 to index
          %get3A_388 = memref.load %arg9[%get3A_387] : memref<2xi32, #tpu.memory_space<smem>>
          %swap3A_389 = arith.index_cast %get3A_388 : i32 to index
          %swap3A_390 = tpu.vector_load %arg6[%swap3A_389] masked %ge3A_381 {strides = array<i32>} : memref<10032xi32, #tpu.memory_space<vmem>>, vector<16xi32>, vector<16xi1>
          tpu.vector_store %arg6[%swap3A_389], %add3A_385 masked %ge3A_381 {strides = array<i32>} : memref<10032xi32, #tpu.memory_space<vmem>>, vector<16xi32>, vector<16xi1>
          %all_reduce_population_count3A_391 = tpu.all_reduce %ge3A_381 {dim = 0 : i64, kind = #tpu.reduction_kind<sum>} : vector<16xi1> -> vector<16xi32>
          %slice3A_392 = vector.extract_strided_slice %all_reduce_population_count3A_391 {offsets = [0], sizes = [1], strides = [1]} : vector<16xi32> to vector<1xi32>
          %squeeze3A_393 = vector.extract %slice3A_392[0] : i32 from vector<1xi32>
          %add3A_394 = arith.addi %get3A_388, %squeeze3A_393 : i32
          %swap3A_395 = arith.constant 0 : i32
          %swap3A_396 = arith.index_cast %swap3A_395 : i32 to index
          %swap3A_397 = memref.load %arg9[%swap3A_396] : memref<2xi32, #tpu.memory_space<smem>>
          memref.store %add3A_394, %arg9[%swap3A_396] : memref<2xi32, #tpu.memory_space<smem>>
          %add3A_398 = arith.constant 3 : i32
          %add3A_399 = arith.addi %mul3A_295, %add3A_398 : i32
          %mul3A_400 = arith.constant 16 : i32
          %mul3A_401 = arith.muli %add3A_399, %mul3A_400 : i32
          %get3A_402 = arith.index_cast %mul3A_401 : i32 to index
          %get3A_403 = tpu.vector_load %arg5[%get3A_402] {strides = array<i32>} : memref<10000xf32, #tpu.memory_space<vmem>>, vector<16xf32>,
          %ge3A_404 = arith.cmpf oge, %get3A_403, %gather3A_170 : vector<16xf32>
          %mul3A_405 = arith.constant 16 : i32
          %mul3A_406 = arith.muli %add3A_399, %mul3A_405 : i32
          %add3A_407 = vector.broadcast %mul3A_406 : i32 to vector<16xi32>
          %add3A_408 = arith.addi %add3A_407, %iota3A : vector<16xi32>
          %get3A_409 = arith.constant 0 : i32
          %get3A_410 = arith.index_cast %get3A_409 : i32 to index
          %get3A_411 = memref.load %arg9[%get3A_410] : memref<2xi32, #tpu.memory_space<smem>>
          %swap3A_412 = arith.index_cast %get3A_411 : i32 to index
          %swap3A_413 = tpu.vector_load %arg6[%swap3A_412] masked %ge3A_404 {strides = array<i32>} : memref<10032xi32, #tpu.memory_space<vmem>>, vector<16xi32>, vector<16xi1>
          tpu.vector_store %arg6[%swap3A_412], %add3A_408 masked %ge3A_404 {strides = array<i32>} : memref<10032xi32, #tpu.memory_space<vmem>>, vector<16xi32>, vector<16xi1>
          %all_reduce_population_count3A_414 = tpu.all_reduce %ge3A_404 {dim = 0 : i64, kind = #tpu.reduction_kind<sum>} : vector<16xi1> -> vector<16xi32>
          %slice3A_415 = vector.extract_strided_slice %all_reduce_population_count3A_414 {offsets = [0], sizes = [1], strides = [1]} : vector<16xi32> to vector<1xi32>
          %squeeze3A_416 = vector.extract %slice3A_415[0] : i32 from vector<1xi32>
          %add3A_417 = arith.addi %get3A_411, %squeeze3A_416 : i32
          %swap3A_418 = arith.constant 0 : i32
          %swap3A_419 = arith.index_cast %swap3A_418 : i32 to index
          %swap3A_420 = memref.load %arg9[%swap3A_419] : memref<2xi32, #tpu.memory_space<smem>>
          memref.store %add3A_417, %arg9[%swap3A_419] : memref<2xi32, #tpu.memory_space<smem>>
          %cond3A_421 = arith.constant 0 : i32
          scf.yield %cond3A_421 : i32
        } else {
          %cond3A_329 = arith.constant 0 : i32
          scf.yield %cond3A_329 : i32
        }
        scf.yield %cond3A_328 : i32
      }
      %scan3A_180 = arith.constant 156 : i32
      %get3A = arith.constant 9984 : index
      %get3A_181 = tpu.vector_load %arg5[%get3A] {strides = array<i32>} : memref<10000xf32, #tpu.memory_space<vmem>>, vector<16xf32>,
      %ge3A = arith.cmpf oge, %get3A_181, %gather3A_170 : vector<16xf32>
      %add3A_182 = arith.constant 9984 : i32
      %add3A_183 = vector.broadcast %add3A_182 : i32 to vector<16xi32>
      %add3A_184 = arith.addi %add3A_183, %iota3A : vector<16xi32>
      %get3A_185 = arith.constant 0 : i32
      %get3A_186 = arith.index_cast %get3A_185 : i32 to index
      %get3A_187 = memref.load %arg9[%get3A_186] : memref<2xi32, #tpu.memory_space<smem>>
      %swap3A_188 = arith.index_cast %get3A_187 : i32 to index
      %swap3A_189 = tpu.vector_load %arg6[%swap3A_188] masked %ge3A {strides = array<i32>} : memref<10032xi32, #tpu.memory_space<vmem>>, vector<16xi32>, vector<16xi1>
      tpu.vector_store %arg6[%swap3A_188], %add3A_184 masked %ge3A {strides = array<i32>} : memref<10032xi32, #tpu.memory_space<vmem>>, vector<16xi32>, vector<16xi1>
      %all_reduce_population_count3A = tpu.all_reduce %ge3A {dim = 0 : i64, kind = #tpu.reduction_kind<sum>} : vector<16xi1> -> vector<16xi32>
      %slice3A = vector.extract_strided_slice %all_reduce_population_count3A {offsets = [0], sizes = [1], strides = [1]} : vector<16xi32> to vector<1xi32>
      %squeeze3A = vector.extract %slice3A[0] : i32 from vector<1xi32>
      %add3A_190 = arith.addi %get3A_187, %squeeze3A : i32
      %swap3A_191 = arith.constant 0 : i32
      %swap3A_192 = arith.index_cast %swap3A_191 : i32 to index
      %swap3A_193 = memref.load %arg9[%swap3A_192] : memref<2xi32, #tpu.memory_space<smem>>
      memref.store %add3A_190, %arg9[%swap3A_192] : memref<2xi32, #tpu.memory_space<smem>>
      %get3A_194 = arith.constant 0 : i32
      %get3A_195 = arith.index_cast %get3A_194 : i32 to index
      %get3A_196 = memref.load %arg9[%get3A_195] : memref<2xi32, #tpu.memory_space<smem>>
      %broadcast_in_dim3A_197 = arith.constant -1 : i32
      %broadcast_in_dim3A_198 = vector.broadcast %broadcast_in_dim3A_197 : i32 to vector<16xi32>
      %swap3A_199 = arith.index_cast %get3A_196 : i32 to index
      %swap3A_200 = tpu.vector_load %arg6[%swap3A_199] {strides = array<i32>} : memref<10032xi32, #tpu.memory_space<vmem>>, vector<16xi32>,
      tpu.vector_store %arg6[%swap3A_199], %broadcast_in_dim3A_198 {strides = array<i32>} : memref<10032xi32, #tpu.memory_space<vmem>>, vector<16xi32>,
      %lt3A = arith.constant 10 : i32
      %lt3A_201 = vector.broadcast %lt3A : i32 to vector<16xi32>
      %lt3A_202 = arith.cmpi slt, %iota3A, %lt3A_201 : vector<16xi32>
      %swap3A_203 = arith.constant 0 : i32
      %swap3A_204 = arith.constant 1 : i32
      %swap3A_205 = arith.index_cast %swap3A_204 : i32 to index
      %swap3A_206 = memref.load %arg9[%swap3A_205] : memref<2xi32, #tpu.memory_space<smem>>
      memref.store %swap3A_203, %arg9[%swap3A_205] : memref<2xi32, #tpu.memory_space<smem>>
      %add3A_207 = arith.constant 16 : i32
      %add3A_208 = arith.addi %get3A_196, %add3A_207 : i32
      %sub3A = arith.constant 1 : i32
      %sub3A_209 = arith.subi %add3A_208, %sub3A : i32
      %jit3A = arith.constant 16 : i32
      %div3A = arith.divsi %sub3A_209, %jit3A : i32
      %sign3A = arith.constant 0 : i32
      %sign3A_210 = arith.cmpi sgt, %sub3A_209, %sign3A : i32
      %sign3A_211 = arith.extui %sign3A_210 : i1 to i32
      %sign3A_212 = arith.constant 0 : i32
      %sign3A_213 = arith.cmpi slt, %sub3A_209, %sign3A_212 : i32
      %sign3A_214 = arith.extui %sign3A_213 : i1 to i32
      %sign3A_215 = arith.subi %sign3A_211, %sign3A_214 : i32
      %sign3A_216 = arith.constant 0 : i32
      %sign3A_217 = arith.cmpi sgt, %jit3A, %sign3A_216 : i32
      %sign3A_218 = arith.extui %sign3A_217 : i1 to i32
      %sign3A_219 = arith.constant 0 : i32
      %sign3A_220 = arith.cmpi slt, %jit3A, %sign3A_219 : i32
      %sign3A_221 = arith.extui %sign3A_220 : i1 to i32
      %sign3A_222 = arith.subi %sign3A_218, %sign3A_221 : i32
      %ne3A = arith.cmpi ne, %sign3A_215, %sign3A_222 : i32
      %rem3A = arith.remsi %sub3A_209, %jit3A : i32
      %ne3A_223 = arith.constant 0 : i32
      %ne3A_224 = arith.cmpi ne, %rem3A, %ne3A_223 : i32
      %and3A = arith.andi %ne3A, %ne3A_224 : i1
      %sub3A_225 = arith.constant 1 : i32
      %sub3A_226 = arith.subi %div3A, %sub3A_225 : i32
      %select_n3A = arith.select %and3A, %sub3A_226, %div3A : i32
      %while3A = arith.constant 0 : i32
      %while3A_227 = arith.subi %select_n3A, %while3A : i32
      %while3A_228 = arith.addi %while3A, %while3A_227 : i32
      %while3A_229 = arith.constant 1 : i32
      %while3A_230 = arith.divsi %while3A_227, %while3A_229 : i32
      %while3A_231 = arith.muli %while3A_230, %while3A_229 : i32
      %while3A_232 = arith.addi %while3A, %while3A_231 : i32
      %while3A_233 = arith.constant 1 : i32
      %while3A_234:3 = scf.for %while3A_292 = %while3A to %while3A_232 step %while3A_233 iter_args(%while3A_293 = %broadcast_in_dim3A_12, %while3A_294 = %broadcast_in_dim3A_12, %while3A_295 = %gather3A_170) -> (vector<16xf32>, vector<16xf32>, vector<16xf32>)  : i32 {
        %get3A_296 = arith.constant 1 : i32
        %get3A_297 = arith.index_cast %get3A_296 : i32 to index
        %get3A_298 = memref.load %arg9[%get3A_297] : memref<2xi32, #tpu.memory_space<smem>>
        %ge3A_299 = arith.constant 1792 : i32
        %ge3A_300 = arith.cmpi sge, %get3A_298, %ge3A_299 : i32
        %convert_element_type3A = arith.extui %ge3A_300 : i1 to i32
        %cond3A = arith.constant 0 : i32
        %cond3A_301 = arith.cmpi ne, %convert_element_type3A, %cond3A : i32
        %cond3A_302:3 = scf.if %cond3A_301 -> (vector<16xf32>, vector<16xf32>, vector<16xf32>) {
          %get3A_882 = arith.constant 1 : i32
          %get3A_883 = arith.index_cast %get3A_882 : i32 to index
          %get3A_884 = memref.load %arg9[%get3A_883] : memref<2xi32, #tpu.memory_space<smem>>
          %broadcast_in_dim3A_885 = arith.constant 0xFF800000 : f32
          %broadcast_in_dim3A_886 = vector.broadcast %broadcast_in_dim3A_885 : f32 to vector<16xf32>
          %swap3A_887 = arith.index_cast %get3A_884 : i32 to index
          %swap3A_888 = tpu.vector_load %arg7[%swap3A_887] {strides = array<i32>} : memref<2064xf32, #tpu.memory_space<vmem>>, vector<16xf32>,
          tpu.vector_store %arg7[%swap3A_887], %broadcast_in_dim3A_886 {strides = array<i32>} : memref<2064xf32, #tpu.memory_space<vmem>>, vector<16xf32>,
          %add3A_889 = arith.constant 16 : i32
          %add3A_890 = arith.addi %get3A_884, %add3A_889 : i32
          %sub3A_891 = arith.constant 1 : i32
          %sub3A_892 = arith.subi %add3A_890, %sub3A_891 : i32
          %jit3A_893 = arith.constant 16 : i32
          %div3A_894 = arith.divsi %sub3A_892, %jit3A_893 : i32
          %sign3A_895 = arith.constant 0 : i32
          %sign3A_896 = arith.cmpi sgt, %sub3A_892, %sign3A_895 : i32
          %sign3A_897 = arith.extui %sign3A_896 : i1 to i32
          %sign3A_898 = arith.constant 0 : i32
          %sign3A_899 = arith.cmpi slt, %sub3A_892, %sign3A_898 : i32
          %sign3A_900 = arith.extui %sign3A_899 : i1 to i32
          %sign3A_901 = arith.subi %sign3A_897, %sign3A_900 : i32
          %sign3A_902 = arith.constant 0 : i32
          %sign3A_903 = arith.cmpi sgt, %jit3A_893, %sign3A_902 : i32
          %sign3A_904 = arith.extui %sign3A_903 : i1 to i32
          %sign3A_905 = arith.constant 0 : i32
          %sign3A_906 = arith.cmpi slt, %jit3A_893, %sign3A_905 : i32
          %sign3A_907 = arith.extui %sign3A_906 : i1 to i32
          %sign3A_908 = arith.subi %sign3A_904, %sign3A_907 : i32
          %ne3A_909 = arith.cmpi ne, %sign3A_901, %sign3A_908 : i32
          %rem3A_910 = arith.remsi %sub3A_892, %jit3A_893 : i32
          %ne3A_911 = arith.constant 0 : i32
          %ne3A_912 = arith.cmpi ne, %rem3A_910, %ne3A_911 : i32
          %and3A_913 = arith.andi %ne3A_909, %ne3A_912 : i1
          %sub3A_914 = arith.constant 1 : i32
          %sub3A_915 = arith.subi %div3A_894, %sub3A_914 : i32
          %select_n3A_916 = arith.select %and3A_913, %sub3A_915, %div3A_894 : i32
          %while3A_917 = arith.constant 0 : i32
          %while3A_918 = arith.subi %select_n3A_916, %while3A_917 : i32
          %while3A_919 = arith.addi %while3A_917, %while3A_918 : i32
          %while3A_920 = arith.constant 1 : i32
          %while3A_921 = arith.divsi %while3A_918, %while3A_920 : i32
          %while3A_922 = arith.muli %while3A_921, %while3A_920 : i32
          %while3A_923 = arith.addi %while3A_917, %while3A_922 : i32
          %while3A_924 = arith.constant 1 : i32
          %while3A_925:3 = scf.for %while3A_932 = %while3A_917 to %while3A_923 step %while3A_924 iter_args(%while3A_933 = %while3A_293, %while3A_934 = %while3A_294, %while3A_935 = %while3A_295) -> (vector<16xf32>, vector<16xf32>, vector<16xf32>)  : i32 {
            %mul3A_936 = arith.constant 16 : i32
            %mul3A_937 = arith.muli %while3A_932, %mul3A_936 : i32
            %get3A_938 = arith.index_cast %mul3A_937 : i32 to index
            %get3A_939 = tpu.vector_load %arg7[%get3A_938] {strides = array<i32>} : memref<2064xf32, #tpu.memory_space<vmem>>, vector<16xf32>,
            %ge3A_940 = arith.cmpf oge, %get3A_939, %while3A_935 : vector<16xf32>
            %all_reduce_population_count3A_941 = tpu.all_reduce %ge3A_940 {dim = 0 : i64, kind = #tpu.reduction_kind<sum>} : vector<16xi1> -> vector<16xi32>
            %slice3A_942 = vector.extract_strided_slice %all_reduce_population_count3A_941 {offsets = [0], sizes = [1], strides = [1]} : vector<16xi32> to vector<1xi32>
            %squeeze3A_943 = vector.extract %slice3A_942[0] : i32 from vector<1xi32>
            %gt3A = arith.constant 0 : i32
            %gt3A_944 = arith.cmpi sgt, %squeeze3A_943, %gt3A : i32
            %convert_element_type3A_945 = arith.extui %gt3A_944 : i1 to i32
            %cond3A_946 = arith.constant 0 : i32
            %cond3A_947 = arith.cmpi ne, %convert_element_type3A_945, %cond3A_946 : i32
            %cond3A_948:3 = scf.if %cond3A_947 -> (vector<16xf32>, vector<16xf32>, vector<16xf32>) {
              %sort3A_949 = arith.constant dense<true> : vector<16xi1>
              %sort3A_950, %sort3A_951, %sort3A_952 = tpu.sort %get3A_939, %get3A_939 masked %sort3A_949 : (vector<16xf32>, vector<16xf32>, vector<16xi1>) -> (vector<16xi1>, vector<16xf32>, vector<16xf32>)
              %rev3A_953 = arith.constant 15 : i32
              %rev3A_954 = vector.broadcast %rev3A_953 : i32 to vector<16xi32>
              %rev3A_955 = tpu.iota {dimensions = array<i32: 0>} : vector<16xi32>
              %rev3A_956 = arith.subi %rev3A_954, %rev3A_955 : vector<16xi32>
              %rev3A_957 = tpu.dynamic_gather %sort3A_951[%rev3A_956] in [0] : vector<16xf32>, vector<16xi32> -> vector<16xf32>
              %rev3A_958 = arith.constant 15 : i32
              %rev3A_959 = vector.broadcast %rev3A_958 : i32 to vector<16xi32>
              %rev3A_960 = tpu.iota {dimensions = array<i32: 0>} : vector<16xi32>
              %rev3A_961 = arith.subi %rev3A_959, %rev3A_960 : vector<16xi32>
              %rev3A_962 = tpu.dynamic_gather %rev3A_957[%rev3A_961] in [0] : vector<16xf32>, vector<16xi32> -> vector<16xf32>
              %max3A_963 = arith.maximumf %while3A_934, %rev3A_962 : vector<16xf32>
              %sort3A_964 = arith.constant dense<true> : vector<16xi1>
              %sort3A_965, %sort3A_966, %sort3A_967 = tpu.sort %max3A_963, %max3A_963 masked %sort3A_964 : (vector<16xf32>, vector<16xf32>, vector<16xi1>) -> (vector<16xi1>, vector<16xf32>, vector<16xf32>)
              %rev3A_968 = arith.constant 15 : i32
              %rev3A_969 = vector.broadcast %rev3A_968 : i32 to vector<16xi32>
              %rev3A_970 = tpu.iota {dimensions = array<i32: 0>} : vector<16xi32>
              %rev3A_971 = arith.subi %rev3A_969, %rev3A_970 : vector<16xi32>
              %rev3A_972 = tpu.dynamic_gather %sort3A_966[%rev3A_971] in [0] : vector<16xf32>, vector<16xi32> -> vector<16xf32>
              %rev3A_973 = arith.constant 15 : i32
              %rev3A_974 = vector.broadcast %rev3A_973 : i32 to vector<16xi32>
              %rev3A_975 = tpu.iota {dimensions = array<i32: 0>} : vector<16xi32>
              %rev3A_976 = arith.subi %rev3A_974, %rev3A_975 : vector<16xi32>
              %rev3A_977 = tpu.dynamic_gather %rev3A_972[%rev3A_976] in [0] : vector<16xf32>, vector<16xi32> -> vector<16xf32>
              %max3A_978 = arith.maximumf %while3A_933, %rev3A_977 : vector<16xf32>
              %rev3A_979 = arith.constant 15 : i32
              %rev3A_980 = vector.broadcast %rev3A_979 : i32 to vector<16xi32>
              %rev3A_981 = tpu.iota {dimensions = array<i32: 0>} : vector<16xi32>
              %rev3A_982 = arith.subi %rev3A_980, %rev3A_981 : vector<16xi32>
              %rev3A_983 = tpu.dynamic_gather %rev3A_972[%rev3A_982] in [0] : vector<16xf32>, vector<16xi32> -> vector<16xf32>
              %min3A_984 = arith.minimumf %while3A_933, %rev3A_983 : vector<16xf32>
              %sort3A_985 = arith.constant dense<true> : vector<16xi1>
              %sort3A_986, %sort3A_987, %sort3A_988 = tpu.sort %max3A_978, %max3A_978 masked %sort3A_985 : (vector<16xf32>, vector<16xf32>, vector<16xi1>) -> (vector<16xi1>, vector<16xf32>, vector<16xf32>)
              %rev3A_989 = arith.constant 15 : i32
              %rev3A_990 = vector.broadcast %rev3A_989 : i32 to vector<16xi32>
              %rev3A_991 = tpu.iota {dimensions = array<i32: 0>} : vector<16xi32>
              %rev3A_992 = arith.subi %rev3A_990, %rev3A_991 : vector<16xi32>
              %rev3A_993 = tpu.dynamic_gather %sort3A_987[%rev3A_992] in [0] : vector<16xf32>, vector<16xi32> -> vector<16xf32>
              %sort3A_994 = arith.constant dense<true> : vector<16xi1>
              %sort3A_995, %sort3A_996, %sort3A_997 = tpu.sort %min3A_984, %min3A_984 masked %sort3A_994 : (vector<16xf32>, vector<16xf32>, vector<16xi1>) -> (vector<16xi1>, vector<16xf32>, vector<16xf32>)
              %rev3A_998 = arith.constant 15 : i32
              %rev3A_999 = vector.broadcast %rev3A_998 : i32 to vector<16xi32>
              %rev3A_1000 = tpu.iota {dimensions = array<i32: 0>} : vector<16xi32>
              %rev3A_1001 = arith.subi %rev3A_999, %rev3A_1000 : vector<16xi32>
              %rev3A_1002 = tpu.dynamic_gather %sort3A_996[%rev3A_1001] in [0] : vector<16xf32>, vector<16xi32> -> vector<16xf32>
              %broadcast_in_dim3A_1003 = arith.constant 15 : i32
              %broadcast_in_dim3A_1004 = vector.broadcast %broadcast_in_dim3A_1003 : i32 to vector<16x1xi32>
              %gather3A_1005 = vector.shape_cast %broadcast_in_dim3A_1004 : vector<16x1xi32> to vector<16xi32>
              %gather3A_1006 = tpu.dynamic_gather %rev3A_1002[%gather3A_1005] in [0] : vector<16xf32>, vector<16xi32> -> vector<16xf32>
              %max3A_1007 = arith.maximumf %while3A_935, %gather3A_1006 : vector<16xf32>
              scf.yield %rev3A_993, %rev3A_1002, %max3A_1007 : vector<16xf32>, vector<16xf32>, vector<16xf32>
            } else {
              scf.yield %while3A_933, %while3A_934, %while3A_935 : vector<16xf32>, vector<16xf32>, vector<16xf32>
            }
            scf.yield %cond3A_948#0, %cond3A_948#1, %cond3A_948#2 : vector<16xf32>, vector<16xf32>, vector<16xf32>
          }
          %while3A_926 = arith.constant 1 : i32
          %while3A_927:3 = scf.for %while3A_932 = %while3A_923 to %while3A_919 step %while3A_926 iter_args(%while3A_933 = %while3A_925#0, %while3A_934 = %while3A_925#1, %while3A_935 = %while3A_925#2) -> (vector<16xf32>, vector<16xf32>, vector<16xf32>)  : i32 {
            %mul3A_936 = arith.constant 16 : i32
            %mul3A_937 = arith.muli %while3A_932, %mul3A_936 : i32
            %get3A_938 = arith.index_cast %mul3A_937 : i32 to index
            %get3A_939 = tpu.vector_load %arg7[%get3A_938] {strides = array<i32>} : memref<2064xf32, #tpu.memory_space<vmem>>, vector<16xf32>,
            %ge3A_940 = arith.cmpf oge, %get3A_939, %while3A_935 : vector<16xf32>
            %all_reduce_population_count3A_941 = tpu.all_reduce %ge3A_940 {dim = 0 : i64, kind = #tpu.reduction_kind<sum>} : vector<16xi1> -> vector<16xi32>
            %slice3A_942 = vector.extract_strided_slice %all_reduce_population_count3A_941 {offsets = [0], sizes = [1], strides = [1]} : vector<16xi32> to vector<1xi32>
            %squeeze3A_943 = vector.extract %slice3A_942[0] : i32 from vector<1xi32>
            %gt3A = arith.constant 0 : i32
            %gt3A_944 = arith.cmpi sgt, %squeeze3A_943, %gt3A : i32
            %convert_element_type3A_945 = arith.extui %gt3A_944 : i1 to i32
            %cond3A_946 = arith.constant 0 : i32
            %cond3A_947 = arith.cmpi ne, %convert_element_type3A_945, %cond3A_946 : i32
            %cond3A_948:3 = scf.if %cond3A_947 -> (vector<16xf32>, vector<16xf32>, vector<16xf32>) {
              %sort3A_949 = arith.constant dense<true> : vector<16xi1>
              %sort3A_950, %sort3A_951, %sort3A_952 = tpu.sort %get3A_939, %get3A_939 masked %sort3A_949 : (vector<16xf32>, vector<16xf32>, vector<16xi1>) -> (vector<16xi1>, vector<16xf32>, vector<16xf32>)
              %rev3A_953 = arith.constant 15 : i32
              %rev3A_954 = vector.broadcast %rev3A_953 : i32 to vector<16xi32>
              %rev3A_955 = tpu.iota {dimensions = array<i32: 0>} : vector<16xi32>
              %rev3A_956 = arith.subi %rev3A_954, %rev3A_955 : vector<16xi32>
              %rev3A_957 = tpu.dynamic_gather %sort3A_951[%rev3A_956] in [0] : vector<16xf32>, vector<16xi32> -> vector<16xf32>
              %rev3A_958 = arith.constant 15 : i32
              %rev3A_959 = vector.broadcast %rev3A_958 : i32 to vector<16xi32>
              %rev3A_960 = tpu.iota {dimensions = array<i32: 0>} : vector<16xi32>
              %rev3A_961 = arith.subi %rev3A_959, %rev3A_960 : vector<16xi32>
              %rev3A_962 = tpu.dynamic_gather %rev3A_957[%rev3A_961] in [0] : vector<16xf32>, vector<16xi32> -> vector<16xf32>
              %max3A_963 = arith.maximumf %while3A_934, %rev3A_962 : vector<16xf32>
              %sort3A_964 = arith.constant dense<true> : vector<16xi1>
              %sort3A_965, %sort3A_966, %sort3A_967 = tpu.sort %max3A_963, %max3A_963 masked %sort3A_964 : (vector<16xf32>, vector<16xf32>, vector<16xi1>) -> (vector<16xi1>, vector<16xf32>, vector<16xf32>)
              %rev3A_968 = arith.constant 15 : i32
              %rev3A_969 = vector.broadcast %rev3A_968 : i32 to vector<16xi32>
              %rev3A_970 = tpu.iota {dimensions = array<i32: 0>} : vector<16xi32>
              %rev3A_971 = arith.subi %rev3A_969, %rev3A_970 : vector<16xi32>
              %rev3A_972 = tpu.dynamic_gather %sort3A_966[%rev3A_971] in [0] : vector<16xf32>, vector<16xi32> -> vector<16xf32>
              %rev3A_973 = arith.constant 15 : i32
              %rev3A_974 = vector.broadcast %rev3A_973 : i32 to vector<16xi32>
              %rev3A_975 = tpu.iota {dimensions = array<i32: 0>} : vector<16xi32>
              %rev3A_976 = arith.subi %rev3A_974, %rev3A_975 : vector<16xi32>
              %rev3A_977 = tpu.dynamic_gather %rev3A_972[%rev3A_976] in [0] : vector<16xf32>, vector<16xi32> -> vector<16xf32>
              %max3A_978 = arith.maximumf %while3A_933, %rev3A_977 : vector<16xf32>
              %rev3A_979 = arith.constant 15 : i32
              %rev3A_980 = vector.broadcast %rev3A_979 : i32 to vector<16xi32>
              %rev3A_981 = tpu.iota {dimensions = array<i32: 0>} : vector<16xi32>
              %rev3A_982 = arith.subi %rev3A_980, %rev3A_981 : vector<16xi32>
              %rev3A_983 = tpu.dynamic_gather %rev3A_972[%rev3A_982] in [0] : vector<16xf32>, vector<16xi32> -> vector<16xf32>
              %min3A_984 = arith.minimumf %while3A_933, %rev3A_983 : vector<16xf32>
              %sort3A_985 = arith.constant dense<true> : vector<16xi1>
              %sort3A_986, %sort3A_987, %sort3A_988 = tpu.sort %max3A_978, %max3A_978 masked %sort3A_985 : (vector<16xf32>, vector<16xf32>, vector<16xi1>) -> (vector<16xi1>, vector<16xf32>, vector<16xf32>)
              %rev3A_989 = arith.constant 15 : i32
              %rev3A_990 = vector.broadcast %rev3A_989 : i32 to vector<16xi32>
              %rev3A_991 = tpu.iota {dimensions = array<i32: 0>} : vector<16xi32>
              %rev3A_992 = arith.subi %rev3A_990, %rev3A_991 : vector<16xi32>
              %rev3A_993 = tpu.dynamic_gather %sort3A_987[%rev3A_992] in [0] : vector<16xf32>, vector<16xi32> -> vector<16xf32>
              %sort3A_994 = arith.constant dense<true> : vector<16xi1>
              %sort3A_995, %sort3A_996, %sort3A_997 = tpu.sort %min3A_984, %min3A_984 masked %sort3A_994 : (vector<16xf32>, vector<16xf32>, vector<16xi1>) -> (vector<16xi1>, vector<16xf32>, vector<16xf32>)
              %rev3A_998 = arith.constant 15 : i32
              %rev3A_999 = vector.broadcast %rev3A_998 : i32 to vector<16xi32>
              %rev3A_1000 = tpu.iota {dimensions = array<i32: 0>} : vector<16xi32>
              %rev3A_1001 = arith.subi %rev3A_999, %rev3A_1000 : vector<16xi32>
              %rev3A_1002 = tpu.dynamic_gather %sort3A_996[%rev3A_1001] in [0] : vector<16xf32>, vector<16xi32> -> vector<16xf32>
              %broadcast_in_dim3A_1003 = arith.constant 15 : i32
              %broadcast_in_dim3A_1004 = vector.broadcast %broadcast_in_dim3A_1003 : i32 to vector<16x1xi32>
              %gather3A_1005 = vector.shape_cast %broadcast_in_dim3A_1004 : vector<16x1xi32> to vector<16xi32>
              %gather3A_1006 = tpu.dynamic_gather %rev3A_1002[%gather3A_1005] in [0] : vector<16xf32>, vector<16xi32> -> vector<16xf32>
              %max3A_1007 = arith.maximumf %while3A_935, %gather3A_1006 : vector<16xf32>
              scf.yield %rev3A_993, %rev3A_1002, %max3A_1007 : vector<16xf32>, vector<16xf32>, vector<16xf32>
            } else {
              scf.yield %while3A_933, %while3A_934, %while3A_935 : vector<16xf32>, vector<16xf32>, vector<16xf32>
            }
            scf.yield %cond3A_948#0, %cond3A_948#1, %cond3A_948#2 : vector<16xf32>, vector<16xf32>, vector<16xf32>
          }
          %swap3A_928 = arith.constant 0 : i32
          %swap3A_929 = arith.constant 1 : i32
          %swap3A_930 = arith.index_cast %swap3A_929 : i32 to index
          %swap3A_931 = memref.load %arg9[%swap3A_930] : memref<2xi32, #tpu.memory_space<smem>>
          memref.store %swap3A_928, %arg9[%swap3A_930] : memref<2xi32, #tpu.memory_space<smem>>
          scf.yield %while3A_927#0, %while3A_927#1, %while3A_927#2 : vector<16xf32>, vector<16xf32>, vector<16xf32>
        } else {
          scf.yield %while3A_293, %while3A_294, %while3A_295 : vector<16xf32>, vector<16xf32>, vector<16xf32>
        }
        %mul3A_303 = arith.constant 16 : i32
        %mul3A_304 = arith.muli %while3A_292, %mul3A_303 : i32
        %get3A_305 = arith.index_cast %mul3A_304 : i32 to index
        %get3A_306 = tpu.vector_load %arg6[%get3A_305] {strides = array<i32>} : memref<10032xi32, #tpu.memory_space<vmem>>, vector<16xi32>,
        %slice3A_307 = vector.extract_strided_slice %get3A_306 {offsets = [0], sizes = [1], strides = [1]} : vector<16xi32> to vector<1xi32>
        %squeeze3A_308 = vector.extract %slice3A_307[0] : i32 from vector<1xi32>
        %shift_right_logical3A = arith.constant 4 : i32
        %shift_right_logical3A_309 = arith.shrui %squeeze3A_308, %shift_right_logical3A : i32
        %and3A_310 = arith.constant 15 : i32
        %and3A_311 = arith.andi %squeeze3A_308, %and3A_310 : i32
        %mul3A_312 = arith.constant 160 : i32
        %mul3A_313 = arith.muli %shift_right_logical3A_309, %mul3A_312 : i32
        %add3A_314 = arith.addi %mul3A_313, %and3A_311 : i32
        %ge3A_315 = arith.constant 0 : i32
        %ge3A_316 = arith.cmpi sge, %squeeze3A_308, %ge3A_315 : i32
        %and3A_317 = vector.broadcast %ge3A_316 : i1 to vector<16xi1>
        %and3A_318 = arith.andi %lt3A_202, %and3A_317 : vector<16xi1>
        %mul3A_319 = arith.constant 16 : i32
        %mul3A_320 = vector.broadcast %mul3A_319 : i32 to vector<16xi32>
        %mul3A_321 = arith.muli %iota3A, %mul3A_320 : vector<16xi32>
        %add3A_322 = vector.broadcast %add3A_314 : i32 to vector<16xi32>
        %add3A_323 = arith.addi %add3A_322, %mul3A_321 : vector<16xi32>
        %jit3A_324 = arith.constant 0 : i32
        %broadcast_in_dim3A_325 = vector.broadcast %jit3A_324 : i32 to vector<16xi32>
        %select_n3A_326 = arith.select %and3A_318, %add3A_323, %broadcast_in_dim3A_325 : vector<16xi1>, vector<16xi32>
        %gather3A_327 = tpu.vector_load_idx %arg4[%select_n3A_326] : memref<100000xf32, #tpu.memory_space<vmem>>[vector<16xi32>], vector<16xf32>,
        %ge3A_328 = arith.cmpf oge, %gather3A_327, %gather3A_170 : vector<16xf32>
        %and3A_329 = arith.andi %and3A_318, %ge3A_328 : vector<16xi1>
        %get3A_330 = arith.constant 1 : i32
        %get3A_331 = arith.index_cast %get3A_330 : i32 to index
        %get3A_332 = memref.load %arg9[%get3A_331] : memref<2xi32, #tpu.memory_space<smem>>
        %swap3A_333 = arith.index_cast %get3A_332 : i32 to index
        %swap3A_334 = tpu.vector_load %arg7[%swap3A_333] masked %and3A_329 {strides = array<i32>} : memref<2064xf32, #tpu.memory_space<vmem>>, vector<16xf32>, vector<16xi1>
        tpu.vector_store %arg7[%swap3A_333], %gather3A_327 masked %and3A_329 {strides = array<i32>} : memref<2064xf32, #tpu.memory_space<vmem>>, vector<16xf32>, vector<16xi1>
        %all_reduce_population_count3A_335 = tpu.all_reduce %and3A_329 {dim = 0 : i64, kind = #tpu.reduction_kind<sum>} : vector<16xi1> -> vector<16xi32>
        %slice3A_336 = vector.extract_strided_slice %all_reduce_population_count3A_335 {offsets = [0], sizes = [1], strides = [1]} : vector<16xi32> to vector<1xi32>
        %squeeze3A_337 = vector.extract %slice3A_336[0] : i32 from vector<1xi32>
        %add3A_338 = arith.addi %get3A_332, %squeeze3A_337 : i32
        %swap3A_339 = arith.constant 1 : i32
        %swap3A_340 = arith.index_cast %swap3A_339 : i32 to index
        %swap3A_341 = memref.load %arg9[%swap3A_340] : memref<2xi32, #tpu.memory_space<smem>>
        memref.store %add3A_338, %arg9[%swap3A_340] : memref<2xi32, #tpu.memory_space<smem>>
        %slice3A_342 = vector.extract_strided_slice %get3A_306 {offsets = [1], sizes = [1], strides = [1]} : vector<16xi32> to vector<1xi32>
        %squeeze3A_343 = vector.extract %slice3A_342[0] : i32 from vector<1xi32>
        %shift_right_logical3A_344 = arith.constant 4 : i32
        %shift_right_logical3A_345 = arith.shrui %squeeze3A_343, %shift_right_logical3A_344 : i32
        %and3A_346 = arith.constant 15 : i32
        %and3A_347 = arith.andi %squeeze3A_343, %and3A_346 : i32
        %mul3A_348 = arith.constant 160 : i32
        %mul3A_349 = arith.muli %shift_right_logical3A_345, %mul3A_348 : i32
        %add3A_350 = arith.addi %mul3A_349, %and3A_347 : i32
        %ge3A_351 = arith.constant 0 : i32
        %ge3A_352 = arith.cmpi sge, %squeeze3A_343, %ge3A_351 : i32
        %and3A_353 = vector.broadcast %ge3A_352 : i1 to vector<16xi1>
        %and3A_354 = arith.andi %lt3A_202, %and3A_353 : vector<16xi1>
        %mul3A_355 = arith.constant 16 : i32
        %mul3A_356 = vector.broadcast %mul3A_355 : i32 to vector<16xi32>
        %mul3A_357 = arith.muli %iota3A, %mul3A_356 : vector<16xi32>
        %add3A_358 = vector.broadcast %add3A_350 : i32 to vector<16xi32>
        %add3A_359 = arith.addi %add3A_358, %mul3A_357 : vector<16xi32>
        %jit3A_360 = arith.constant 0 : i32
        %broadcast_in_dim3A_361 = vector.broadcast %jit3A_360 : i32 to vector<16xi32>
        %select_n3A_362 = arith.select %and3A_354, %add3A_359, %broadcast_in_dim3A_361 : vector<16xi1>, vector<16xi32>
        %gather3A_363 = tpu.vector_load_idx %arg4[%select_n3A_362] : memref<100000xf32, #tpu.memory_space<vmem>>[vector<16xi32>], vector<16xf32>,
        %ge3A_364 = arith.cmpf oge, %gather3A_363, %gather3A_170 : vector<16xf32>
        %and3A_365 = arith.andi %and3A_354, %ge3A_364 : vector<16xi1>
        %get3A_366 = arith.constant 1 : i32
        %get3A_367 = arith.index_cast %get3A_366 : i32 to index
        %get3A_368 = memref.load %arg9[%get3A_367] : memref<2xi32, #tpu.memory_space<smem>>
        %swap3A_369 = arith.index_cast %get3A_368 : i32 to index
        %swap3A_370 = tpu.vector_load %arg7[%swap3A_369] masked %and3A_365 {strides = array<i32>} : memref<2064xf32, #tpu.memory_space<vmem>>, vector<16xf32>, vector<16xi1>
        tpu.vector_store %arg7[%swap3A_369], %gather3A_363 masked %and3A_365 {strides = array<i32>} : memref<2064xf32, #tpu.memory_space<vmem>>, vector<16xf32>, vector<16xi1>
        %all_reduce_population_count3A_371 = tpu.all_reduce %and3A_365 {dim = 0 : i64, kind = #tpu.reduction_kind<sum>} : vector<16xi1> -> vector<16xi32>
        %slice3A_372 = vector.extract_strided_slice %all_reduce_population_count3A_371 {offsets = [0], sizes = [1], strides = [1]} : vector<16xi32> to vector<1xi32>
        %squeeze3A_373 = vector.extract %slice3A_372[0] : i32 from vector<1xi32>
        %add3A_374 = arith.addi %get3A_368, %squeeze3A_373 : i32
        %swap3A_375 = arith.constant 1 : i32
        %swap3A_376 = arith.index_cast %swap3A_375 : i32 to index
        %swap3A_377 = memref.load %arg9[%swap3A_376] : memref<2xi32, #tpu.memory_space<smem>>
        memref.store %add3A_374, %arg9[%swap3A_376] : memref<2xi32, #tpu.memory_space<smem>>
        %slice3A_378 = vector.extract_strided_slice %get3A_306 {offsets = [2], sizes = [1], strides = [1]} : vector<16xi32> to vector<1xi32>
        %squeeze3A_379 = vector.extract %slice3A_378[0] : i32 from vector<1xi32>
        %shift_right_logical3A_380 = arith.constant 4 : i32
        %shift_right_logical3A_381 = arith.shrui %squeeze3A_379, %shift_right_logical3A_380 : i32
        %and3A_382 = arith.constant 15 : i32
        %and3A_383 = arith.andi %squeeze3A_379, %and3A_382 : i32
        %mul3A_384 = arith.constant 160 : i32
        %mul3A_385 = arith.muli %shift_right_logical3A_381, %mul3A_384 : i32
        %add3A_386 = arith.addi %mul3A_385, %and3A_383 : i32
        %ge3A_387 = arith.constant 0 : i32
        %ge3A_388 = arith.cmpi sge, %squeeze3A_379, %ge3A_387 : i32
        %and3A_389 = vector.broadcast %ge3A_388 : i1 to vector<16xi1>
        %and3A_390 = arith.andi %lt3A_202, %and3A_389 : vector<16xi1>
        %mul3A_391 = arith.constant 16 : i32
        %mul3A_392 = vector.broadcast %mul3A_391 : i32 to vector<16xi32>
        %mul3A_393 = arith.muli %iota3A, %mul3A_392 : vector<16xi32>
        %add3A_394 = vector.broadcast %add3A_386 : i32 to vector<16xi32>
        %add3A_395 = arith.addi %add3A_394, %mul3A_393 : vector<16xi32>
        %jit3A_396 = arith.constant 0 : i32
        %broadcast_in_dim3A_397 = vector.broadcast %jit3A_396 : i32 to vector<16xi32>
        %select_n3A_398 = arith.select %and3A_390, %add3A_395, %broadcast_in_dim3A_397 : vector<16xi1>, vector<16xi32>
        %gather3A_399 = tpu.vector_load_idx %arg4[%select_n3A_398] : memref<100000xf32, #tpu.memory_space<vmem>>[vector<16xi32>], vector<16xf32>,
        %ge3A_400 = arith.cmpf oge, %gather3A_399, %gather3A_170 : vector<16xf32>
        %and3A_401 = arith.andi %and3A_390, %ge3A_400 : vector<16xi1>
        %get3A_402 = arith.constant 1 : i32
        %get3A_403 = arith.index_cast %get3A_402 : i32 to index
        %get3A_404 = memref.load %arg9[%get3A_403] : memref<2xi32, #tpu.memory_space<smem>>
        %swap3A_405 = arith.index_cast %get3A_404 : i32 to index
        %swap3A_406 = tpu.vector_load %arg7[%swap3A_405] masked %and3A_401 {strides = array<i32>} : memref<2064xf32, #tpu.memory_space<vmem>>, vector<16xf32>, vector<16xi1>
        tpu.vector_store %arg7[%swap3A_405], %gather3A_399 masked %and3A_401 {strides = array<i32>} : memref<2064xf32, #tpu.memory_space<vmem>>, vector<16xf32>, vector<16xi1>
        %all_reduce_population_count3A_407 = tpu.all_reduce %and3A_401 {dim = 0 : i64, kind = #tpu.reduction_kind<sum>} : vector<16xi1> -> vector<16xi32>
        %slice3A_408 = vector.extract_strided_slice %all_reduce_population_count3A_407 {offsets = [0], sizes = [1], strides = [1]} : vector<16xi32> to vector<1xi32>
        %squeeze3A_409 = vector.extract %slice3A_408[0] : i32 from vector<1xi32>
        %add3A_410 = arith.addi %get3A_404, %squeeze3A_409 : i32
        %swap3A_411 = arith.constant 1 : i32
        %swap3A_412 = arith.index_cast %swap3A_411 : i32 to index
        %swap3A_413 = memref.load %arg9[%swap3A_412] : memref<2xi32, #tpu.memory_space<smem>>
        memref.store %add3A_410, %arg9[%swap3A_412] : memref<2xi32, #tpu.memory_space<smem>>
        %slice3A_414 = vector.extract_strided_slice %get3A_306 {offsets = [3], sizes = [1], strides = [1]} : vector<16xi32> to vector<1xi32>
        %squeeze3A_415 = vector.extract %slice3A_414[0] : i32 from vector<1xi32>
        %shift_right_logical3A_416 = arith.constant 4 : i32
        %shift_right_logical3A_417 = arith.shrui %squeeze3A_415, %shift_right_logical3A_416 : i32
        %and3A_418 = arith.constant 15 : i32
        %and3A_419 = arith.andi %squeeze3A_415, %and3A_418 : i32
        %mul3A_420 = arith.constant 160 : i32
        %mul3A_421 = arith.muli %shift_right_logical3A_417, %mul3A_420 : i32
        %add3A_422 = arith.addi %mul3A_421, %and3A_419 : i32
        %ge3A_423 = arith.constant 0 : i32
        %ge3A_424 = arith.cmpi sge, %squeeze3A_415, %ge3A_423 : i32
        %and3A_425 = vector.broadcast %ge3A_424 : i1 to vector<16xi1>
        %and3A_426 = arith.andi %lt3A_202, %and3A_425 : vector<16xi1>
        %mul3A_427 = arith.constant 16 : i32
        %mul3A_428 = vector.broadcast %mul3A_427 : i32 to vector<16xi32>
        %mul3A_429 = arith.muli %iota3A, %mul3A_428 : vector<16xi32>
        %add3A_430 = vector.broadcast %add3A_422 : i32 to vector<16xi32>
        %add3A_431 = arith.addi %add3A_430, %mul3A_429 : vector<16xi32>
        %jit3A_432 = arith.constant 0 : i32
        %broadcast_in_dim3A_433 = vector.broadcast %jit3A_432 : i32 to vector<16xi32>
        %select_n3A_434 = arith.select %and3A_426, %add3A_431, %broadcast_in_dim3A_433 : vector<16xi1>, vector<16xi32>
        %gather3A_435 = tpu.vector_load_idx %arg4[%select_n3A_434] : memref<100000xf32, #tpu.memory_space<vmem>>[vector<16xi32>], vector<16xf32>,
        %ge3A_436 = arith.cmpf oge, %gather3A_435, %gather3A_170 : vector<16xf32>
        %and3A_437 = arith.andi %and3A_426, %ge3A_436 : vector<16xi1>
        %get3A_438 = arith.constant 1 : i32
        %get3A_439 = arith.index_cast %get3A_438 : i32 to index
        %get3A_440 = memref.load %arg9[%get3A_439] : memref<2xi32, #tpu.memory_space<smem>>
        %swap3A_441 = arith.index_cast %get3A_440 : i32 to index
        %swap3A_442 = tpu.vector_load %arg7[%swap3A_441] masked %and3A_437 {strides = array<i32>} : memref<2064xf32, #tpu.memory_space<vmem>>, vector<16xf32>, vector<16xi1>
        tpu.vector_store %arg7[%swap3A_441], %gather3A_435 masked %and3A_437 {strides = array<i32>} : memref<2064xf32, #tpu.memory_space<vmem>>, vector<16xf32>, vector<16xi1>
        %all_reduce_population_count3A_443 = tpu.all_reduce %and3A_437 {dim = 0 : i64, kind = #tpu.reduction_kind<sum>} : vector<16xi1> -> vector<16xi32>
        %slice3A_444 = vector.extract_strided_slice %all_reduce_population_count3A_443 {offsets = [0], sizes = [1], strides = [1]} : vector<16xi32> to vector<1xi32>
        %squeeze3A_445 = vector.extract %slice3A_444[0] : i32 from vector<1xi32>
        %add3A_446 = arith.addi %get3A_440, %squeeze3A_445 : i32
        %swap3A_447 = arith.constant 1 : i32
        %swap3A_448 = arith.index_cast %swap3A_447 : i32 to index
        %swap3A_449 = memref.load %arg9[%swap3A_448] : memref<2xi32, #tpu.memory_space<smem>>
        memref.store %add3A_446, %arg9[%swap3A_448] : memref<2xi32, #tpu.memory_space<smem>>
        %slice3A_450 = vector.extract_strided_slice %get3A_306 {offsets = [4], sizes = [1], strides = [1]} : vector<16xi32> to vector<1xi32>
        %squeeze3A_451 = vector.extract %slice3A_450[0] : i32 from vector<1xi32>
        %shift_right_logical3A_452 = arith.constant 4 : i32
        %shift_right_logical3A_453 = arith.shrui %squeeze3A_451, %shift_right_logical3A_452 : i32
        %and3A_454 = arith.constant 15 : i32
        %and3A_455 = arith.andi %squeeze3A_451, %and3A_454 : i32
        %mul3A_456 = arith.constant 160 : i32
        %mul3A_457 = arith.muli %shift_right_logical3A_453, %mul3A_456 : i32
        %add3A_458 = arith.addi %mul3A_457, %and3A_455 : i32
        %ge3A_459 = arith.constant 0 : i32
        %ge3A_460 = arith.cmpi sge, %squeeze3A_451, %ge3A_459 : i32
        %and3A_461 = vector.broadcast %ge3A_460 : i1 to vector<16xi1>
        %and3A_462 = arith.andi %lt3A_202, %and3A_461 : vector<16xi1>
        %mul3A_463 = arith.constant 16 : i32
        %mul3A_464 = vector.broadcast %mul3A_463 : i32 to vector<16xi32>
        %mul3A_465 = arith.muli %iota3A, %mul3A_464 : vector<16xi32>
        %add3A_466 = vector.broadcast %add3A_458 : i32 to vector<16xi32>
        %add3A_467 = arith.addi %add3A_466, %mul3A_465 : vector<16xi32>
        %jit3A_468 = arith.constant 0 : i32
        %broadcast_in_dim3A_469 = vector.broadcast %jit3A_468 : i32 to vector<16xi32>
        %select_n3A_470 = arith.select %and3A_462, %add3A_467, %broadcast_in_dim3A_469 : vector<16xi1>, vector<16xi32>
        %gather3A_471 = tpu.vector_load_idx %arg4[%select_n3A_470] : memref<100000xf32, #tpu.memory_space<vmem>>[vector<16xi32>], vector<16xf32>,
        %ge3A_472 = arith.cmpf oge, %gather3A_471, %gather3A_170 : vector<16xf32>
        %and3A_473 = arith.andi %and3A_462, %ge3A_472 : vector<16xi1>
        %get3A_474 = arith.constant 1 : i32
        %get3A_475 = arith.index_cast %get3A_474 : i32 to index
        %get3A_476 = memref.load %arg9[%get3A_475] : memref<2xi32, #tpu.memory_space<smem>>
        %swap3A_477 = arith.index_cast %get3A_476 : i32 to index
        %swap3A_478 = tpu.vector_load %arg7[%swap3A_477] masked %and3A_473 {strides = array<i32>} : memref<2064xf32, #tpu.memory_space<vmem>>, vector<16xf32>, vector<16xi1>
        tpu.vector_store %arg7[%swap3A_477], %gather3A_471 masked %and3A_473 {strides = array<i32>} : memref<2064xf32, #tpu.memory_space<vmem>>, vector<16xf32>, vector<16xi1>
        %all_reduce_population_count3A_479 = tpu.all_reduce %and3A_473 {dim = 0 : i64, kind = #tpu.reduction_kind<sum>} : vector<16xi1> -> vector<16xi32>
        %slice3A_480 = vector.extract_strided_slice %all_reduce_population_count3A_479 {offsets = [0], sizes = [1], strides = [1]} : vector<16xi32> to vector<1xi32>
        %squeeze3A_481 = vector.extract %slice3A_480[0] : i32 from vector<1xi32>
        %add3A_482 = arith.addi %get3A_476, %squeeze3A_481 : i32
        %swap3A_483 = arith.constant 1 : i32
        %swap3A_484 = arith.index_cast %swap3A_483 : i32 to index
        %swap3A_485 = memref.load %arg9[%swap3A_484] : memref<2xi32, #tpu.memory_space<smem>>
        memref.store %add3A_482, %arg9[%swap3A_484] : memref<2xi32, #tpu.memory_space<smem>>
        %slice3A_486 = vector.extract_strided_slice %get3A_306 {offsets = [5], sizes = [1], strides = [1]} : vector<16xi32> to vector<1xi32>
        %squeeze3A_487 = vector.extract %slice3A_486[0] : i32 from vector<1xi32>
        %shift_right_logical3A_488 = arith.constant 4 : i32
        %shift_right_logical3A_489 = arith.shrui %squeeze3A_487, %shift_right_logical3A_488 : i32
        %and3A_490 = arith.constant 15 : i32
        %and3A_491 = arith.andi %squeeze3A_487, %and3A_490 : i32
        %mul3A_492 = arith.constant 160 : i32
        %mul3A_493 = arith.muli %shift_right_logical3A_489, %mul3A_492 : i32
        %add3A_494 = arith.addi %mul3A_493, %and3A_491 : i32
        %ge3A_495 = arith.constant 0 : i32
        %ge3A_496 = arith.cmpi sge, %squeeze3A_487, %ge3A_495 : i32
        %and3A_497 = vector.broadcast %ge3A_496 : i1 to vector<16xi1>
        %and3A_498 = arith.andi %lt3A_202, %and3A_497 : vector<16xi1>
        %mul3A_499 = arith.constant 16 : i32
        %mul3A_500 = vector.broadcast %mul3A_499 : i32 to vector<16xi32>
        %mul3A_501 = arith.muli %iota3A, %mul3A_500 : vector<16xi32>
        %add3A_502 = vector.broadcast %add3A_494 : i32 to vector<16xi32>
        %add3A_503 = arith.addi %add3A_502, %mul3A_501 : vector<16xi32>
        %jit3A_504 = arith.constant 0 : i32
        %broadcast_in_dim3A_505 = vector.broadcast %jit3A_504 : i32 to vector<16xi32>
        %select_n3A_506 = arith.select %and3A_498, %add3A_503, %broadcast_in_dim3A_505 : vector<16xi1>, vector<16xi32>
        %gather3A_507 = tpu.vector_load_idx %arg4[%select_n3A_506] : memref<100000xf32, #tpu.memory_space<vmem>>[vector<16xi32>], vector<16xf32>,
        %ge3A_508 = arith.cmpf oge, %gather3A_507, %gather3A_170 : vector<16xf32>
        %and3A_509 = arith.andi %and3A_498, %ge3A_508 : vector<16xi1>
        %get3A_510 = arith.constant 1 : i32
        %get3A_511 = arith.index_cast %get3A_510 : i32 to index
        %get3A_512 = memref.load %arg9[%get3A_511] : memref<2xi32, #tpu.memory_space<smem>>
        %swap3A_513 = arith.index_cast %get3A_512 : i32 to index
        %swap3A_514 = tpu.vector_load %arg7[%swap3A_513] masked %and3A_509 {strides = array<i32>} : memref<2064xf32, #tpu.memory_space<vmem>>, vector<16xf32>, vector<16xi1>
        tpu.vector_store %arg7[%swap3A_513], %gather3A_507 masked %and3A_509 {strides = array<i32>} : memref<2064xf32, #tpu.memory_space<vmem>>, vector<16xf32>, vector<16xi1>
        %all_reduce_population_count3A_515 = tpu.all_reduce %and3A_509 {dim = 0 : i64, kind = #tpu.reduction_kind<sum>} : vector<16xi1> -> vector<16xi32>
        %slice3A_516 = vector.extract_strided_slice %all_reduce_population_count3A_515 {offsets = [0], sizes = [1], strides = [1]} : vector<16xi32> to vector<1xi32>
        %squeeze3A_517 = vector.extract %slice3A_516[0] : i32 from vector<1xi32>
        %add3A_518 = arith.addi %get3A_512, %squeeze3A_517 : i32
        %swap3A_519 = arith.constant 1 : i32
        %swap3A_520 = arith.index_cast %swap3A_519 : i32 to index
        %swap3A_521 = memref.load %arg9[%swap3A_520] : memref<2xi32, #tpu.memory_space<smem>>
        memref.store %add3A_518, %arg9[%swap3A_520] : memref<2xi32, #tpu.memory_space<smem>>
        %slice3A_522 = vector.extract_strided_slice %get3A_306 {offsets = [6], sizes = [1], strides = [1]} : vector<16xi32> to vector<1xi32>
        %squeeze3A_523 = vector.extract %slice3A_522[0] : i32 from vector<1xi32>
        %shift_right_logical3A_524 = arith.constant 4 : i32
        %shift_right_logical3A_525 = arith.shrui %squeeze3A_523, %shift_right_logical3A_524 : i32
        %and3A_526 = arith.constant 15 : i32
        %and3A_527 = arith.andi %squeeze3A_523, %and3A_526 : i32
        %mul3A_528 = arith.constant 160 : i32
        %mul3A_529 = arith.muli %shift_right_logical3A_525, %mul3A_528 : i32
        %add3A_530 = arith.addi %mul3A_529, %and3A_527 : i32
        %ge3A_531 = arith.constant 0 : i32
        %ge3A_532 = arith.cmpi sge, %squeeze3A_523, %ge3A_531 : i32
        %and3A_533 = vector.broadcast %ge3A_532 : i1 to vector<16xi1>
        %and3A_534 = arith.andi %lt3A_202, %and3A_533 : vector<16xi1>
        %mul3A_535 = arith.constant 16 : i32
        %mul3A_536 = vector.broadcast %mul3A_535 : i32 to vector<16xi32>
        %mul3A_537 = arith.muli %iota3A, %mul3A_536 : vector<16xi32>
        %add3A_538 = vector.broadcast %add3A_530 : i32 to vector<16xi32>
        %add3A_539 = arith.addi %add3A_538, %mul3A_537 : vector<16xi32>
        %jit3A_540 = arith.constant 0 : i32
        %broadcast_in_dim3A_541 = vector.broadcast %jit3A_540 : i32 to vector<16xi32>
        %select_n3A_542 = arith.select %and3A_534, %add3A_539, %broadcast_in_dim3A_541 : vector<16xi1>, vector<16xi32>
        %gather3A_543 = tpu.vector_load_idx %arg4[%select_n3A_542] : memref<100000xf32, #tpu.memory_space<vmem>>[vector<16xi32>], vector<16xf32>,
        %ge3A_544 = arith.cmpf oge, %gather3A_543, %gather3A_170 : vector<16xf32>
        %and3A_545 = arith.andi %and3A_534, %ge3A_544 : vector<16xi1>
        %get3A_546 = arith.constant 1 : i32
        %get3A_547 = arith.index_cast %get3A_546 : i32 to index
        %get3A_548 = memref.load %arg9[%get3A_547] : memref<2xi32, #tpu.memory_space<smem>>
        %swap3A_549 = arith.index_cast %get3A_548 : i32 to index
        %swap3A_550 = tpu.vector_load %arg7[%swap3A_549] masked %and3A_545 {strides = array<i32>} : memref<2064xf32, #tpu.memory_space<vmem>>, vector<16xf32>, vector<16xi1>
        tpu.vector_store %arg7[%swap3A_549], %gather3A_543 masked %and3A_545 {strides = array<i32>} : memref<2064xf32, #tpu.memory_space<vmem>>, vector<16xf32>, vector<16xi1>
        %all_reduce_population_count3A_551 = tpu.all_reduce %and3A_545 {dim = 0 : i64, kind = #tpu.reduction_kind<sum>} : vector<16xi1> -> vector<16xi32>
        %slice3A_552 = vector.extract_strided_slice %all_reduce_population_count3A_551 {offsets = [0], sizes = [1], strides = [1]} : vector<16xi32> to vector<1xi32>
        %squeeze3A_553 = vector.extract %slice3A_552[0] : i32 from vector<1xi32>
        %add3A_554 = arith.addi %get3A_548, %squeeze3A_553 : i32
        %swap3A_555 = arith.constant 1 : i32
        %swap3A_556 = arith.index_cast %swap3A_555 : i32 to index
        %swap3A_557 = memref.load %arg9[%swap3A_556] : memref<2xi32, #tpu.memory_space<smem>>
        memref.store %add3A_554, %arg9[%swap3A_556] : memref<2xi32, #tpu.memory_space<smem>>
        %slice3A_558 = vector.extract_strided_slice %get3A_306 {offsets = [7], sizes = [1], strides = [1]} : vector<16xi32> to vector<1xi32>
        %squeeze3A_559 = vector.extract %slice3A_558[0] : i32 from vector<1xi32>
        %shift_right_logical3A_560 = arith.constant 4 : i32
        %shift_right_logical3A_561 = arith.shrui %squeeze3A_559, %shift_right_logical3A_560 : i32
        %and3A_562 = arith.constant 15 : i32
        %and3A_563 = arith.andi %squeeze3A_559, %and3A_562 : i32
        %mul3A_564 = arith.constant 160 : i32
        %mul3A_565 = arith.muli %shift_right_logical3A_561, %mul3A_564 : i32
        %add3A_566 = arith.addi %mul3A_565, %and3A_563 : i32
        %ge3A_567 = arith.constant 0 : i32
        %ge3A_568 = arith.cmpi sge, %squeeze3A_559, %ge3A_567 : i32
        %and3A_569 = vector.broadcast %ge3A_568 : i1 to vector<16xi1>
        %and3A_570 = arith.andi %lt3A_202, %and3A_569 : vector<16xi1>
        %mul3A_571 = arith.constant 16 : i32
        %mul3A_572 = vector.broadcast %mul3A_571 : i32 to vector<16xi32>
        %mul3A_573 = arith.muli %iota3A, %mul3A_572 : vector<16xi32>
        %add3A_574 = vector.broadcast %add3A_566 : i32 to vector<16xi32>
        %add3A_575 = arith.addi %add3A_574, %mul3A_573 : vector<16xi32>
        %jit3A_576 = arith.constant 0 : i32
        %broadcast_in_dim3A_577 = vector.broadcast %jit3A_576 : i32 to vector<16xi32>
        %select_n3A_578 = arith.select %and3A_570, %add3A_575, %broadcast_in_dim3A_577 : vector<16xi1>, vector<16xi32>
        %gather3A_579 = tpu.vector_load_idx %arg4[%select_n3A_578] : memref<100000xf32, #tpu.memory_space<vmem>>[vector<16xi32>], vector<16xf32>,
        %ge3A_580 = arith.cmpf oge, %gather3A_579, %gather3A_170 : vector<16xf32>
        %and3A_581 = arith.andi %and3A_570, %ge3A_580 : vector<16xi1>
        %get3A_582 = arith.constant 1 : i32
        %get3A_583 = arith.index_cast %get3A_582 : i32 to index
        %get3A_584 = memref.load %arg9[%get3A_583] : memref<2xi32, #tpu.memory_space<smem>>
        %swap3A_585 = arith.index_cast %get3A_584 : i32 to index
        %swap3A_586 = tpu.vector_load %arg7[%swap3A_585] masked %and3A_581 {strides = array<i32>} : memref<2064xf32, #tpu.memory_space<vmem>>, vector<16xf32>, vector<16xi1>
        tpu.vector_store %arg7[%swap3A_585], %gather3A_579 masked %and3A_581 {strides = array<i32>} : memref<2064xf32, #tpu.memory_space<vmem>>, vector<16xf32>, vector<16xi1>
        %all_reduce_population_count3A_587 = tpu.all_reduce %and3A_581 {dim = 0 : i64, kind = #tpu.reduction_kind<sum>} : vector<16xi1> -> vector<16xi32>
        %slice3A_588 = vector.extract_strided_slice %all_reduce_population_count3A_587 {offsets = [0], sizes = [1], strides = [1]} : vector<16xi32> to vector<1xi32>
        %squeeze3A_589 = vector.extract %slice3A_588[0] : i32 from vector<1xi32>
        %add3A_590 = arith.addi %get3A_584, %squeeze3A_589 : i32
        %swap3A_591 = arith.constant 1 : i32
        %swap3A_592 = arith.index_cast %swap3A_591 : i32 to index
        %swap3A_593 = memref.load %arg9[%swap3A_592] : memref<2xi32, #tpu.memory_space<smem>>
        memref.store %add3A_590, %arg9[%swap3A_592] : memref<2xi32, #tpu.memory_space<smem>>
        %slice3A_594 = vector.extract_strided_slice %get3A_306 {offsets = [8], sizes = [1], strides = [1]} : vector<16xi32> to vector<1xi32>
        %squeeze3A_595 = vector.extract %slice3A_594[0] : i32 from vector<1xi32>
        %shift_right_logical3A_596 = arith.constant 4 : i32
        %shift_right_logical3A_597 = arith.shrui %squeeze3A_595, %shift_right_logical3A_596 : i32
        %and3A_598 = arith.constant 15 : i32
        %and3A_599 = arith.andi %squeeze3A_595, %and3A_598 : i32
        %mul3A_600 = arith.constant 160 : i32
        %mul3A_601 = arith.muli %shift_right_logical3A_597, %mul3A_600 : i32
        %add3A_602 = arith.addi %mul3A_601, %and3A_599 : i32
        %ge3A_603 = arith.constant 0 : i32
        %ge3A_604 = arith.cmpi sge, %squeeze3A_595, %ge3A_603 : i32
        %and3A_605 = vector.broadcast %ge3A_604 : i1 to vector<16xi1>
        %and3A_606 = arith.andi %lt3A_202, %and3A_605 : vector<16xi1>
        %mul3A_607 = arith.constant 16 : i32
        %mul3A_608 = vector.broadcast %mul3A_607 : i32 to vector<16xi32>
        %mul3A_609 = arith.muli %iota3A, %mul3A_608 : vector<16xi32>
        %add3A_610 = vector.broadcast %add3A_602 : i32 to vector<16xi32>
        %add3A_611 = arith.addi %add3A_610, %mul3A_609 : vector<16xi32>
        %jit3A_612 = arith.constant 0 : i32
        %broadcast_in_dim3A_613 = vector.broadcast %jit3A_612 : i32 to vector<16xi32>
        %select_n3A_614 = arith.select %and3A_606, %add3A_611, %broadcast_in_dim3A_613 : vector<16xi1>, vector<16xi32>
        %gather3A_615 = tpu.vector_load_idx %arg4[%select_n3A_614] : memref<100000xf32, #tpu.memory_space<vmem>>[vector<16xi32>], vector<16xf32>,
        %ge3A_616 = arith.cmpf oge, %gather3A_615, %gather3A_170 : vector<16xf32>
        %and3A_617 = arith.andi %and3A_606, %ge3A_616 : vector<16xi1>
        %get3A_618 = arith.constant 1 : i32
        %get3A_619 = arith.index_cast %get3A_618 : i32 to index
        %get3A_620 = memref.load %arg9[%get3A_619] : memref<2xi32, #tpu.memory_space<smem>>
        %swap3A_621 = arith.index_cast %get3A_620 : i32 to index
        %swap3A_622 = tpu.vector_load %arg7[%swap3A_621] masked %and3A_617 {strides = array<i32>} : memref<2064xf32, #tpu.memory_space<vmem>>, vector<16xf32>, vector<16xi1>
        tpu.vector_store %arg7[%swap3A_621], %gather3A_615 masked %and3A_617 {strides = array<i32>} : memref<2064xf32, #tpu.memory_space<vmem>>, vector<16xf32>, vector<16xi1>
        %all_reduce_population_count3A_623 = tpu.all_reduce %and3A_617 {dim = 0 : i64, kind = #tpu.reduction_kind<sum>} : vector<16xi1> -> vector<16xi32>
        %slice3A_624 = vector.extract_strided_slice %all_reduce_population_count3A_623 {offsets = [0], sizes = [1], strides = [1]} : vector<16xi32> to vector<1xi32>
        %squeeze3A_625 = vector.extract %slice3A_624[0] : i32 from vector<1xi32>
        %add3A_626 = arith.addi %get3A_620, %squeeze3A_625 : i32
        %swap3A_627 = arith.constant 1 : i32
        %swap3A_628 = arith.index_cast %swap3A_627 : i32 to index
        %swap3A_629 = memref.load %arg9[%swap3A_628] : memref<2xi32, #tpu.memory_space<smem>>
        memref.store %add3A_626, %arg9[%swap3A_628] : memref<2xi32, #tpu.memory_space<smem>>
        %slice3A_630 = vector.extract_strided_slice %get3A_306 {offsets = [9], sizes = [1], strides = [1]} : vector<16xi32> to vector<1xi32>
        %squeeze3A_631 = vector.extract %slice3A_630[0] : i32 from vector<1xi32>
        %shift_right_logical3A_632 = arith.constant 4 : i32
        %shift_right_logical3A_633 = arith.shrui %squeeze3A_631, %shift_right_logical3A_632 : i32
        %and3A_634 = arith.constant 15 : i32
        %and3A_635 = arith.andi %squeeze3A_631, %and3A_634 : i32
        %mul3A_636 = arith.constant 160 : i32
        %mul3A_637 = arith.muli %shift_right_logical3A_633, %mul3A_636 : i32
        %add3A_638 = arith.addi %mul3A_637, %and3A_635 : i32
        %ge3A_639 = arith.constant 0 : i32
        %ge3A_640 = arith.cmpi sge, %squeeze3A_631, %ge3A_639 : i32
        %and3A_641 = vector.broadcast %ge3A_640 : i1 to vector<16xi1>
        %and3A_642 = arith.andi %lt3A_202, %and3A_641 : vector<16xi1>
        %mul3A_643 = arith.constant 16 : i32
        %mul3A_644 = vector.broadcast %mul3A_643 : i32 to vector<16xi32>
        %mul3A_645 = arith.muli %iota3A, %mul3A_644 : vector<16xi32>
        %add3A_646 = vector.broadcast %add3A_638 : i32 to vector<16xi32>
        %add3A_647 = arith.addi %add3A_646, %mul3A_645 : vector<16xi32>
        %jit3A_648 = arith.constant 0 : i32
        %broadcast_in_dim3A_649 = vector.broadcast %jit3A_648 : i32 to vector<16xi32>
        %select_n3A_650 = arith.select %and3A_642, %add3A_647, %broadcast_in_dim3A_649 : vector<16xi1>, vector<16xi32>
        %gather3A_651 = tpu.vector_load_idx %arg4[%select_n3A_650] : memref<100000xf32, #tpu.memory_space<vmem>>[vector<16xi32>], vector<16xf32>,
        %ge3A_652 = arith.cmpf oge, %gather3A_651, %gather3A_170 : vector<16xf32>
        %and3A_653 = arith.andi %and3A_642, %ge3A_652 : vector<16xi1>
        %get3A_654 = arith.constant 1 : i32
        %get3A_655 = arith.index_cast %get3A_654 : i32 to index
        %get3A_656 = memref.load %arg9[%get3A_655] : memref<2xi32, #tpu.memory_space<smem>>
        %swap3A_657 = arith.index_cast %get3A_656 : i32 to index
        %swap3A_658 = tpu.vector_load %arg7[%swap3A_657] masked %and3A_653 {strides = array<i32>} : memref<2064xf32, #tpu.memory_space<vmem>>, vector<16xf32>, vector<16xi1>
        tpu.vector_store %arg7[%swap3A_657], %gather3A_651 masked %and3A_653 {strides = array<i32>} : memref<2064xf32, #tpu.memory_space<vmem>>, vector<16xf32>, vector<16xi1>
        %all_reduce_population_count3A_659 = tpu.all_reduce %and3A_653 {dim = 0 : i64, kind = #tpu.reduction_kind<sum>} : vector<16xi1> -> vector<16xi32>
        %slice3A_660 = vector.extract_strided_slice %all_reduce_population_count3A_659 {offsets = [0], sizes = [1], strides = [1]} : vector<16xi32> to vector<1xi32>
        %squeeze3A_661 = vector.extract %slice3A_660[0] : i32 from vector<1xi32>
        %add3A_662 = arith.addi %get3A_656, %squeeze3A_661 : i32
        %swap3A_663 = arith.constant 1 : i32
        %swap3A_664 = arith.index_cast %swap3A_663 : i32 to index
        %swap3A_665 = memref.load %arg9[%swap3A_664] : memref<2xi32, #tpu.memory_space<smem>>
        memref.store %add3A_662, %arg9[%swap3A_664] : memref<2xi32, #tpu.memory_space<smem>>
        %slice3A_666 = vector.extract_strided_slice %get3A_306 {offsets = [10], sizes = [1], strides = [1]} : vector<16xi32> to vector<1xi32>
        %squeeze3A_667 = vector.extract %slice3A_666[0] : i32 from vector<1xi32>
        %shift_right_logical3A_668 = arith.constant 4 : i32
        %shift_right_logical3A_669 = arith.shrui %squeeze3A_667, %shift_right_logical3A_668 : i32
        %and3A_670 = arith.constant 15 : i32
        %and3A_671 = arith.andi %squeeze3A_667, %and3A_670 : i32
        %mul3A_672 = arith.constant 160 : i32
        %mul3A_673 = arith.muli %shift_right_logical3A_669, %mul3A_672 : i32
        %add3A_674 = arith.addi %mul3A_673, %and3A_671 : i32
        %ge3A_675 = arith.constant 0 : i32
        %ge3A_676 = arith.cmpi sge, %squeeze3A_667, %ge3A_675 : i32
        %and3A_677 = vector.broadcast %ge3A_676 : i1 to vector<16xi1>
        %and3A_678 = arith.andi %lt3A_202, %and3A_677 : vector<16xi1>
        %mul3A_679 = arith.constant 16 : i32
        %mul3A_680 = vector.broadcast %mul3A_679 : i32 to vector<16xi32>
        %mul3A_681 = arith.muli %iota3A, %mul3A_680 : vector<16xi32>
        %add3A_682 = vector.broadcast %add3A_674 : i32 to vector<16xi32>
        %add3A_683 = arith.addi %add3A_682, %mul3A_681 : vector<16xi32>
        %jit3A_684 = arith.constant 0 : i32
        %broadcast_in_dim3A_685 = vector.broadcast %jit3A_684 : i32 to vector<16xi32>
        %select_n3A_686 = arith.select %and3A_678, %add3A_683, %broadcast_in_dim3A_685 : vector<16xi1>, vector<16xi32>
        %gather3A_687 = tpu.vector_load_idx %arg4[%select_n3A_686] : memref<100000xf32, #tpu.memory_space<vmem>>[vector<16xi32>], vector<16xf32>,
        %ge3A_688 = arith.cmpf oge, %gather3A_687, %gather3A_170 : vector<16xf32>
        %and3A_689 = arith.andi %and3A_678, %ge3A_688 : vector<16xi1>
        %get3A_690 = arith.constant 1 : i32
        %get3A_691 = arith.index_cast %get3A_690 : i32 to index
        %get3A_692 = memref.load %arg9[%get3A_691] : memref<2xi32, #tpu.memory_space<smem>>
        %swap3A_693 = arith.index_cast %get3A_692 : i32 to index
        %swap3A_694 = tpu.vector_load %arg7[%swap3A_693] masked %and3A_689 {strides = array<i32>} : memref<2064xf32, #tpu.memory_space<vmem>>, vector<16xf32>, vector<16xi1>
        tpu.vector_store %arg7[%swap3A_693], %gather3A_687 masked %and3A_689 {strides = array<i32>} : memref<2064xf32, #tpu.memory_space<vmem>>, vector<16xf32>, vector<16xi1>
        %all_reduce_population_count3A_695 = tpu.all_reduce %and3A_689 {dim = 0 : i64, kind = #tpu.reduction_kind<sum>} : vector<16xi1> -> vector<16xi32>
        %slice3A_696 = vector.extract_strided_slice %all_reduce_population_count3A_695 {offsets = [0], sizes = [1], strides = [1]} : vector<16xi32> to vector<1xi32>
        %squeeze3A_697 = vector.extract %slice3A_696[0] : i32 from vector<1xi32>
        %add3A_698 = arith.addi %get3A_692, %squeeze3A_697 : i32
        %swap3A_699 = arith.constant 1 : i32
        %swap3A_700 = arith.index_cast %swap3A_699 : i32 to index
        %swap3A_701 = memref.load %arg9[%swap3A_700] : memref<2xi32, #tpu.memory_space<smem>>
        memref.store %add3A_698, %arg9[%swap3A_700] : memref<2xi32, #tpu.memory_space<smem>>
        %slice3A_702 = vector.extract_strided_slice %get3A_306 {offsets = [11], sizes = [1], strides = [1]} : vector<16xi32> to vector<1xi32>
        %squeeze3A_703 = vector.extract %slice3A_702[0] : i32 from vector<1xi32>
        %shift_right_logical3A_704 = arith.constant 4 : i32
        %shift_right_logical3A_705 = arith.shrui %squeeze3A_703, %shift_right_logical3A_704 : i32
        %and3A_706 = arith.constant 15 : i32
        %and3A_707 = arith.andi %squeeze3A_703, %and3A_706 : i32
        %mul3A_708 = arith.constant 160 : i32
        %mul3A_709 = arith.muli %shift_right_logical3A_705, %mul3A_708 : i32
        %add3A_710 = arith.addi %mul3A_709, %and3A_707 : i32
        %ge3A_711 = arith.constant 0 : i32
        %ge3A_712 = arith.cmpi sge, %squeeze3A_703, %ge3A_711 : i32
        %and3A_713 = vector.broadcast %ge3A_712 : i1 to vector<16xi1>
        %and3A_714 = arith.andi %lt3A_202, %and3A_713 : vector<16xi1>
        %mul3A_715 = arith.constant 16 : i32
        %mul3A_716 = vector.broadcast %mul3A_715 : i32 to vector<16xi32>
        %mul3A_717 = arith.muli %iota3A, %mul3A_716 : vector<16xi32>
        %add3A_718 = vector.broadcast %add3A_710 : i32 to vector<16xi32>
        %add3A_719 = arith.addi %add3A_718, %mul3A_717 : vector<16xi32>
        %jit3A_720 = arith.constant 0 : i32
        %broadcast_in_dim3A_721 = vector.broadcast %jit3A_720 : i32 to vector<16xi32>
        %select_n3A_722 = arith.select %and3A_714, %add3A_719, %broadcast_in_dim3A_721 : vector<16xi1>, vector<16xi32>
        %gather3A_723 = tpu.vector_load_idx %arg4[%select_n3A_722] : memref<100000xf32, #tpu.memory_space<vmem>>[vector<16xi32>], vector<16xf32>,
        %ge3A_724 = arith.cmpf oge, %gather3A_723, %gather3A_170 : vector<16xf32>
        %and3A_725 = arith.andi %and3A_714, %ge3A_724 : vector<16xi1>
        %get3A_726 = arith.constant 1 : i32
        %get3A_727 = arith.index_cast %get3A_726 : i32 to index
        %get3A_728 = memref.load %arg9[%get3A_727] : memref<2xi32, #tpu.memory_space<smem>>
        %swap3A_729 = arith.index_cast %get3A_728 : i32 to index
        %swap3A_730 = tpu.vector_load %arg7[%swap3A_729] masked %and3A_725 {strides = array<i32>} : memref<2064xf32, #tpu.memory_space<vmem>>, vector<16xf32>, vector<16xi1>
        tpu.vector_store %arg7[%swap3A_729], %gather3A_723 masked %and3A_725 {strides = array<i32>} : memref<2064xf32, #tpu.memory_space<vmem>>, vector<16xf32>, vector<16xi1>
        %all_reduce_population_count3A_731 = tpu.all_reduce %and3A_725 {dim = 0 : i64, kind = #tpu.reduction_kind<sum>} : vector<16xi1> -> vector<16xi32>
        %slice3A_732 = vector.extract_strided_slice %all_reduce_population_count3A_731 {offsets = [0], sizes = [1], strides = [1]} : vector<16xi32> to vector<1xi32>
        %squeeze3A_733 = vector.extract %slice3A_732[0] : i32 from vector<1xi32>
        %add3A_734 = arith.addi %get3A_728, %squeeze3A_733 : i32
        %swap3A_735 = arith.constant 1 : i32
        %swap3A_736 = arith.index_cast %swap3A_735 : i32 to index
        %swap3A_737 = memref.load %arg9[%swap3A_736] : memref<2xi32, #tpu.memory_space<smem>>
        memref.store %add3A_734, %arg9[%swap3A_736] : memref<2xi32, #tpu.memory_space<smem>>
        %slice3A_738 = vector.extract_strided_slice %get3A_306 {offsets = [12], sizes = [1], strides = [1]} : vector<16xi32> to vector<1xi32>
        %squeeze3A_739 = vector.extract %slice3A_738[0] : i32 from vector<1xi32>
        %shift_right_logical3A_740 = arith.constant 4 : i32
        %shift_right_logical3A_741 = arith.shrui %squeeze3A_739, %shift_right_logical3A_740 : i32
        %and3A_742 = arith.constant 15 : i32
        %and3A_743 = arith.andi %squeeze3A_739, %and3A_742 : i32
        %mul3A_744 = arith.constant 160 : i32
        %mul3A_745 = arith.muli %shift_right_logical3A_741, %mul3A_744 : i32
        %add3A_746 = arith.addi %mul3A_745, %and3A_743 : i32
        %ge3A_747 = arith.constant 0 : i32
        %ge3A_748 = arith.cmpi sge, %squeeze3A_739, %ge3A_747 : i32
        %and3A_749 = vector.broadcast %ge3A_748 : i1 to vector<16xi1>
        %and3A_750 = arith.andi %lt3A_202, %and3A_749 : vector<16xi1>
        %mul3A_751 = arith.constant 16 : i32
        %mul3A_752 = vector.broadcast %mul3A_751 : i32 to vector<16xi32>
        %mul3A_753 = arith.muli %iota3A, %mul3A_752 : vector<16xi32>
        %add3A_754 = vector.broadcast %add3A_746 : i32 to vector<16xi32>
        %add3A_755 = arith.addi %add3A_754, %mul3A_753 : vector<16xi32>
        %jit3A_756 = arith.constant 0 : i32
        %broadcast_in_dim3A_757 = vector.broadcast %jit3A_756 : i32 to vector<16xi32>
        %select_n3A_758 = arith.select %and3A_750, %add3A_755, %broadcast_in_dim3A_757 : vector<16xi1>, vector<16xi32>
        %gather3A_759 = tpu.vector_load_idx %arg4[%select_n3A_758] : memref<100000xf32, #tpu.memory_space<vmem>>[vector<16xi32>], vector<16xf32>,
        %ge3A_760 = arith.cmpf oge, %gather3A_759, %gather3A_170 : vector<16xf32>
        %and3A_761 = arith.andi %and3A_750, %ge3A_760 : vector<16xi1>
        %get3A_762 = arith.constant 1 : i32
        %get3A_763 = arith.index_cast %get3A_762 : i32 to index
        %get3A_764 = memref.load %arg9[%get3A_763] : memref<2xi32, #tpu.memory_space<smem>>
        %swap3A_765 = arith.index_cast %get3A_764 : i32 to index
        %swap3A_766 = tpu.vector_load %arg7[%swap3A_765] masked %and3A_761 {strides = array<i32>} : memref<2064xf32, #tpu.memory_space<vmem>>, vector<16xf32>, vector<16xi1>
        tpu.vector_store %arg7[%swap3A_765], %gather3A_759 masked %and3A_761 {strides = array<i32>} : memref<2064xf32, #tpu.memory_space<vmem>>, vector<16xf32>, vector<16xi1>
        %all_reduce_population_count3A_767 = tpu.all_reduce %and3A_761 {dim = 0 : i64, kind = #tpu.reduction_kind<sum>} : vector<16xi1> -> vector<16xi32>
        %slice3A_768 = vector.extract_strided_slice %all_reduce_population_count3A_767 {offsets = [0], sizes = [1], strides = [1]} : vector<16xi32> to vector<1xi32>
        %squeeze3A_769 = vector.extract %slice3A_768[0] : i32 from vector<1xi32>
        %add3A_770 = arith.addi %get3A_764, %squeeze3A_769 : i32
        %swap3A_771 = arith.constant 1 : i32
        %swap3A_772 = arith.index_cast %swap3A_771 : i32 to index
        %swap3A_773 = memref.load %arg9[%swap3A_772] : memref<2xi32, #tpu.memory_space<smem>>
        memref.store %add3A_770, %arg9[%swap3A_772] : memref<2xi32, #tpu.memory_space<smem>>
        %slice3A_774 = vector.extract_strided_slice %get3A_306 {offsets = [13], sizes = [1], strides = [1]} : vector<16xi32> to vector<1xi32>
        %squeeze3A_775 = vector.extract %slice3A_774[0] : i32 from vector<1xi32>
        %shift_right_logical3A_776 = arith.constant 4 : i32
        %shift_right_logical3A_777 = arith.shrui %squeeze3A_775, %shift_right_logical3A_776 : i32
        %and3A_778 = arith.constant 15 : i32
        %and3A_779 = arith.andi %squeeze3A_775, %and3A_778 : i32
        %mul3A_780 = arith.constant 160 : i32
        %mul3A_781 = arith.muli %shift_right_logical3A_777, %mul3A_780 : i32
        %add3A_782 = arith.addi %mul3A_781, %and3A_779 : i32
        %ge3A_783 = arith.constant 0 : i32
        %ge3A_784 = arith.cmpi sge, %squeeze3A_775, %ge3A_783 : i32
        %and3A_785 = vector.broadcast %ge3A_784 : i1 to vector<16xi1>
        %and3A_786 = arith.andi %lt3A_202, %and3A_785 : vector<16xi1>
        %mul3A_787 = arith.constant 16 : i32
        %mul3A_788 = vector.broadcast %mul3A_787 : i32 to vector<16xi32>
        %mul3A_789 = arith.muli %iota3A, %mul3A_788 : vector<16xi32>
        %add3A_790 = vector.broadcast %add3A_782 : i32 to vector<16xi32>
        %add3A_791 = arith.addi %add3A_790, %mul3A_789 : vector<16xi32>
        %jit3A_792 = arith.constant 0 : i32
        %broadcast_in_dim3A_793 = vector.broadcast %jit3A_792 : i32 to vector<16xi32>
        %select_n3A_794 = arith.select %and3A_786, %add3A_791, %broadcast_in_dim3A_793 : vector<16xi1>, vector<16xi32>
        %gather3A_795 = tpu.vector_load_idx %arg4[%select_n3A_794] : memref<100000xf32, #tpu.memory_space<vmem>>[vector<16xi32>], vector<16xf32>,
        %ge3A_796 = arith.cmpf oge, %gather3A_795, %gather3A_170 : vector<16xf32>
        %and3A_797 = arith.andi %and3A_786, %ge3A_796 : vector<16xi1>
        %get3A_798 = arith.constant 1 : i32
        %get3A_799 = arith.index_cast %get3A_798 : i32 to index
        %get3A_800 = memref.load %arg9[%get3A_799] : memref<2xi32, #tpu.memory_space<smem>>
        %swap3A_801 = arith.index_cast %get3A_800 : i32 to index
        %swap3A_802 = tpu.vector_load %arg7[%swap3A_801] masked %and3A_797 {strides = array<i32>} : memref<2064xf32, #tpu.memory_space<vmem>>, vector<16xf32>, vector<16xi1>
        tpu.vector_store %arg7[%swap3A_801], %gather3A_795 masked %and3A_797 {strides = array<i32>} : memref<2064xf32, #tpu.memory_space<vmem>>, vector<16xf32>, vector<16xi1>
        %all_reduce_population_count3A_803 = tpu.all_reduce %and3A_797 {dim = 0 : i64, kind = #tpu.reduction_kind<sum>} : vector<16xi1> -> vector<16xi32>
        %slice3A_804 = vector.extract_strided_slice %all_reduce_population_count3A_803 {offsets = [0], sizes = [1], strides = [1]} : vector<16xi32> to vector<1xi32>
        %squeeze3A_805 = vector.extract %slice3A_804[0] : i32 from vector<1xi32>
        %add3A_806 = arith.addi %get3A_800, %squeeze3A_805 : i32
        %swap3A_807 = arith.constant 1 : i32
        %swap3A_808 = arith.index_cast %swap3A_807 : i32 to index
        %swap3A_809 = memref.load %arg9[%swap3A_808] : memref<2xi32, #tpu.memory_space<smem>>
        memref.store %add3A_806, %arg9[%swap3A_808] : memref<2xi32, #tpu.memory_space<smem>>
        %slice3A_810 = vector.extract_strided_slice %get3A_306 {offsets = [14], sizes = [1], strides = [1]} : vector<16xi32> to vector<1xi32>
        %squeeze3A_811 = vector.extract %slice3A_810[0] : i32 from vector<1xi32>
        %shift_right_logical3A_812 = arith.constant 4 : i32
        %shift_right_logical3A_813 = arith.shrui %squeeze3A_811, %shift_right_logical3A_812 : i32
        %and3A_814 = arith.constant 15 : i32
        %and3A_815 = arith.andi %squeeze3A_811, %and3A_814 : i32
        %mul3A_816 = arith.constant 160 : i32
        %mul3A_817 = arith.muli %shift_right_logical3A_813, %mul3A_816 : i32
        %add3A_818 = arith.addi %mul3A_817, %and3A_815 : i32
        %ge3A_819 = arith.constant 0 : i32
        %ge3A_820 = arith.cmpi sge, %squeeze3A_811, %ge3A_819 : i32
        %and3A_821 = vector.broadcast %ge3A_820 : i1 to vector<16xi1>
        %and3A_822 = arith.andi %lt3A_202, %and3A_821 : vector<16xi1>
        %mul3A_823 = arith.constant 16 : i32
        %mul3A_824 = vector.broadcast %mul3A_823 : i32 to vector<16xi32>
        %mul3A_825 = arith.muli %iota3A, %mul3A_824 : vector<16xi32>
        %add3A_826 = vector.broadcast %add3A_818 : i32 to vector<16xi32>
        %add3A_827 = arith.addi %add3A_826, %mul3A_825 : vector<16xi32>
        %jit3A_828 = arith.constant 0 : i32
        %broadcast_in_dim3A_829 = vector.broadcast %jit3A_828 : i32 to vector<16xi32>
        %select_n3A_830 = arith.select %and3A_822, %add3A_827, %broadcast_in_dim3A_829 : vector<16xi1>, vector<16xi32>
        %gather3A_831 = tpu.vector_load_idx %arg4[%select_n3A_830] : memref<100000xf32, #tpu.memory_space<vmem>>[vector<16xi32>], vector<16xf32>,
        %ge3A_832 = arith.cmpf oge, %gather3A_831, %gather3A_170 : vector<16xf32>
        %and3A_833 = arith.andi %and3A_822, %ge3A_832 : vector<16xi1>
        %get3A_834 = arith.constant 1 : i32
        %get3A_835 = arith.index_cast %get3A_834 : i32 to index
        %get3A_836 = memref.load %arg9[%get3A_835] : memref<2xi32, #tpu.memory_space<smem>>
        %swap3A_837 = arith.index_cast %get3A_836 : i32 to index
        %swap3A_838 = tpu.vector_load %arg7[%swap3A_837] masked %and3A_833 {strides = array<i32>} : memref<2064xf32, #tpu.memory_space<vmem>>, vector<16xf32>, vector<16xi1>
        tpu.vector_store %arg7[%swap3A_837], %gather3A_831 masked %and3A_833 {strides = array<i32>} : memref<2064xf32, #tpu.memory_space<vmem>>, vector<16xf32>, vector<16xi1>
        %all_reduce_population_count3A_839 = tpu.all_reduce %and3A_833 {dim = 0 : i64, kind = #tpu.reduction_kind<sum>} : vector<16xi1> -> vector<16xi32>
        %slice3A_840 = vector.extract_strided_slice %all_reduce_population_count3A_839 {offsets = [0], sizes = [1], strides = [1]} : vector<16xi32> to vector<1xi32>
        %squeeze3A_841 = vector.extract %slice3A_840[0] : i32 from vector<1xi32>
        %add3A_842 = arith.addi %get3A_836, %squeeze3A_841 : i32
        %swap3A_843 = arith.constant 1 : i32
        %swap3A_844 = arith.index_cast %swap3A_843 : i32 to index
        %swap3A_845 = memref.load %arg9[%swap3A_844] : memref<2xi32, #tpu.memory_space<smem>>
        memref.store %add3A_842, %arg9[%swap3A_844] : memref<2xi32, #tpu.memory_space<smem>>
        %slice3A_846 = vector.extract_strided_slice %get3A_306 {offsets = [15], sizes = [1], strides = [1]} : vector<16xi32> to vector<1xi32>
        %squeeze3A_847 = vector.extract %slice3A_846[0] : i32 from vector<1xi32>
        %shift_right_logical3A_848 = arith.constant 4 : i32
        %shift_right_logical3A_849 = arith.shrui %squeeze3A_847, %shift_right_logical3A_848 : i32
        %and3A_850 = arith.constant 15 : i32
        %and3A_851 = arith.andi %squeeze3A_847, %and3A_850 : i32
        %mul3A_852 = arith.constant 160 : i32
        %mul3A_853 = arith.muli %shift_right_logical3A_849, %mul3A_852 : i32
        %add3A_854 = arith.addi %mul3A_853, %and3A_851 : i32
        %ge3A_855 = arith.constant 0 : i32
        %ge3A_856 = arith.cmpi sge, %squeeze3A_847, %ge3A_855 : i32
        %and3A_857 = vector.broadcast %ge3A_856 : i1 to vector<16xi1>
        %and3A_858 = arith.andi %lt3A_202, %and3A_857 : vector<16xi1>
        %mul3A_859 = arith.constant 16 : i32
        %mul3A_860 = vector.broadcast %mul3A_859 : i32 to vector<16xi32>
        %mul3A_861 = arith.muli %iota3A, %mul3A_860 : vector<16xi32>
        %add3A_862 = vector.broadcast %add3A_854 : i32 to vector<16xi32>
        %add3A_863 = arith.addi %add3A_862, %mul3A_861 : vector<16xi32>
        %jit3A_864 = arith.constant 0 : i32
        %broadcast_in_dim3A_865 = vector.broadcast %jit3A_864 : i32 to vector<16xi32>
        %select_n3A_866 = arith.select %and3A_858, %add3A_863, %broadcast_in_dim3A_865 : vector<16xi1>, vector<16xi32>
        %gather3A_867 = tpu.vector_load_idx %arg4[%select_n3A_866] : memref<100000xf32, #tpu.memory_space<vmem>>[vector<16xi32>], vector<16xf32>,
        %ge3A_868 = arith.cmpf oge, %gather3A_867, %gather3A_170 : vector<16xf32>
        %and3A_869 = arith.andi %and3A_858, %ge3A_868 : vector<16xi1>
        %get3A_870 = arith.constant 1 : i32
        %get3A_871 = arith.index_cast %get3A_870 : i32 to index
        %get3A_872 = memref.load %arg9[%get3A_871] : memref<2xi32, #tpu.memory_space<smem>>
        %swap3A_873 = arith.index_cast %get3A_872 : i32 to index
        %swap3A_874 = tpu.vector_load %arg7[%swap3A_873] masked %and3A_869 {strides = array<i32>} : memref<2064xf32, #tpu.memory_space<vmem>>, vector<16xf32>, vector<16xi1>
        tpu.vector_store %arg7[%swap3A_873], %gather3A_867 masked %and3A_869 {strides = array<i32>} : memref<2064xf32, #tpu.memory_space<vmem>>, vector<16xf32>, vector<16xi1>
        %all_reduce_population_count3A_875 = tpu.all_reduce %and3A_869 {dim = 0 : i64, kind = #tpu.reduction_kind<sum>} : vector<16xi1> -> vector<16xi32>
        %slice3A_876 = vector.extract_strided_slice %all_reduce_population_count3A_875 {offsets = [0], sizes = [1], strides = [1]} : vector<16xi32> to vector<1xi32>
        %squeeze3A_877 = vector.extract %slice3A_876[0] : i32 from vector<1xi32>
        %add3A_878 = arith.addi %get3A_872, %squeeze3A_877 : i32
        %swap3A_879 = arith.constant 1 : i32
        %swap3A_880 = arith.index_cast %swap3A_879 : i32 to index
        %swap3A_881 = memref.load %arg9[%swap3A_880] : memref<2xi32, #tpu.memory_space<smem>>
        memref.store %add3A_878, %arg9[%swap3A_880] : memref<2xi32, #tpu.memory_space<smem>>
        scf.yield %cond3A_302#0, %cond3A_302#1, %cond3A_302#2 : vector<16xf32>, vector<16xf32>, vector<16xf32>
      }
      %while3A_235 = arith.constant 1 : i32
      %while3A_236:3 = scf.for %while3A_292 = %while3A_232 to %while3A_228 step %while3A_235 iter_args(%while3A_293 = %while3A_234#0, %while3A_294 = %while3A_234#1, %while3A_295 = %while3A_234#2) -> (vector<16xf32>, vector<16xf32>, vector<16xf32>)  : i32 {
        %get3A_296 = arith.constant 1 : i32
        %get3A_297 = arith.index_cast %get3A_296 : i32 to index
        %get3A_298 = memref.load %arg9[%get3A_297] : memref<2xi32, #tpu.memory_space<smem>>
        %ge3A_299 = arith.constant 1792 : i32
        %ge3A_300 = arith.cmpi sge, %get3A_298, %ge3A_299 : i32
        %convert_element_type3A = arith.extui %ge3A_300 : i1 to i32
        %cond3A = arith.constant 0 : i32
        %cond3A_301 = arith.cmpi ne, %convert_element_type3A, %cond3A : i32
        %cond3A_302:3 = scf.if %cond3A_301 -> (vector<16xf32>, vector<16xf32>, vector<16xf32>) {
          %get3A_882 = arith.constant 1 : i32
          %get3A_883 = arith.index_cast %get3A_882 : i32 to index
          %get3A_884 = memref.load %arg9[%get3A_883] : memref<2xi32, #tpu.memory_space<smem>>
          %broadcast_in_dim3A_885 = arith.constant 0xFF800000 : f32
          %broadcast_in_dim3A_886 = vector.broadcast %broadcast_in_dim3A_885 : f32 to vector<16xf32>
          %swap3A_887 = arith.index_cast %get3A_884 : i32 to index
          %swap3A_888 = tpu.vector_load %arg7[%swap3A_887] {strides = array<i32>} : memref<2064xf32, #tpu.memory_space<vmem>>, vector<16xf32>,
          tpu.vector_store %arg7[%swap3A_887], %broadcast_in_dim3A_886 {strides = array<i32>} : memref<2064xf32, #tpu.memory_space<vmem>>, vector<16xf32>,
          %add3A_889 = arith.constant 16 : i32
          %add3A_890 = arith.addi %get3A_884, %add3A_889 : i32
          %sub3A_891 = arith.constant 1 : i32
          %sub3A_892 = arith.subi %add3A_890, %sub3A_891 : i32
          %jit3A_893 = arith.constant 16 : i32
          %div3A_894 = arith.divsi %sub3A_892, %jit3A_893 : i32
          %sign3A_895 = arith.constant 0 : i32
          %sign3A_896 = arith.cmpi sgt, %sub3A_892, %sign3A_895 : i32
          %sign3A_897 = arith.extui %sign3A_896 : i1 to i32
          %sign3A_898 = arith.constant 0 : i32
          %sign3A_899 = arith.cmpi slt, %sub3A_892, %sign3A_898 : i32
          %sign3A_900 = arith.extui %sign3A_899 : i1 to i32
          %sign3A_901 = arith.subi %sign3A_897, %sign3A_900 : i32
          %sign3A_902 = arith.constant 0 : i32
          %sign3A_903 = arith.cmpi sgt, %jit3A_893, %sign3A_902 : i32
          %sign3A_904 = arith.extui %sign3A_903 : i1 to i32
          %sign3A_905 = arith.constant 0 : i32
          %sign3A_906 = arith.cmpi slt, %jit3A_893, %sign3A_905 : i32
          %sign3A_907 = arith.extui %sign3A_906 : i1 to i32
          %sign3A_908 = arith.subi %sign3A_904, %sign3A_907 : i32
          %ne3A_909 = arith.cmpi ne, %sign3A_901, %sign3A_908 : i32
          %rem3A_910 = arith.remsi %sub3A_892, %jit3A_893 : i32
          %ne3A_911 = arith.constant 0 : i32
          %ne3A_912 = arith.cmpi ne, %rem3A_910, %ne3A_911 : i32
          %and3A_913 = arith.andi %ne3A_909, %ne3A_912 : i1
          %sub3A_914 = arith.constant 1 : i32
          %sub3A_915 = arith.subi %div3A_894, %sub3A_914 : i32
          %select_n3A_916 = arith.select %and3A_913, %sub3A_915, %div3A_894 : i32
          %while3A_917 = arith.constant 0 : i32
          %while3A_918 = arith.subi %select_n3A_916, %while3A_917 : i32
          %while3A_919 = arith.addi %while3A_917, %while3A_918 : i32
          %while3A_920 = arith.constant 1 : i32
          %while3A_921 = arith.divsi %while3A_918, %while3A_920 : i32
          %while3A_922 = arith.muli %while3A_921, %while3A_920 : i32
          %while3A_923 = arith.addi %while3A_917, %while3A_922 : i32
          %while3A_924 = arith.constant 1 : i32
          %while3A_925:3 = scf.for %while3A_932 = %while3A_917 to %while3A_923 step %while3A_924 iter_args(%while3A_933 = %while3A_293, %while3A_934 = %while3A_294, %while3A_935 = %while3A_295) -> (vector<16xf32>, vector<16xf32>, vector<16xf32>)  : i32 {
            %mul3A_936 = arith.constant 16 : i32
            %mul3A_937 = arith.muli %while3A_932, %mul3A_936 : i32
            %get3A_938 = arith.index_cast %mul3A_937 : i32 to index
            %get3A_939 = tpu.vector_load %arg7[%get3A_938] {strides = array<i32>} : memref<2064xf32, #tpu.memory_space<vmem>>, vector<16xf32>,
            %ge3A_940 = arith.cmpf oge, %get3A_939, %while3A_935 : vector<16xf32>
            %all_reduce_population_count3A_941 = tpu.all_reduce %ge3A_940 {dim = 0 : i64, kind = #tpu.reduction_kind<sum>} : vector<16xi1> -> vector<16xi32>
            %slice3A_942 = vector.extract_strided_slice %all_reduce_population_count3A_941 {offsets = [0], sizes = [1], strides = [1]} : vector<16xi32> to vector<1xi32>
            %squeeze3A_943 = vector.extract %slice3A_942[0] : i32 from vector<1xi32>
            %gt3A = arith.constant 0 : i32
            %gt3A_944 = arith.cmpi sgt, %squeeze3A_943, %gt3A : i32
            %convert_element_type3A_945 = arith.extui %gt3A_944 : i1 to i32
            %cond3A_946 = arith.constant 0 : i32
            %cond3A_947 = arith.cmpi ne, %convert_element_type3A_945, %cond3A_946 : i32
            %cond3A_948:3 = scf.if %cond3A_947 -> (vector<16xf32>, vector<16xf32>, vector<16xf32>) {
              %sort3A_949 = arith.constant dense<true> : vector<16xi1>
              %sort3A_950, %sort3A_951, %sort3A_952 = tpu.sort %get3A_939, %get3A_939 masked %sort3A_949 : (vector<16xf32>, vector<16xf32>, vector<16xi1>) -> (vector<16xi1>, vector<16xf32>, vector<16xf32>)
              %rev3A_953 = arith.constant 15 : i32
              %rev3A_954 = vector.broadcast %rev3A_953 : i32 to vector<16xi32>
              %rev3A_955 = tpu.iota {dimensions = array<i32: 0>} : vector<16xi32>
              %rev3A_956 = arith.subi %rev3A_954, %rev3A_955 : vector<16xi32>
              %rev3A_957 = tpu.dynamic_gather %sort3A_951[%rev3A_956] in [0] : vector<16xf32>, vector<16xi32> -> vector<16xf32>
              %rev3A_958 = arith.constant 15 : i32
              %rev3A_959 = vector.broadcast %rev3A_958 : i32 to vector<16xi32>
              %rev3A_960 = tpu.iota {dimensions = array<i32: 0>} : vector<16xi32>
              %rev3A_961 = arith.subi %rev3A_959, %rev3A_960 : vector<16xi32>
              %rev3A_962 = tpu.dynamic_gather %rev3A_957[%rev3A_961] in [0] : vector<16xf32>, vector<16xi32> -> vector<16xf32>
              %max3A_963 = arith.maximumf %while3A_934, %rev3A_962 : vector<16xf32>
              %sort3A_964 = arith.constant dense<true> : vector<16xi1>
              %sort3A_965, %sort3A_966, %sort3A_967 = tpu.sort %max3A_963, %max3A_963 masked %sort3A_964 : (vector<16xf32>, vector<16xf32>, vector<16xi1>) -> (vector<16xi1>, vector<16xf32>, vector<16xf32>)
              %rev3A_968 = arith.constant 15 : i32
              %rev3A_969 = vector.broadcast %rev3A_968 : i32 to vector<16xi32>
              %rev3A_970 = tpu.iota {dimensions = array<i32: 0>} : vector<16xi32>
              %rev3A_971 = arith.subi %rev3A_969, %rev3A_970 : vector<16xi32>
              %rev3A_972 = tpu.dynamic_gather %sort3A_966[%rev3A_971] in [0] : vector<16xf32>, vector<16xi32> -> vector<16xf32>
              %rev3A_973 = arith.constant 15 : i32
              %rev3A_974 = vector.broadcast %rev3A_973 : i32 to vector<16xi32>
              %rev3A_975 = tpu.iota {dimensions = array<i32: 0>} : vector<16xi32>
              %rev3A_976 = arith.subi %rev3A_974, %rev3A_975 : vector<16xi32>
              %rev3A_977 = tpu.dynamic_gather %rev3A_972[%rev3A_976] in [0] : vector<16xf32>, vector<16xi32> -> vector<16xf32>
              %max3A_978 = arith.maximumf %while3A_933, %rev3A_977 : vector<16xf32>
              %rev3A_979 = arith.constant 15 : i32
              %rev3A_980 = vector.broadcast %rev3A_979 : i32 to vector<16xi32>
              %rev3A_981 = tpu.iota {dimensions = array<i32: 0>} : vector<16xi32>
              %rev3A_982 = arith.subi %rev3A_980, %rev3A_981 : vector<16xi32>
              %rev3A_983 = tpu.dynamic_gather %rev3A_972[%rev3A_982] in [0] : vector<16xf32>, vector<16xi32> -> vector<16xf32>
              %min3A_984 = arith.minimumf %while3A_933, %rev3A_983 : vector<16xf32>
              %sort3A_985 = arith.constant dense<true> : vector<16xi1>
              %sort3A_986, %sort3A_987, %sort3A_988 = tpu.sort %max3A_978, %max3A_978 masked %sort3A_985 : (vector<16xf32>, vector<16xf32>, vector<16xi1>) -> (vector<16xi1>, vector<16xf32>, vector<16xf32>)
              %rev3A_989 = arith.constant 15 : i32
              %rev3A_990 = vector.broadcast %rev3A_989 : i32 to vector<16xi32>
              %rev3A_991 = tpu.iota {dimensions = array<i32: 0>} : vector<16xi32>
              %rev3A_992 = arith.subi %rev3A_990, %rev3A_991 : vector<16xi32>
              %rev3A_993 = tpu.dynamic_gather %sort3A_987[%rev3A_992] in [0] : vector<16xf32>, vector<16xi32> -> vector<16xf32>
              %sort3A_994 = arith.constant dense<true> : vector<16xi1>
              %sort3A_995, %sort3A_996, %sort3A_997 = tpu.sort %min3A_984, %min3A_984 masked %sort3A_994 : (vector<16xf32>, vector<16xf32>, vector<16xi1>) -> (vector<16xi1>, vector<16xf32>, vector<16xf32>)
              %rev3A_998 = arith.constant 15 : i32
              %rev3A_999 = vector.broadcast %rev3A_998 : i32 to vector<16xi32>
              %rev3A_1000 = tpu.iota {dimensions = array<i32: 0>} : vector<16xi32>
              %rev3A_1001 = arith.subi %rev3A_999, %rev3A_1000 : vector<16xi32>
              %rev3A_1002 = tpu.dynamic_gather %sort3A_996[%rev3A_1001] in [0] : vector<16xf32>, vector<16xi32> -> vector<16xf32>
              %broadcast_in_dim3A_1003 = arith.constant 15 : i32
              %broadcast_in_dim3A_1004 = vector.broadcast %broadcast_in_dim3A_1003 : i32 to vector<16x1xi32>
              %gather3A_1005 = vector.shape_cast %broadcast_in_dim3A_1004 : vector<16x1xi32> to vector<16xi32>
              %gather3A_1006 = tpu.dynamic_gather %rev3A_1002[%gather3A_1005] in [0] : vector<16xf32>, vector<16xi32> -> vector<16xf32>
              %max3A_1007 = arith.maximumf %while3A_935, %gather3A_1006 : vector<16xf32>
              scf.yield %rev3A_993, %rev3A_1002, %max3A_1007 : vector<16xf32>, vector<16xf32>, vector<16xf32>
            } else {
              scf.yield %while3A_933, %while3A_934, %while3A_935 : vector<16xf32>, vector<16xf32>, vector<16xf32>
            }
            scf.yield %cond3A_948#0, %cond3A_948#1, %cond3A_948#2 : vector<16xf32>, vector<16xf32>, vector<16xf32>
          }
          %while3A_926 = arith.constant 1 : i32
          %while3A_927:3 = scf.for %while3A_932 = %while3A_923 to %while3A_919 step %while3A_926 iter_args(%while3A_933 = %while3A_925#0, %while3A_934 = %while3A_925#1, %while3A_935 = %while3A_925#2) -> (vector<16xf32>, vector<16xf32>, vector<16xf32>)  : i32 {
            %mul3A_936 = arith.constant 16 : i32
            %mul3A_937 = arith.muli %while3A_932, %mul3A_936 : i32
            %get3A_938 = arith.index_cast %mul3A_937 : i32 to index
            %get3A_939 = tpu.vector_load %arg7[%get3A_938] {strides = array<i32>} : memref<2064xf32, #tpu.memory_space<vmem>>, vector<16xf32>,
            %ge3A_940 = arith.cmpf oge, %get3A_939, %while3A_935 : vector<16xf32>
            %all_reduce_population_count3A_941 = tpu.all_reduce %ge3A_940 {dim = 0 : i64, kind = #tpu.reduction_kind<sum>} : vector<16xi1> -> vector<16xi32>
            %slice3A_942 = vector.extract_strided_slice %all_reduce_population_count3A_941 {offsets = [0], sizes = [1], strides = [1]} : vector<16xi32> to vector<1xi32>
            %squeeze3A_943 = vector.extract %slice3A_942[0] : i32 from vector<1xi32>
            %gt3A = arith.constant 0 : i32
            %gt3A_944 = arith.cmpi sgt, %squeeze3A_943, %gt3A : i32
            %convert_element_type3A_945 = arith.extui %gt3A_944 : i1 to i32
            %cond3A_946 = arith.constant 0 : i32
            %cond3A_947 = arith.cmpi ne, %convert_element_type3A_945, %cond3A_946 : i32
            %cond3A_948:3 = scf.if %cond3A_947 -> (vector<16xf32>, vector<16xf32>, vector<16xf32>) {
              %sort3A_949 = arith.constant dense<true> : vector<16xi1>
              %sort3A_950, %sort3A_951, %sort3A_952 = tpu.sort %get3A_939, %get3A_939 masked %sort3A_949 : (vector<16xf32>, vector<16xf32>, vector<16xi1>) -> (vector<16xi1>, vector<16xf32>, vector<16xf32>)
              %rev3A_953 = arith.constant 15 : i32
              %rev3A_954 = vector.broadcast %rev3A_953 : i32 to vector<16xi32>
              %rev3A_955 = tpu.iota {dimensions = array<i32: 0>} : vector<16xi32>
              %rev3A_956 = arith.subi %rev3A_954, %rev3A_955 : vector<16xi32>
              %rev3A_957 = tpu.dynamic_gather %sort3A_951[%rev3A_956] in [0] : vector<16xf32>, vector<16xi32> -> vector<16xf32>
              %rev3A_958 = arith.constant 15 : i32
              %rev3A_959 = vector.broadcast %rev3A_958 : i32 to vector<16xi32>
              %rev3A_960 = tpu.iota {dimensions = array<i32: 0>} : vector<16xi32>
              %rev3A_961 = arith.subi %rev3A_959, %rev3A_960 : vector<16xi32>
              %rev3A_962 = tpu.dynamic_gather %rev3A_957[%rev3A_961] in [0] : vector<16xf32>, vector<16xi32> -> vector<16xf32>
              %max3A_963 = arith.maximumf %while3A_934, %rev3A_962 : vector<16xf32>
              %sort3A_964 = arith.constant dense<true> : vector<16xi1>
              %sort3A_965, %sort3A_966, %sort3A_967 = tpu.sort %max3A_963, %max3A_963 masked %sort3A_964 : (vector<16xf32>, vector<16xf32>, vector<16xi1>) -> (vector<16xi1>, vector<16xf32>, vector<16xf32>)
              %rev3A_968 = arith.constant 15 : i32
              %rev3A_969 = vector.broadcast %rev3A_968 : i32 to vector<16xi32>
              %rev3A_970 = tpu.iota {dimensions = array<i32: 0>} : vector<16xi32>
              %rev3A_971 = arith.subi %rev3A_969, %rev3A_970 : vector<16xi32>
              %rev3A_972 = tpu.dynamic_gather %sort3A_966[%rev3A_971] in [0] : vector<16xf32>, vector<16xi32> -> vector<16xf32>
              %rev3A_973 = arith.constant 15 : i32
              %rev3A_974 = vector.broadcast %rev3A_973 : i32 to vector<16xi32>
              %rev3A_975 = tpu.iota {dimensions = array<i32: 0>} : vector<16xi32>
              %rev3A_976 = arith.subi %rev3A_974, %rev3A_975 : vector<16xi32>
              %rev3A_977 = tpu.dynamic_gather %rev3A_972[%rev3A_976] in [0] : vector<16xf32>, vector<16xi32> -> vector<16xf32>
              %max3A_978 = arith.maximumf %while3A_933, %rev3A_977 : vector<16xf32>
              %rev3A_979 = arith.constant 15 : i32
              %rev3A_980 = vector.broadcast %rev3A_979 : i32 to vector<16xi32>
              %rev3A_981 = tpu.iota {dimensions = array<i32: 0>} : vector<16xi32>
              %rev3A_982 = arith.subi %rev3A_980, %rev3A_981 : vector<16xi32>
              %rev3A_983 = tpu.dynamic_gather %rev3A_972[%rev3A_982] in [0] : vector<16xf32>, vector<16xi32> -> vector<16xf32>
              %min3A_984 = arith.minimumf %while3A_933, %rev3A_983 : vector<16xf32>
              %sort3A_985 = arith.constant dense<true> : vector<16xi1>
              %sort3A_986, %sort3A_987, %sort3A_988 = tpu.sort %max3A_978, %max3A_978 masked %sort3A_985 : (vector<16xf32>, vector<16xf32>, vector<16xi1>) -> (vector<16xi1>, vector<16xf32>, vector<16xf32>)
              %rev3A_989 = arith.constant 15 : i32
              %rev3A_990 = vector.broadcast %rev3A_989 : i32 to vector<16xi32>
              %rev3A_991 = tpu.iota {dimensions = array<i32: 0>} : vector<16xi32>
              %rev3A_992 = arith.subi %rev3A_990, %rev3A_991 : vector<16xi32>
              %rev3A_993 = tpu.dynamic_gather %sort3A_987[%rev3A_992] in [0] : vector<16xf32>, vector<16xi32> -> vector<16xf32>
              %sort3A_994 = arith.constant dense<true> : vector<16xi1>
              %sort3A_995, %sort3A_996, %sort3A_997 = tpu.sort %min3A_984, %min3A_984 masked %sort3A_994 : (vector<16xf32>, vector<16xf32>, vector<16xi1>) -> (vector<16xi1>, vector<16xf32>, vector<16xf32>)
              %rev3A_998 = arith.constant 15 : i32
              %rev3A_999 = vector.broadcast %rev3A_998 : i32 to vector<16xi32>
              %rev3A_1000 = tpu.iota {dimensions = array<i32: 0>} : vector<16xi32>
              %rev3A_1001 = arith.subi %rev3A_999, %rev3A_1000 : vector<16xi32>
              %rev3A_1002 = tpu.dynamic_gather %sort3A_996[%rev3A_1001] in [0] : vector<16xf32>, vector<16xi32> -> vector<16xf32>
              %broadcast_in_dim3A_1003 = arith.constant 15 : i32
              %broadcast_in_dim3A_1004 = vector.broadcast %broadcast_in_dim3A_1003 : i32 to vector<16x1xi32>
              %gather3A_1005 = vector.shape_cast %broadcast_in_dim3A_1004 : vector<16x1xi32> to vector<16xi32>
              %gather3A_1006 = tpu.dynamic_gather %rev3A_1002[%gather3A_1005] in [0] : vector<16xf32>, vector<16xi32> -> vector<16xf32>
              %max3A_1007 = arith.maximumf %while3A_935, %gather3A_1006 : vector<16xf32>
              scf.yield %rev3A_993, %rev3A_1002, %max3A_1007 : vector<16xf32>, vector<16xf32>, vector<16xf32>
            } else {
              scf.yield %while3A_933, %while3A_934, %while3A_935 : vector<16xf32>, vector<16xf32>, vector<16xf32>
            }
            scf.yield %cond3A_948#0, %cond3A_948#1, %cond3A_948#2 : vector<16xf32>, vector<16xf32>, vector<16xf32>
          }
          %swap3A_928 = arith.constant 0 : i32
          %swap3A_929 = arith.constant 1 : i32
          %swap3A_930 = arith.index_cast %swap3A_929 : i32 to index
          %swap3A_931 = memref.load %arg9[%swap3A_930] : memref<2xi32, #tpu.memory_space<smem>>
          memref.store %swap3A_928, %arg9[%swap3A_930] : memref<2xi32, #tpu.memory_space<smem>>
          scf.yield %while3A_927#0, %while3A_927#1, %while3A_927#2 : vector<16xf32>, vector<16xf32>, vector<16xf32>
        } else {
          scf.yield %while3A_293, %while3A_294, %while3A_295 : vector<16xf32>, vector<16xf32>, vector<16xf32>
        }
        %mul3A_303 = arith.constant 16 : i32
        %mul3A_304 = arith.muli %while3A_292, %mul3A_303 : i32
        %get3A_305 = arith.index_cast %mul3A_304 : i32 to index
        %get3A_306 = tpu.vector_load %arg6[%get3A_305] {strides = array<i32>} : memref<10032xi32, #tpu.memory_space<vmem>>, vector<16xi32>,
        %slice3A_307 = vector.extract_strided_slice %get3A_306 {offsets = [0], sizes = [1], strides = [1]} : vector<16xi32> to vector<1xi32>
        %squeeze3A_308 = vector.extract %slice3A_307[0] : i32 from vector<1xi32>
        %shift_right_logical3A = arith.constant 4 : i32
        %shift_right_logical3A_309 = arith.shrui %squeeze3A_308, %shift_right_logical3A : i32
        %and3A_310 = arith.constant 15 : i32
        %and3A_311 = arith.andi %squeeze3A_308, %and3A_310 : i32
        %mul3A_312 = arith.constant 160 : i32
        %mul3A_313 = arith.muli %shift_right_logical3A_309, %mul3A_312 : i32
        %add3A_314 = arith.addi %mul3A_313, %and3A_311 : i32
        %ge3A_315 = arith.constant 0 : i32
        %ge3A_316 = arith.cmpi sge, %squeeze3A_308, %ge3A_315 : i32
        %and3A_317 = vector.broadcast %ge3A_316 : i1 to vector<16xi1>
        %and3A_318 = arith.andi %lt3A_202, %and3A_317 : vector<16xi1>
        %mul3A_319 = arith.constant 16 : i32
        %mul3A_320 = vector.broadcast %mul3A_319 : i32 to vector<16xi32>
        %mul3A_321 = arith.muli %iota3A, %mul3A_320 : vector<16xi32>
        %add3A_322 = vector.broadcast %add3A_314 : i32 to vector<16xi32>
        %add3A_323 = arith.addi %add3A_322, %mul3A_321 : vector<16xi32>
        %jit3A_324 = arith.constant 0 : i32
        %broadcast_in_dim3A_325 = vector.broadcast %jit3A_324 : i32 to vector<16xi32>
        %select_n3A_326 = arith.select %and3A_318, %add3A_323, %broadcast_in_dim3A_325 : vector<16xi1>, vector<16xi32>
        %gather3A_327 = tpu.vector_load_idx %arg4[%select_n3A_326] : memref<100000xf32, #tpu.memory_space<vmem>>[vector<16xi32>], vector<16xf32>,
        %ge3A_328 = arith.cmpf oge, %gather3A_327, %gather3A_170 : vector<16xf32>
        %and3A_329 = arith.andi %and3A_318, %ge3A_328 : vector<16xi1>
        %get3A_330 = arith.constant 1 : i32
        %get3A_331 = arith.index_cast %get3A_330 : i32 to index
        %get3A_332 = memref.load %arg9[%get3A_331] : memref<2xi32, #tpu.memory_space<smem>>
        %swap3A_333 = arith.index_cast %get3A_332 : i32 to index
        %swap3A_334 = tpu.vector_load %arg7[%swap3A_333] masked %and3A_329 {strides = array<i32>} : memref<2064xf32, #tpu.memory_space<vmem>>, vector<16xf32>, vector<16xi1>
        tpu.vector_store %arg7[%swap3A_333], %gather3A_327 masked %and3A_329 {strides = array<i32>} : memref<2064xf32, #tpu.memory_space<vmem>>, vector<16xf32>, vector<16xi1>
        %all_reduce_population_count3A_335 = tpu.all_reduce %and3A_329 {dim = 0 : i64, kind = #tpu.reduction_kind<sum>} : vector<16xi1> -> vector<16xi32>
        %slice3A_336 = vector.extract_strided_slice %all_reduce_population_count3A_335 {offsets = [0], sizes = [1], strides = [1]} : vector<16xi32> to vector<1xi32>
        %squeeze3A_337 = vector.extract %slice3A_336[0] : i32 from vector<1xi32>
        %add3A_338 = arith.addi %get3A_332, %squeeze3A_337 : i32
        %swap3A_339 = arith.constant 1 : i32
        %swap3A_340 = arith.index_cast %swap3A_339 : i32 to index
        %swap3A_341 = memref.load %arg9[%swap3A_340] : memref<2xi32, #tpu.memory_space<smem>>
        memref.store %add3A_338, %arg9[%swap3A_340] : memref<2xi32, #tpu.memory_space<smem>>
        %slice3A_342 = vector.extract_strided_slice %get3A_306 {offsets = [1], sizes = [1], strides = [1]} : vector<16xi32> to vector<1xi32>
        %squeeze3A_343 = vector.extract %slice3A_342[0] : i32 from vector<1xi32>
        %shift_right_logical3A_344 = arith.constant 4 : i32
        %shift_right_logical3A_345 = arith.shrui %squeeze3A_343, %shift_right_logical3A_344 : i32
        %and3A_346 = arith.constant 15 : i32
        %and3A_347 = arith.andi %squeeze3A_343, %and3A_346 : i32
        %mul3A_348 = arith.constant 160 : i32
        %mul3A_349 = arith.muli %shift_right_logical3A_345, %mul3A_348 : i32
        %add3A_350 = arith.addi %mul3A_349, %and3A_347 : i32
        %ge3A_351 = arith.constant 0 : i32
        %ge3A_352 = arith.cmpi sge, %squeeze3A_343, %ge3A_351 : i32
        %and3A_353 = vector.broadcast %ge3A_352 : i1 to vector<16xi1>
        %and3A_354 = arith.andi %lt3A_202, %and3A_353 : vector<16xi1>
        %mul3A_355 = arith.constant 16 : i32
        %mul3A_356 = vector.broadcast %mul3A_355 : i32 to vector<16xi32>
        %mul3A_357 = arith.muli %iota3A, %mul3A_356 : vector<16xi32>
        %add3A_358 = vector.broadcast %add3A_350 : i32 to vector<16xi32>
        %add3A_359 = arith.addi %add3A_358, %mul3A_357 : vector<16xi32>
        %jit3A_360 = arith.constant 0 : i32
        %broadcast_in_dim3A_361 = vector.broadcast %jit3A_360 : i32 to vector<16xi32>
        %select_n3A_362 = arith.select %and3A_354, %add3A_359, %broadcast_in_dim3A_361 : vector<16xi1>, vector<16xi32>
        %gather3A_363 = tpu.vector_load_idx %arg4[%select_n3A_362] : memref<100000xf32, #tpu.memory_space<vmem>>[vector<16xi32>], vector<16xf32>,
        %ge3A_364 = arith.cmpf oge, %gather3A_363, %gather3A_170 : vector<16xf32>
        %and3A_365 = arith.andi %and3A_354, %ge3A_364 : vector<16xi1>
        %get3A_366 = arith.constant 1 : i32
        %get3A_367 = arith.index_cast %get3A_366 : i32 to index
        %get3A_368 = memref.load %arg9[%get3A_367] : memref<2xi32, #tpu.memory_space<smem>>
        %swap3A_369 = arith.index_cast %get3A_368 : i32 to index
        %swap3A_370 = tpu.vector_load %arg7[%swap3A_369] masked %and3A_365 {strides = array<i32>} : memref<2064xf32, #tpu.memory_space<vmem>>, vector<16xf32>, vector<16xi1>
        tpu.vector_store %arg7[%swap3A_369], %gather3A_363 masked %and3A_365 {strides = array<i32>} : memref<2064xf32, #tpu.memory_space<vmem>>, vector<16xf32>, vector<16xi1>
        %all_reduce_population_count3A_371 = tpu.all_reduce %and3A_365 {dim = 0 : i64, kind = #tpu.reduction_kind<sum>} : vector<16xi1> -> vector<16xi32>
        %slice3A_372 = vector.extract_strided_slice %all_reduce_population_count3A_371 {offsets = [0], sizes = [1], strides = [1]} : vector<16xi32> to vector<1xi32>
        %squeeze3A_373 = vector.extract %slice3A_372[0] : i32 from vector<1xi32>
        %add3A_374 = arith.addi %get3A_368, %squeeze3A_373 : i32
        %swap3A_375 = arith.constant 1 : i32
        %swap3A_376 = arith.index_cast %swap3A_375 : i32 to index
        %swap3A_377 = memref.load %arg9[%swap3A_376] : memref<2xi32, #tpu.memory_space<smem>>
        memref.store %add3A_374, %arg9[%swap3A_376] : memref<2xi32, #tpu.memory_space<smem>>
        %slice3A_378 = vector.extract_strided_slice %get3A_306 {offsets = [2], sizes = [1], strides = [1]} : vector<16xi32> to vector<1xi32>
        %squeeze3A_379 = vector.extract %slice3A_378[0] : i32 from vector<1xi32>
        %shift_right_logical3A_380 = arith.constant 4 : i32
        %shift_right_logical3A_381 = arith.shrui %squeeze3A_379, %shift_right_logical3A_380 : i32
        %and3A_382 = arith.constant 15 : i32
        %and3A_383 = arith.andi %squeeze3A_379, %and3A_382 : i32
        %mul3A_384 = arith.constant 160 : i32
        %mul3A_385 = arith.muli %shift_right_logical3A_381, %mul3A_384 : i32
        %add3A_386 = arith.addi %mul3A_385, %and3A_383 : i32
        %ge3A_387 = arith.constant 0 : i32
        %ge3A_388 = arith.cmpi sge, %squeeze3A_379, %ge3A_387 : i32
        %and3A_389 = vector.broadcast %ge3A_388 : i1 to vector<16xi1>
        %and3A_390 = arith.andi %lt3A_202, %and3A_389 : vector<16xi1>
        %mul3A_391 = arith.constant 16 : i32
        %mul3A_392 = vector.broadcast %mul3A_391 : i32 to vector<16xi32>
        %mul3A_393 = arith.muli %iota3A, %mul3A_392 : vector<16xi32>
        %add3A_394 = vector.broadcast %add3A_386 : i32 to vector<16xi32>
        %add3A_395 = arith.addi %add3A_394, %mul3A_393 : vector<16xi32>
        %jit3A_396 = arith.constant 0 : i32
        %broadcast_in_dim3A_397 = vector.broadcast %jit3A_396 : i32 to vector<16xi32>
        %select_n3A_398 = arith.select %and3A_390, %add3A_395, %broadcast_in_dim3A_397 : vector<16xi1>, vector<16xi32>
        %gather3A_399 = tpu.vector_load_idx %arg4[%select_n3A_398] : memref<100000xf32, #tpu.memory_space<vmem>>[vector<16xi32>], vector<16xf32>,
        %ge3A_400 = arith.cmpf oge, %gather3A_399, %gather3A_170 : vector<16xf32>
        %and3A_401 = arith.andi %and3A_390, %ge3A_400 : vector<16xi1>
        %get3A_402 = arith.constant 1 : i32
        %get3A_403 = arith.index_cast %get3A_402 : i32 to index
        %get3A_404 = memref.load %arg9[%get3A_403] : memref<2xi32, #tpu.memory_space<smem>>
        %swap3A_405 = arith.index_cast %get3A_404 : i32 to index
        %swap3A_406 = tpu.vector_load %arg7[%swap3A_405] masked %and3A_401 {strides = array<i32>} : memref<2064xf32, #tpu.memory_space<vmem>>, vector<16xf32>, vector<16xi1>
        tpu.vector_store %arg7[%swap3A_405], %gather3A_399 masked %and3A_401 {strides = array<i32>} : memref<2064xf32, #tpu.memory_space<vmem>>, vector<16xf32>, vector<16xi1>
        %all_reduce_population_count3A_407 = tpu.all_reduce %and3A_401 {dim = 0 : i64, kind = #tpu.reduction_kind<sum>} : vector<16xi1> -> vector<16xi32>
        %slice3A_408 = vector.extract_strided_slice %all_reduce_population_count3A_407 {offsets = [0], sizes = [1], strides = [1]} : vector<16xi32> to vector<1xi32>
        %squeeze3A_409 = vector.extract %slice3A_408[0] : i32 from vector<1xi32>
        %add3A_410 = arith.addi %get3A_404, %squeeze3A_409 : i32
        %swap3A_411 = arith.constant 1 : i32
        %swap3A_412 = arith.index_cast %swap3A_411 : i32 to index
        %swap3A_413 = memref.load %arg9[%swap3A_412] : memref<2xi32, #tpu.memory_space<smem>>
        memref.store %add3A_410, %arg9[%swap3A_412] : memref<2xi32, #tpu.memory_space<smem>>
        %slice3A_414 = vector.extract_strided_slice %get3A_306 {offsets = [3], sizes = [1], strides = [1]} : vector<16xi32> to vector<1xi32>
        %squeeze3A_415 = vector.extract %slice3A_414[0] : i32 from vector<1xi32>
        %shift_right_logical3A_416 = arith.constant 4 : i32
        %shift_right_logical3A_417 = arith.shrui %squeeze3A_415, %shift_right_logical3A_416 : i32
        %and3A_418 = arith.constant 15 : i32
        %and3A_419 = arith.andi %squeeze3A_415, %and3A_418 : i32
        %mul3A_420 = arith.constant 160 : i32
        %mul3A_421 = arith.muli %shift_right_logical3A_417, %mul3A_420 : i32
        %add3A_422 = arith.addi %mul3A_421, %and3A_419 : i32
        %ge3A_423 = arith.constant 0 : i32
        %ge3A_424 = arith.cmpi sge, %squeeze3A_415, %ge3A_423 : i32
        %and3A_425 = vector.broadcast %ge3A_424 : i1 to vector<16xi1>
        %and3A_426 = arith.andi %lt3A_202, %and3A_425 : vector<16xi1>
        %mul3A_427 = arith.constant 16 : i32
        %mul3A_428 = vector.broadcast %mul3A_427 : i32 to vector<16xi32>
        %mul3A_429 = arith.muli %iota3A, %mul3A_428 : vector<16xi32>
        %add3A_430 = vector.broadcast %add3A_422 : i32 to vector<16xi32>
        %add3A_431 = arith.addi %add3A_430, %mul3A_429 : vector<16xi32>
        %jit3A_432 = arith.constant 0 : i32
        %broadcast_in_dim3A_433 = vector.broadcast %jit3A_432 : i32 to vector<16xi32>
        %select_n3A_434 = arith.select %and3A_426, %add3A_431, %broadcast_in_dim3A_433 : vector<16xi1>, vector<16xi32>
        %gather3A_435 = tpu.vector_load_idx %arg4[%select_n3A_434] : memref<100000xf32, #tpu.memory_space<vmem>>[vector<16xi32>], vector<16xf32>,
        %ge3A_436 = arith.cmpf oge, %gather3A_435, %gather3A_170 : vector<16xf32>
        %and3A_437 = arith.andi %and3A_426, %ge3A_436 : vector<16xi1>
        %get3A_438 = arith.constant 1 : i32
        %get3A_439 = arith.index_cast %get3A_438 : i32 to index
        %get3A_440 = memref.load %arg9[%get3A_439] : memref<2xi32, #tpu.memory_space<smem>>
        %swap3A_441 = arith.index_cast %get3A_440 : i32 to index
        %swap3A_442 = tpu.vector_load %arg7[%swap3A_441] masked %and3A_437 {strides = array<i32>} : memref<2064xf32, #tpu.memory_space<vmem>>, vector<16xf32>, vector<16xi1>
        tpu.vector_store %arg7[%swap3A_441], %gather3A_435 masked %and3A_437 {strides = array<i32>} : memref<2064xf32, #tpu.memory_space<vmem>>, vector<16xf32>, vector<16xi1>
        %all_reduce_population_count3A_443 = tpu.all_reduce %and3A_437 {dim = 0 : i64, kind = #tpu.reduction_kind<sum>} : vector<16xi1> -> vector<16xi32>
        %slice3A_444 = vector.extract_strided_slice %all_reduce_population_count3A_443 {offsets = [0], sizes = [1], strides = [1]} : vector<16xi32> to vector<1xi32>
        %squeeze3A_445 = vector.extract %slice3A_444[0] : i32 from vector<1xi32>
        %add3A_446 = arith.addi %get3A_440, %squeeze3A_445 : i32
        %swap3A_447 = arith.constant 1 : i32
        %swap3A_448 = arith.index_cast %swap3A_447 : i32 to index
        %swap3A_449 = memref.load %arg9[%swap3A_448] : memref<2xi32, #tpu.memory_space<smem>>
        memref.store %add3A_446, %arg9[%swap3A_448] : memref<2xi32, #tpu.memory_space<smem>>
        %slice3A_450 = vector.extract_strided_slice %get3A_306 {offsets = [4], sizes = [1], strides = [1]} : vector<16xi32> to vector<1xi32>
        %squeeze3A_451 = vector.extract %slice3A_450[0] : i32 from vector<1xi32>
        %shift_right_logical3A_452 = arith.constant 4 : i32
        %shift_right_logical3A_453 = arith.shrui %squeeze3A_451, %shift_right_logical3A_452 : i32
        %and3A_454 = arith.constant 15 : i32
        %and3A_455 = arith.andi %squeeze3A_451, %and3A_454 : i32
        %mul3A_456 = arith.constant 160 : i32
        %mul3A_457 = arith.muli %shift_right_logical3A_453, %mul3A_456 : i32
        %add3A_458 = arith.addi %mul3A_457, %and3A_455 : i32
        %ge3A_459 = arith.constant 0 : i32
        %ge3A_460 = arith.cmpi sge, %squeeze3A_451, %ge3A_459 : i32
        %and3A_461 = vector.broadcast %ge3A_460 : i1 to vector<16xi1>
        %and3A_462 = arith.andi %lt3A_202, %and3A_461 : vector<16xi1>
        %mul3A_463 = arith.constant 16 : i32
        %mul3A_464 = vector.broadcast %mul3A_463 : i32 to vector<16xi32>
        %mul3A_465 = arith.muli %iota3A, %mul3A_464 : vector<16xi32>
        %add3A_466 = vector.broadcast %add3A_458 : i32 to vector<16xi32>
        %add3A_467 = arith.addi %add3A_466, %mul3A_465 : vector<16xi32>
        %jit3A_468 = arith.constant 0 : i32
        %broadcast_in_dim3A_469 = vector.broadcast %jit3A_468 : i32 to vector<16xi32>
        %select_n3A_470 = arith.select %and3A_462, %add3A_467, %broadcast_in_dim3A_469 : vector<16xi1>, vector<16xi32>
        %gather3A_471 = tpu.vector_load_idx %arg4[%select_n3A_470] : memref<100000xf32, #tpu.memory_space<vmem>>[vector<16xi32>], vector<16xf32>,
        %ge3A_472 = arith.cmpf oge, %gather3A_471, %gather3A_170 : vector<16xf32>
        %and3A_473 = arith.andi %and3A_462, %ge3A_472 : vector<16xi1>
        %get3A_474 = arith.constant 1 : i32
        %get3A_475 = arith.index_cast %get3A_474 : i32 to index
        %get3A_476 = memref.load %arg9[%get3A_475] : memref<2xi32, #tpu.memory_space<smem>>
        %swap3A_477 = arith.index_cast %get3A_476 : i32 to index
        %swap3A_478 = tpu.vector_load %arg7[%swap3A_477] masked %and3A_473 {strides = array<i32>} : memref<2064xf32, #tpu.memory_space<vmem>>, vector<16xf32>, vector<16xi1>
        tpu.vector_store %arg7[%swap3A_477], %gather3A_471 masked %and3A_473 {strides = array<i32>} : memref<2064xf32, #tpu.memory_space<vmem>>, vector<16xf32>, vector<16xi1>
        %all_reduce_population_count3A_479 = tpu.all_reduce %and3A_473 {dim = 0 : i64, kind = #tpu.reduction_kind<sum>} : vector<16xi1> -> vector<16xi32>
        %slice3A_480 = vector.extract_strided_slice %all_reduce_population_count3A_479 {offsets = [0], sizes = [1], strides = [1]} : vector<16xi32> to vector<1xi32>
        %squeeze3A_481 = vector.extract %slice3A_480[0] : i32 from vector<1xi32>
        %add3A_482 = arith.addi %get3A_476, %squeeze3A_481 : i32
        %swap3A_483 = arith.constant 1 : i32
        %swap3A_484 = arith.index_cast %swap3A_483 : i32 to index
        %swap3A_485 = memref.load %arg9[%swap3A_484] : memref<2xi32, #tpu.memory_space<smem>>
        memref.store %add3A_482, %arg9[%swap3A_484] : memref<2xi32, #tpu.memory_space<smem>>
        %slice3A_486 = vector.extract_strided_slice %get3A_306 {offsets = [5], sizes = [1], strides = [1]} : vector<16xi32> to vector<1xi32>
        %squeeze3A_487 = vector.extract %slice3A_486[0] : i32 from vector<1xi32>
        %shift_right_logical3A_488 = arith.constant 4 : i32
        %shift_right_logical3A_489 = arith.shrui %squeeze3A_487, %shift_right_logical3A_488 : i32
        %and3A_490 = arith.constant 15 : i32
        %and3A_491 = arith.andi %squeeze3A_487, %and3A_490 : i32
        %mul3A_492 = arith.constant 160 : i32
        %mul3A_493 = arith.muli %shift_right_logical3A_489, %mul3A_492 : i32
        %add3A_494 = arith.addi %mul3A_493, %and3A_491 : i32
        %ge3A_495 = arith.constant 0 : i32
        %ge3A_496 = arith.cmpi sge, %squeeze3A_487, %ge3A_495 : i32
        %and3A_497 = vector.broadcast %ge3A_496 : i1 to vector<16xi1>
        %and3A_498 = arith.andi %lt3A_202, %and3A_497 : vector<16xi1>
        %mul3A_499 = arith.constant 16 : i32
        %mul3A_500 = vector.broadcast %mul3A_499 : i32 to vector<16xi32>
        %mul3A_501 = arith.muli %iota3A, %mul3A_500 : vector<16xi32>
        %add3A_502 = vector.broadcast %add3A_494 : i32 to vector<16xi32>
        %add3A_503 = arith.addi %add3A_502, %mul3A_501 : vector<16xi32>
        %jit3A_504 = arith.constant 0 : i32
        %broadcast_in_dim3A_505 = vector.broadcast %jit3A_504 : i32 to vector<16xi32>
        %select_n3A_506 = arith.select %and3A_498, %add3A_503, %broadcast_in_dim3A_505 : vector<16xi1>, vector<16xi32>
        %gather3A_507 = tpu.vector_load_idx %arg4[%select_n3A_506] : memref<100000xf32, #tpu.memory_space<vmem>>[vector<16xi32>], vector<16xf32>,
        %ge3A_508 = arith.cmpf oge, %gather3A_507, %gather3A_170 : vector<16xf32>
        %and3A_509 = arith.andi %and3A_498, %ge3A_508 : vector<16xi1>
        %get3A_510 = arith.constant 1 : i32
        %get3A_511 = arith.index_cast %get3A_510 : i32 to index
        %get3A_512 = memref.load %arg9[%get3A_511] : memref<2xi32, #tpu.memory_space<smem>>
        %swap3A_513 = arith.index_cast %get3A_512 : i32 to index
        %swap3A_514 = tpu.vector_load %arg7[%swap3A_513] masked %and3A_509 {strides = array<i32>} : memref<2064xf32, #tpu.memory_space<vmem>>, vector<16xf32>, vector<16xi1>
        tpu.vector_store %arg7[%swap3A_513], %gather3A_507 masked %and3A_509 {strides = array<i32>} : memref<2064xf32, #tpu.memory_space<vmem>>, vector<16xf32>, vector<16xi1>
        %all_reduce_population_count3A_515 = tpu.all_reduce %and3A_509 {dim = 0 : i64, kind = #tpu.reduction_kind<sum>} : vector<16xi1> -> vector<16xi32>
        %slice3A_516 = vector.extract_strided_slice %all_reduce_population_count3A_515 {offsets = [0], sizes = [1], strides = [1]} : vector<16xi32> to vector<1xi32>
        %squeeze3A_517 = vector.extract %slice3A_516[0] : i32 from vector<1xi32>
        %add3A_518 = arith.addi %get3A_512, %squeeze3A_517 : i32
        %swap3A_519 = arith.constant 1 : i32
        %swap3A_520 = arith.index_cast %swap3A_519 : i32 to index
        %swap3A_521 = memref.load %arg9[%swap3A_520] : memref<2xi32, #tpu.memory_space<smem>>
        memref.store %add3A_518, %arg9[%swap3A_520] : memref<2xi32, #tpu.memory_space<smem>>
        %slice3A_522 = vector.extract_strided_slice %get3A_306 {offsets = [6], sizes = [1], strides = [1]} : vector<16xi32> to vector<1xi32>
        %squeeze3A_523 = vector.extract %slice3A_522[0] : i32 from vector<1xi32>
        %shift_right_logical3A_524 = arith.constant 4 : i32
        %shift_right_logical3A_525 = arith.shrui %squeeze3A_523, %shift_right_logical3A_524 : i32
        %and3A_526 = arith.constant 15 : i32
        %and3A_527 = arith.andi %squeeze3A_523, %and3A_526 : i32
        %mul3A_528 = arith.constant 160 : i32
        %mul3A_529 = arith.muli %shift_right_logical3A_525, %mul3A_528 : i32
        %add3A_530 = arith.addi %mul3A_529, %and3A_527 : i32
        %ge3A_531 = arith.constant 0 : i32
        %ge3A_532 = arith.cmpi sge, %squeeze3A_523, %ge3A_531 : i32
        %and3A_533 = vector.broadcast %ge3A_532 : i1 to vector<16xi1>
        %and3A_534 = arith.andi %lt3A_202, %and3A_533 : vector<16xi1>
        %mul3A_535 = arith.constant 16 : i32
        %mul3A_536 = vector.broadcast %mul3A_535 : i32 to vector<16xi32>
        %mul3A_537 = arith.muli %iota3A, %mul3A_536 : vector<16xi32>
        %add3A_538 = vector.broadcast %add3A_530 : i32 to vector<16xi32>
        %add3A_539 = arith.addi %add3A_538, %mul3A_537 : vector<16xi32>
        %jit3A_540 = arith.constant 0 : i32
        %broadcast_in_dim3A_541 = vector.broadcast %jit3A_540 : i32 to vector<16xi32>
        %select_n3A_542 = arith.select %and3A_534, %add3A_539, %broadcast_in_dim3A_541 : vector<16xi1>, vector<16xi32>
        %gather3A_543 = tpu.vector_load_idx %arg4[%select_n3A_542] : memref<100000xf32, #tpu.memory_space<vmem>>[vector<16xi32>], vector<16xf32>,
        %ge3A_544 = arith.cmpf oge, %gather3A_543, %gather3A_170 : vector<16xf32>
        %and3A_545 = arith.andi %and3A_534, %ge3A_544 : vector<16xi1>
        %get3A_546 = arith.constant 1 : i32
        %get3A_547 = arith.index_cast %get3A_546 : i32 to index
        %get3A_548 = memref.load %arg9[%get3A_547] : memref<2xi32, #tpu.memory_space<smem>>
        %swap3A_549 = arith.index_cast %get3A_548 : i32 to index
        %swap3A_550 = tpu.vector_load %arg7[%swap3A_549] masked %and3A_545 {strides = array<i32>} : memref<2064xf32, #tpu.memory_space<vmem>>, vector<16xf32>, vector<16xi1>
        tpu.vector_store %arg7[%swap3A_549], %gather3A_543 masked %and3A_545 {strides = array<i32>} : memref<2064xf32, #tpu.memory_space<vmem>>, vector<16xf32>, vector<16xi1>
        %all_reduce_population_count3A_551 = tpu.all_reduce %and3A_545 {dim = 0 : i64, kind = #tpu.reduction_kind<sum>} : vector<16xi1> -> vector<16xi32>
        %slice3A_552 = vector.extract_strided_slice %all_reduce_population_count3A_551 {offsets = [0], sizes = [1], strides = [1]} : vector<16xi32> to vector<1xi32>
        %squeeze3A_553 = vector.extract %slice3A_552[0] : i32 from vector<1xi32>
        %add3A_554 = arith.addi %get3A_548, %squeeze3A_553 : i32
        %swap3A_555 = arith.constant 1 : i32
        %swap3A_556 = arith.index_cast %swap3A_555 : i32 to index
        %swap3A_557 = memref.load %arg9[%swap3A_556] : memref<2xi32, #tpu.memory_space<smem>>
        memref.store %add3A_554, %arg9[%swap3A_556] : memref<2xi32, #tpu.memory_space<smem>>
        %slice3A_558 = vector.extract_strided_slice %get3A_306 {offsets = [7], sizes = [1], strides = [1]} : vector<16xi32> to vector<1xi32>
        %squeeze3A_559 = vector.extract %slice3A_558[0] : i32 from vector<1xi32>
        %shift_right_logical3A_560 = arith.constant 4 : i32
        %shift_right_logical3A_561 = arith.shrui %squeeze3A_559, %shift_right_logical3A_560 : i32
        %and3A_562 = arith.constant 15 : i32
        %and3A_563 = arith.andi %squeeze3A_559, %and3A_562 : i32
        %mul3A_564 = arith.constant 160 : i32
        %mul3A_565 = arith.muli %shift_right_logical3A_561, %mul3A_564 : i32
        %add3A_566 = arith.addi %mul3A_565, %and3A_563 : i32
        %ge3A_567 = arith.constant 0 : i32
        %ge3A_568 = arith.cmpi sge, %squeeze3A_559, %ge3A_567 : i32
        %and3A_569 = vector.broadcast %ge3A_568 : i1 to vector<16xi1>
        %and3A_570 = arith.andi %lt3A_202, %and3A_569 : vector<16xi1>
        %mul3A_571 = arith.constant 16 : i32
        %mul3A_572 = vector.broadcast %mul3A_571 : i32 to vector<16xi32>
        %mul3A_573 = arith.muli %iota3A, %mul3A_572 : vector<16xi32>
        %add3A_574 = vector.broadcast %add3A_566 : i32 to vector<16xi32>
        %add3A_575 = arith.addi %add3A_574, %mul3A_573 : vector<16xi32>
        %jit3A_576 = arith.constant 0 : i32
        %broadcast_in_dim3A_577 = vector.broadcast %jit3A_576 : i32 to vector<16xi32>
        %select_n3A_578 = arith.select %and3A_570, %add3A_575, %broadcast_in_dim3A_577 : vector<16xi1>, vector<16xi32>
        %gather3A_579 = tpu.vector_load_idx %arg4[%select_n3A_578] : memref<100000xf32, #tpu.memory_space<vmem>>[vector<16xi32>], vector<16xf32>,
        %ge3A_580 = arith.cmpf oge, %gather3A_579, %gather3A_170 : vector<16xf32>
        %and3A_581 = arith.andi %and3A_570, %ge3A_580 : vector<16xi1>
        %get3A_582 = arith.constant 1 : i32
        %get3A_583 = arith.index_cast %get3A_582 : i32 to index
        %get3A_584 = memref.load %arg9[%get3A_583] : memref<2xi32, #tpu.memory_space<smem>>
        %swap3A_585 = arith.index_cast %get3A_584 : i32 to index
        %swap3A_586 = tpu.vector_load %arg7[%swap3A_585] masked %and3A_581 {strides = array<i32>} : memref<2064xf32, #tpu.memory_space<vmem>>, vector<16xf32>, vector<16xi1>
        tpu.vector_store %arg7[%swap3A_585], %gather3A_579 masked %and3A_581 {strides = array<i32>} : memref<2064xf32, #tpu.memory_space<vmem>>, vector<16xf32>, vector<16xi1>
        %all_reduce_population_count3A_587 = tpu.all_reduce %and3A_581 {dim = 0 : i64, kind = #tpu.reduction_kind<sum>} : vector<16xi1> -> vector<16xi32>
        %slice3A_588 = vector.extract_strided_slice %all_reduce_population_count3A_587 {offsets = [0], sizes = [1], strides = [1]} : vector<16xi32> to vector<1xi32>
        %squeeze3A_589 = vector.extract %slice3A_588[0] : i32 from vector<1xi32>
        %add3A_590 = arith.addi %get3A_584, %squeeze3A_589 : i32
        %swap3A_591 = arith.constant 1 : i32
        %swap3A_592 = arith.index_cast %swap3A_591 : i32 to index
        %swap3A_593 = memref.load %arg9[%swap3A_592] : memref<2xi32, #tpu.memory_space<smem>>
        memref.store %add3A_590, %arg9[%swap3A_592] : memref<2xi32, #tpu.memory_space<smem>>
        %slice3A_594 = vector.extract_strided_slice %get3A_306 {offsets = [8], sizes = [1], strides = [1]} : vector<16xi32> to vector<1xi32>
        %squeeze3A_595 = vector.extract %slice3A_594[0] : i32 from vector<1xi32>
        %shift_right_logical3A_596 = arith.constant 4 : i32
        %shift_right_logical3A_597 = arith.shrui %squeeze3A_595, %shift_right_logical3A_596 : i32
        %and3A_598 = arith.constant 15 : i32
        %and3A_599 = arith.andi %squeeze3A_595, %and3A_598 : i32
        %mul3A_600 = arith.constant 160 : i32
        %mul3A_601 = arith.muli %shift_right_logical3A_597, %mul3A_600 : i32
        %add3A_602 = arith.addi %mul3A_601, %and3A_599 : i32
        %ge3A_603 = arith.constant 0 : i32
        %ge3A_604 = arith.cmpi sge, %squeeze3A_595, %ge3A_603 : i32
        %and3A_605 = vector.broadcast %ge3A_604 : i1 to vector<16xi1>
        %and3A_606 = arith.andi %lt3A_202, %and3A_605 : vector<16xi1>
        %mul3A_607 = arith.constant 16 : i32
        %mul3A_608 = vector.broadcast %mul3A_607 : i32 to vector<16xi32>
        %mul3A_609 = arith.muli %iota3A, %mul3A_608 : vector<16xi32>
        %add3A_610 = vector.broadcast %add3A_602 : i32 to vector<16xi32>
        %add3A_611 = arith.addi %add3A_610, %mul3A_609 : vector<16xi32>
        %jit3A_612 = arith.constant 0 : i32
        %broadcast_in_dim3A_613 = vector.broadcast %jit3A_612 : i32 to vector<16xi32>
        %select_n3A_614 = arith.select %and3A_606, %add3A_611, %broadcast_in_dim3A_613 : vector<16xi1>, vector<16xi32>
        %gather3A_615 = tpu.vector_load_idx %arg4[%select_n3A_614] : memref<100000xf32, #tpu.memory_space<vmem>>[vector<16xi32>], vector<16xf32>,
        %ge3A_616 = arith.cmpf oge, %gather3A_615, %gather3A_170 : vector<16xf32>
        %and3A_617 = arith.andi %and3A_606, %ge3A_616 : vector<16xi1>
        %get3A_618 = arith.constant 1 : i32
        %get3A_619 = arith.index_cast %get3A_618 : i32 to index
        %get3A_620 = memref.load %arg9[%get3A_619] : memref<2xi32, #tpu.memory_space<smem>>
        %swap3A_621 = arith.index_cast %get3A_620 : i32 to index
        %swap3A_622 = tpu.vector_load %arg7[%swap3A_621] masked %and3A_617 {strides = array<i32>} : memref<2064xf32, #tpu.memory_space<vmem>>, vector<16xf32>, vector<16xi1>
        tpu.vector_store %arg7[%swap3A_621], %gather3A_615 masked %and3A_617 {strides = array<i32>} : memref<2064xf32, #tpu.memory_space<vmem>>, vector<16xf32>, vector<16xi1>
        %all_reduce_population_count3A_623 = tpu.all_reduce %and3A_617 {dim = 0 : i64, kind = #tpu.reduction_kind<sum>} : vector<16xi1> -> vector<16xi32>
        %slice3A_624 = vector.extract_strided_slice %all_reduce_population_count3A_623 {offsets = [0], sizes = [1], strides = [1]} : vector<16xi32> to vector<1xi32>
        %squeeze3A_625 = vector.extract %slice3A_624[0] : i32 from vector<1xi32>
        %add3A_626 = arith.addi %get3A_620, %squeeze3A_625 : i32
        %swap3A_627 = arith.constant 1 : i32
        %swap3A_628 = arith.index_cast %swap3A_627 : i32 to index
        %swap3A_629 = memref.load %arg9[%swap3A_628] : memref<2xi32, #tpu.memory_space<smem>>
        memref.store %add3A_626, %arg9[%swap3A_628] : memref<2xi32, #tpu.memory_space<smem>>
        %slice3A_630 = vector.extract_strided_slice %get3A_306 {offsets = [9], sizes = [1], strides = [1]} : vector<16xi32> to vector<1xi32>
        %squeeze3A_631 = vector.extract %slice3A_630[0] : i32 from vector<1xi32>
        %shift_right_logical3A_632 = arith.constant 4 : i32
        %shift_right_logical3A_633 = arith.shrui %squeeze3A_631, %shift_right_logical3A_632 : i32
        %and3A_634 = arith.constant 15 : i32
        %and3A_635 = arith.andi %squeeze3A_631, %and3A_634 : i32
        %mul3A_636 = arith.constant 160 : i32
        %mul3A_637 = arith.muli %shift_right_logical3A_633, %mul3A_636 : i32
        %add3A_638 = arith.addi %mul3A_637, %and3A_635 : i32
        %ge3A_639 = arith.constant 0 : i32
        %ge3A_640 = arith.cmpi sge, %squeeze3A_631, %ge3A_639 : i32
        %and3A_641 = vector.broadcast %ge3A_640 : i1 to vector<16xi1>
        %and3A_642 = arith.andi %lt3A_202, %and3A_641 : vector<16xi1>
        %mul3A_643 = arith.constant 16 : i32
        %mul3A_644 = vector.broadcast %mul3A_643 : i32 to vector<16xi32>
        %mul3A_645 = arith.muli %iota3A, %mul3A_644 : vector<16xi32>
        %add3A_646 = vector.broadcast %add3A_638 : i32 to vector<16xi32>
        %add3A_647 = arith.addi %add3A_646, %mul3A_645 : vector<16xi32>
        %jit3A_648 = arith.constant 0 : i32
        %broadcast_in_dim3A_649 = vector.broadcast %jit3A_648 : i32 to vector<16xi32>
        %select_n3A_650 = arith.select %and3A_642, %add3A_647, %broadcast_in_dim3A_649 : vector<16xi1>, vector<16xi32>
        %gather3A_651 = tpu.vector_load_idx %arg4[%select_n3A_650] : memref<100000xf32, #tpu.memory_space<vmem>>[vector<16xi32>], vector<16xf32>,
        %ge3A_652 = arith.cmpf oge, %gather3A_651, %gather3A_170 : vector<16xf32>
        %and3A_653 = arith.andi %and3A_642, %ge3A_652 : vector<16xi1>
        %get3A_654 = arith.constant 1 : i32
        %get3A_655 = arith.index_cast %get3A_654 : i32 to index
        %get3A_656 = memref.load %arg9[%get3A_655] : memref<2xi32, #tpu.memory_space<smem>>
        %swap3A_657 = arith.index_cast %get3A_656 : i32 to index
        %swap3A_658 = tpu.vector_load %arg7[%swap3A_657] masked %and3A_653 {strides = array<i32>} : memref<2064xf32, #tpu.memory_space<vmem>>, vector<16xf32>, vector<16xi1>
        tpu.vector_store %arg7[%swap3A_657], %gather3A_651 masked %and3A_653 {strides = array<i32>} : memref<2064xf32, #tpu.memory_space<vmem>>, vector<16xf32>, vector<16xi1>
        %all_reduce_population_count3A_659 = tpu.all_reduce %and3A_653 {dim = 0 : i64, kind = #tpu.reduction_kind<sum>} : vector<16xi1> -> vector<16xi32>
        %slice3A_660 = vector.extract_strided_slice %all_reduce_population_count3A_659 {offsets = [0], sizes = [1], strides = [1]} : vector<16xi32> to vector<1xi32>
        %squeeze3A_661 = vector.extract %slice3A_660[0] : i32 from vector<1xi32>
        %add3A_662 = arith.addi %get3A_656, %squeeze3A_661 : i32
        %swap3A_663 = arith.constant 1 : i32
        %swap3A_664 = arith.index_cast %swap3A_663 : i32 to index
        %swap3A_665 = memref.load %arg9[%swap3A_664] : memref<2xi32, #tpu.memory_space<smem>>
        memref.store %add3A_662, %arg9[%swap3A_664] : memref<2xi32, #tpu.memory_space<smem>>
        %slice3A_666 = vector.extract_strided_slice %get3A_306 {offsets = [10], sizes = [1], strides = [1]} : vector<16xi32> to vector<1xi32>
        %squeeze3A_667 = vector.extract %slice3A_666[0] : i32 from vector<1xi32>
        %shift_right_logical3A_668 = arith.constant 4 : i32
        %shift_right_logical3A_669 = arith.shrui %squeeze3A_667, %shift_right_logical3A_668 : i32
        %and3A_670 = arith.constant 15 : i32
        %and3A_671 = arith.andi %squeeze3A_667, %and3A_670 : i32
        %mul3A_672 = arith.constant 160 : i32
        %mul3A_673 = arith.muli %shift_right_logical3A_669, %mul3A_672 : i32
        %add3A_674 = arith.addi %mul3A_673, %and3A_671 : i32
        %ge3A_675 = arith.constant 0 : i32
        %ge3A_676 = arith.cmpi sge, %squeeze3A_667, %ge3A_675 : i32
        %and3A_677 = vector.broadcast %ge3A_676 : i1 to vector<16xi1>
        %and3A_678 = arith.andi %lt3A_202, %and3A_677 : vector<16xi1>
        %mul3A_679 = arith.constant 16 : i32
        %mul3A_680 = vector.broadcast %mul3A_679 : i32 to vector<16xi32>
        %mul3A_681 = arith.muli %iota3A, %mul3A_680 : vector<16xi32>
        %add3A_682 = vector.broadcast %add3A_674 : i32 to vector<16xi32>
        %add3A_683 = arith.addi %add3A_682, %mul3A_681 : vector<16xi32>
        %jit3A_684 = arith.constant 0 : i32
        %broadcast_in_dim3A_685 = vector.broadcast %jit3A_684 : i32 to vector<16xi32>
        %select_n3A_686 = arith.select %and3A_678, %add3A_683, %broadcast_in_dim3A_685 : vector<16xi1>, vector<16xi32>
        %gather3A_687 = tpu.vector_load_idx %arg4[%select_n3A_686] : memref<100000xf32, #tpu.memory_space<vmem>>[vector<16xi32>], vector<16xf32>,
        %ge3A_688 = arith.cmpf oge, %gather3A_687, %gather3A_170 : vector<16xf32>
        %and3A_689 = arith.andi %and3A_678, %ge3A_688 : vector<16xi1>
        %get3A_690 = arith.constant 1 : i32
        %get3A_691 = arith.index_cast %get3A_690 : i32 to index
        %get3A_692 = memref.load %arg9[%get3A_691] : memref<2xi32, #tpu.memory_space<smem>>
        %swap3A_693 = arith.index_cast %get3A_692 : i32 to index
        %swap3A_694 = tpu.vector_load %arg7[%swap3A_693] masked %and3A_689 {strides = array<i32>} : memref<2064xf32, #tpu.memory_space<vmem>>, vector<16xf32>, vector<16xi1>
        tpu.vector_store %arg7[%swap3A_693], %gather3A_687 masked %and3A_689 {strides = array<i32>} : memref<2064xf32, #tpu.memory_space<vmem>>, vector<16xf32>, vector<16xi1>
        %all_reduce_population_count3A_695 = tpu.all_reduce %and3A_689 {dim = 0 : i64, kind = #tpu.reduction_kind<sum>} : vector<16xi1> -> vector<16xi32>
        %slice3A_696 = vector.extract_strided_slice %all_reduce_population_count3A_695 {offsets = [0], sizes = [1], strides = [1]} : vector<16xi32> to vector<1xi32>
        %squeeze3A_697 = vector.extract %slice3A_696[0] : i32 from vector<1xi32>
        %add3A_698 = arith.addi %get3A_692, %squeeze3A_697 : i32
        %swap3A_699 = arith.constant 1 : i32
        %swap3A_700 = arith.index_cast %swap3A_699 : i32 to index
        %swap3A_701 = memref.load %arg9[%swap3A_700] : memref<2xi32, #tpu.memory_space<smem>>
        memref.store %add3A_698, %arg9[%swap3A_700] : memref<2xi32, #tpu.memory_space<smem>>
        %slice3A_702 = vector.extract_strided_slice %get3A_306 {offsets = [11], sizes = [1], strides = [1]} : vector<16xi32> to vector<1xi32>
        %squeeze3A_703 = vector.extract %slice3A_702[0] : i32 from vector<1xi32>
        %shift_right_logical3A_704 = arith.constant 4 : i32
        %shift_right_logical3A_705 = arith.shrui %squeeze3A_703, %shift_right_logical3A_704 : i32
        %and3A_706 = arith.constant 15 : i32
        %and3A_707 = arith.andi %squeeze3A_703, %and3A_706 : i32
        %mul3A_708 = arith.constant 160 : i32
        %mul3A_709 = arith.muli %shift_right_logical3A_705, %mul3A_708 : i32
        %add3A_710 = arith.addi %mul3A_709, %and3A_707 : i32
        %ge3A_711 = arith.constant 0 : i32
        %ge3A_712 = arith.cmpi sge, %squeeze3A_703, %ge3A_711 : i32
        %and3A_713 = vector.broadcast %ge3A_712 : i1 to vector<16xi1>
        %and3A_714 = arith.andi %lt3A_202, %and3A_713 : vector<16xi1>
        %mul3A_715 = arith.constant 16 : i32
        %mul3A_716 = vector.broadcast %mul3A_715 : i32 to vector<16xi32>
        %mul3A_717 = arith.muli %iota3A, %mul3A_716 : vector<16xi32>
        %add3A_718 = vector.broadcast %add3A_710 : i32 to vector<16xi32>
        %add3A_719 = arith.addi %add3A_718, %mul3A_717 : vector<16xi32>
        %jit3A_720 = arith.constant 0 : i32
        %broadcast_in_dim3A_721 = vector.broadcast %jit3A_720 : i32 to vector<16xi32>
        %select_n3A_722 = arith.select %and3A_714, %add3A_719, %broadcast_in_dim3A_721 : vector<16xi1>, vector<16xi32>
        %gather3A_723 = tpu.vector_load_idx %arg4[%select_n3A_722] : memref<100000xf32, #tpu.memory_space<vmem>>[vector<16xi32>], vector<16xf32>,
        %ge3A_724 = arith.cmpf oge, %gather3A_723, %gather3A_170 : vector<16xf32>
        %and3A_725 = arith.andi %and3A_714, %ge3A_724 : vector<16xi1>
        %get3A_726 = arith.constant 1 : i32
        %get3A_727 = arith.index_cast %get3A_726 : i32 to index
        %get3A_728 = memref.load %arg9[%get3A_727] : memref<2xi32, #tpu.memory_space<smem>>
        %swap3A_729 = arith.index_cast %get3A_728 : i32 to index
        %swap3A_730 = tpu.vector_load %arg7[%swap3A_729] masked %and3A_725 {strides = array<i32>} : memref<2064xf32, #tpu.memory_space<vmem>>, vector<16xf32>, vector<16xi1>
        tpu.vector_store %arg7[%swap3A_729], %gather3A_723 masked %and3A_725 {strides = array<i32>} : memref<2064xf32, #tpu.memory_space<vmem>>, vector<16xf32>, vector<16xi1>
        %all_reduce_population_count3A_731 = tpu.all_reduce %and3A_725 {dim = 0 : i64, kind = #tpu.reduction_kind<sum>} : vector<16xi1> -> vector<16xi32>
        %slice3A_732 = vector.extract_strided_slice %all_reduce_population_count3A_731 {offsets = [0], sizes = [1], strides = [1]} : vector<16xi32> to vector<1xi32>
        %squeeze3A_733 = vector.extract %slice3A_732[0] : i32 from vector<1xi32>
        %add3A_734 = arith.addi %get3A_728, %squeeze3A_733 : i32
        %swap3A_735 = arith.constant 1 : i32
        %swap3A_736 = arith.index_cast %swap3A_735 : i32 to index
        %swap3A_737 = memref.load %arg9[%swap3A_736] : memref<2xi32, #tpu.memory_space<smem>>
        memref.store %add3A_734, %arg9[%swap3A_736] : memref<2xi32, #tpu.memory_space<smem>>
        %slice3A_738 = vector.extract_strided_slice %get3A_306 {offsets = [12], sizes = [1], strides = [1]} : vector<16xi32> to vector<1xi32>
        %squeeze3A_739 = vector.extract %slice3A_738[0] : i32 from vector<1xi32>
        %shift_right_logical3A_740 = arith.constant 4 : i32
        %shift_right_logical3A_741 = arith.shrui %squeeze3A_739, %shift_right_logical3A_740 : i32
        %and3A_742 = arith.constant 15 : i32
        %and3A_743 = arith.andi %squeeze3A_739, %and3A_742 : i32
        %mul3A_744 = arith.constant 160 : i32
        %mul3A_745 = arith.muli %shift_right_logical3A_741, %mul3A_744 : i32
        %add3A_746 = arith.addi %mul3A_745, %and3A_743 : i32
        %ge3A_747 = arith.constant 0 : i32
        %ge3A_748 = arith.cmpi sge, %squeeze3A_739, %ge3A_747 : i32
        %and3A_749 = vector.broadcast %ge3A_748 : i1 to vector<16xi1>
        %and3A_750 = arith.andi %lt3A_202, %and3A_749 : vector<16xi1>
        %mul3A_751 = arith.constant 16 : i32
        %mul3A_752 = vector.broadcast %mul3A_751 : i32 to vector<16xi32>
        %mul3A_753 = arith.muli %iota3A, %mul3A_752 : vector<16xi32>
        %add3A_754 = vector.broadcast %add3A_746 : i32 to vector<16xi32>
        %add3A_755 = arith.addi %add3A_754, %mul3A_753 : vector<16xi32>
        %jit3A_756 = arith.constant 0 : i32
        %broadcast_in_dim3A_757 = vector.broadcast %jit3A_756 : i32 to vector<16xi32>
        %select_n3A_758 = arith.select %and3A_750, %add3A_755, %broadcast_in_dim3A_757 : vector<16xi1>, vector<16xi32>
        %gather3A_759 = tpu.vector_load_idx %arg4[%select_n3A_758] : memref<100000xf32, #tpu.memory_space<vmem>>[vector<16xi32>], vector<16xf32>,
        %ge3A_760 = arith.cmpf oge, %gather3A_759, %gather3A_170 : vector<16xf32>
        %and3A_761 = arith.andi %and3A_750, %ge3A_760 : vector<16xi1>
        %get3A_762 = arith.constant 1 : i32
        %get3A_763 = arith.index_cast %get3A_762 : i32 to index
        %get3A_764 = memref.load %arg9[%get3A_763] : memref<2xi32, #tpu.memory_space<smem>>
        %swap3A_765 = arith.index_cast %get3A_764 : i32 to index
        %swap3A_766 = tpu.vector_load %arg7[%swap3A_765] masked %and3A_761 {strides = array<i32>} : memref<2064xf32, #tpu.memory_space<vmem>>, vector<16xf32>, vector<16xi1>
        tpu.vector_store %arg7[%swap3A_765], %gather3A_759 masked %and3A_761 {strides = array<i32>} : memref<2064xf32, #tpu.memory_space<vmem>>, vector<16xf32>, vector<16xi1>
        %all_reduce_population_count3A_767 = tpu.all_reduce %and3A_761 {dim = 0 : i64, kind = #tpu.reduction_kind<sum>} : vector<16xi1> -> vector<16xi32>
        %slice3A_768 = vector.extract_strided_slice %all_reduce_population_count3A_767 {offsets = [0], sizes = [1], strides = [1]} : vector<16xi32> to vector<1xi32>
        %squeeze3A_769 = vector.extract %slice3A_768[0] : i32 from vector<1xi32>
        %add3A_770 = arith.addi %get3A_764, %squeeze3A_769 : i32
        %swap3A_771 = arith.constant 1 : i32
        %swap3A_772 = arith.index_cast %swap3A_771 : i32 to index
        %swap3A_773 = memref.load %arg9[%swap3A_772] : memref<2xi32, #tpu.memory_space<smem>>
        memref.store %add3A_770, %arg9[%swap3A_772] : memref<2xi32, #tpu.memory_space<smem>>
        %slice3A_774 = vector.extract_strided_slice %get3A_306 {offsets = [13], sizes = [1], strides = [1]} : vector<16xi32> to vector<1xi32>
        %squeeze3A_775 = vector.extract %slice3A_774[0] : i32 from vector<1xi32>
        %shift_right_logical3A_776 = arith.constant 4 : i32
        %shift_right_logical3A_777 = arith.shrui %squeeze3A_775, %shift_right_logical3A_776 : i32
        %and3A_778 = arith.constant 15 : i32
        %and3A_779 = arith.andi %squeeze3A_775, %and3A_778 : i32
        %mul3A_780 = arith.constant 160 : i32
        %mul3A_781 = arith.muli %shift_right_logical3A_777, %mul3A_780 : i32
        %add3A_782 = arith.addi %mul3A_781, %and3A_779 : i32
        %ge3A_783 = arith.constant 0 : i32
        %ge3A_784 = arith.cmpi sge, %squeeze3A_775, %ge3A_783 : i32
        %and3A_785 = vector.broadcast %ge3A_784 : i1 to vector<16xi1>
        %and3A_786 = arith.andi %lt3A_202, %and3A_785 : vector<16xi1>
        %mul3A_787 = arith.constant 16 : i32
        %mul3A_788 = vector.broadcast %mul3A_787 : i32 to vector<16xi32>
        %mul3A_789 = arith.muli %iota3A, %mul3A_788 : vector<16xi32>
        %add3A_790 = vector.broadcast %add3A_782 : i32 to vector<16xi32>
        %add3A_791 = arith.addi %add3A_790, %mul3A_789 : vector<16xi32>
        %jit3A_792 = arith.constant 0 : i32
        %broadcast_in_dim3A_793 = vector.broadcast %jit3A_792 : i32 to vector<16xi32>
        %select_n3A_794 = arith.select %and3A_786, %add3A_791, %broadcast_in_dim3A_793 : vector<16xi1>, vector<16xi32>
        %gather3A_795 = tpu.vector_load_idx %arg4[%select_n3A_794] : memref<100000xf32, #tpu.memory_space<vmem>>[vector<16xi32>], vector<16xf32>,
        %ge3A_796 = arith.cmpf oge, %gather3A_795, %gather3A_170 : vector<16xf32>
        %and3A_797 = arith.andi %and3A_786, %ge3A_796 : vector<16xi1>
        %get3A_798 = arith.constant 1 : i32
        %get3A_799 = arith.index_cast %get3A_798 : i32 to index
        %get3A_800 = memref.load %arg9[%get3A_799] : memref<2xi32, #tpu.memory_space<smem>>
        %swap3A_801 = arith.index_cast %get3A_800 : i32 to index
        %swap3A_802 = tpu.vector_load %arg7[%swap3A_801] masked %and3A_797 {strides = array<i32>} : memref<2064xf32, #tpu.memory_space<vmem>>, vector<16xf32>, vector<16xi1>
        tpu.vector_store %arg7[%swap3A_801], %gather3A_795 masked %and3A_797 {strides = array<i32>} : memref<2064xf32, #tpu.memory_space<vmem>>, vector<16xf32>, vector<16xi1>
        %all_reduce_population_count3A_803 = tpu.all_reduce %and3A_797 {dim = 0 : i64, kind = #tpu.reduction_kind<sum>} : vector<16xi1> -> vector<16xi32>
        %slice3A_804 = vector.extract_strided_slice %all_reduce_population_count3A_803 {offsets = [0], sizes = [1], strides = [1]} : vector<16xi32> to vector<1xi32>
        %squeeze3A_805 = vector.extract %slice3A_804[0] : i32 from vector<1xi32>
        %add3A_806 = arith.addi %get3A_800, %squeeze3A_805 : i32
        %swap3A_807 = arith.constant 1 : i32
        %swap3A_808 = arith.index_cast %swap3A_807 : i32 to index
        %swap3A_809 = memref.load %arg9[%swap3A_808] : memref<2xi32, #tpu.memory_space<smem>>
        memref.store %add3A_806, %arg9[%swap3A_808] : memref<2xi32, #tpu.memory_space<smem>>
        %slice3A_810 = vector.extract_strided_slice %get3A_306 {offsets = [14], sizes = [1], strides = [1]} : vector<16xi32> to vector<1xi32>
        %squeeze3A_811 = vector.extract %slice3A_810[0] : i32 from vector<1xi32>
        %shift_right_logical3A_812 = arith.constant 4 : i32
        %shift_right_logical3A_813 = arith.shrui %squeeze3A_811, %shift_right_logical3A_812 : i32
        %and3A_814 = arith.constant 15 : i32
        %and3A_815 = arith.andi %squeeze3A_811, %and3A_814 : i32
        %mul3A_816 = arith.constant 160 : i32
        %mul3A_817 = arith.muli %shift_right_logical3A_813, %mul3A_816 : i32
        %add3A_818 = arith.addi %mul3A_817, %and3A_815 : i32
        %ge3A_819 = arith.constant 0 : i32
        %ge3A_820 = arith.cmpi sge, %squeeze3A_811, %ge3A_819 : i32
        %and3A_821 = vector.broadcast %ge3A_820 : i1 to vector<16xi1>
        %and3A_822 = arith.andi %lt3A_202, %and3A_821 : vector<16xi1>
        %mul3A_823 = arith.constant 16 : i32
        %mul3A_824 = vector.broadcast %mul3A_823 : i32 to vector<16xi32>
        %mul3A_825 = arith.muli %iota3A, %mul3A_824 : vector<16xi32>
        %add3A_826 = vector.broadcast %add3A_818 : i32 to vector<16xi32>
        %add3A_827 = arith.addi %add3A_826, %mul3A_825 : vector<16xi32>
        %jit3A_828 = arith.constant 0 : i32
        %broadcast_in_dim3A_829 = vector.broadcast %jit3A_828 : i32 to vector<16xi32>
        %select_n3A_830 = arith.select %and3A_822, %add3A_827, %broadcast_in_dim3A_829 : vector<16xi1>, vector<16xi32>
        %gather3A_831 = tpu.vector_load_idx %arg4[%select_n3A_830] : memref<100000xf32, #tpu.memory_space<vmem>>[vector<16xi32>], vector<16xf32>,
        %ge3A_832 = arith.cmpf oge, %gather3A_831, %gather3A_170 : vector<16xf32>
        %and3A_833 = arith.andi %and3A_822, %ge3A_832 : vector<16xi1>
        %get3A_834 = arith.constant 1 : i32
        %get3A_835 = arith.index_cast %get3A_834 : i32 to index
        %get3A_836 = memref.load %arg9[%get3A_835] : memref<2xi32, #tpu.memory_space<smem>>
        %swap3A_837 = arith.index_cast %get3A_836 : i32 to index
        %swap3A_838 = tpu.vector_load %arg7[%swap3A_837] masked %and3A_833 {strides = array<i32>} : memref<2064xf32, #tpu.memory_space<vmem>>, vector<16xf32>, vector<16xi1>
        tpu.vector_store %arg7[%swap3A_837], %gather3A_831 masked %and3A_833 {strides = array<i32>} : memref<2064xf32, #tpu.memory_space<vmem>>, vector<16xf32>, vector<16xi1>
        %all_reduce_population_count3A_839 = tpu.all_reduce %and3A_833 {dim = 0 : i64, kind = #tpu.reduction_kind<sum>} : vector<16xi1> -> vector<16xi32>
        %slice3A_840 = vector.extract_strided_slice %all_reduce_population_count3A_839 {offsets = [0], sizes = [1], strides = [1]} : vector<16xi32> to vector<1xi32>
        %squeeze3A_841 = vector.extract %slice3A_840[0] : i32 from vector<1xi32>
        %add3A_842 = arith.addi %get3A_836, %squeeze3A_841 : i32
        %swap3A_843 = arith.constant 1 : i32
        %swap3A_844 = arith.index_cast %swap3A_843 : i32 to index
        %swap3A_845 = memref.load %arg9[%swap3A_844] : memref<2xi32, #tpu.memory_space<smem>>
        memref.store %add3A_842, %arg9[%swap3A_844] : memref<2xi32, #tpu.memory_space<smem>>
        %slice3A_846 = vector.extract_strided_slice %get3A_306 {offsets = [15], sizes = [1], strides = [1]} : vector<16xi32> to vector<1xi32>
        %squeeze3A_847 = vector.extract %slice3A_846[0] : i32 from vector<1xi32>
        %shift_right_logical3A_848 = arith.constant 4 : i32
        %shift_right_logical3A_849 = arith.shrui %squeeze3A_847, %shift_right_logical3A_848 : i32
        %and3A_850 = arith.constant 15 : i32
        %and3A_851 = arith.andi %squeeze3A_847, %and3A_850 : i32
        %mul3A_852 = arith.constant 160 : i32
        %mul3A_853 = arith.muli %shift_right_logical3A_849, %mul3A_852 : i32
        %add3A_854 = arith.addi %mul3A_853, %and3A_851 : i32
        %ge3A_855 = arith.constant 0 : i32
        %ge3A_856 = arith.cmpi sge, %squeeze3A_847, %ge3A_855 : i32
        %and3A_857 = vector.broadcast %ge3A_856 : i1 to vector<16xi1>
        %and3A_858 = arith.andi %lt3A_202, %and3A_857 : vector<16xi1>
        %mul3A_859 = arith.constant 16 : i32
        %mul3A_860 = vector.broadcast %mul3A_859 : i32 to vector<16xi32>
        %mul3A_861 = arith.muli %iota3A, %mul3A_860 : vector<16xi32>
        %add3A_862 = vector.broadcast %add3A_854 : i32 to vector<16xi32>
        %add3A_863 = arith.addi %add3A_862, %mul3A_861 : vector<16xi32>
        %jit3A_864 = arith.constant 0 : i32
        %broadcast_in_dim3A_865 = vector.broadcast %jit3A_864 : i32 to vector<16xi32>
        %select_n3A_866 = arith.select %and3A_858, %add3A_863, %broadcast_in_dim3A_865 : vector<16xi1>, vector<16xi32>
        %gather3A_867 = tpu.vector_load_idx %arg4[%select_n3A_866] : memref<100000xf32, #tpu.memory_space<vmem>>[vector<16xi32>], vector<16xf32>,
        %ge3A_868 = arith.cmpf oge, %gather3A_867, %gather3A_170 : vector<16xf32>
        %and3A_869 = arith.andi %and3A_858, %ge3A_868 : vector<16xi1>
        %get3A_870 = arith.constant 1 : i32
        %get3A_871 = arith.index_cast %get3A_870 : i32 to index
        %get3A_872 = memref.load %arg9[%get3A_871] : memref<2xi32, #tpu.memory_space<smem>>
        %swap3A_873 = arith.index_cast %get3A_872 : i32 to index
        %swap3A_874 = tpu.vector_load %arg7[%swap3A_873] masked %and3A_869 {strides = array<i32>} : memref<2064xf32, #tpu.memory_space<vmem>>, vector<16xf32>, vector<16xi1>
        tpu.vector_store %arg7[%swap3A_873], %gather3A_867 masked %and3A_869 {strides = array<i32>} : memref<2064xf32, #tpu.memory_space<vmem>>, vector<16xf32>, vector<16xi1>
        %all_reduce_population_count3A_875 = tpu.all_reduce %and3A_869 {dim = 0 : i64, kind = #tpu.reduction_kind<sum>} : vector<16xi1> -> vector<16xi32>
        %slice3A_876 = vector.extract_strided_slice %all_reduce_population_count3A_875 {offsets = [0], sizes = [1], strides = [1]} : vector<16xi32> to vector<1xi32>
        %squeeze3A_877 = vector.extract %slice3A_876[0] : i32 from vector<1xi32>
        %add3A_878 = arith.addi %get3A_872, %squeeze3A_877 : i32
        %swap3A_879 = arith.constant 1 : i32
        %swap3A_880 = arith.index_cast %swap3A_879 : i32 to index
        %swap3A_881 = memref.load %arg9[%swap3A_880] : memref<2xi32, #tpu.memory_space<smem>>
        memref.store %add3A_878, %arg9[%swap3A_880] : memref<2xi32, #tpu.memory_space<smem>>
        scf.yield %cond3A_302#0, %cond3A_302#1, %cond3A_302#2 : vector<16xf32>, vector<16xf32>, vector<16xf32>
      }
      %get3A_237 = arith.constant 1 : i32
      %get3A_238 = arith.index_cast %get3A_237 : i32 to index
      %get3A_239 = memref.load %arg9[%get3A_238] : memref<2xi32, #tpu.memory_space<smem>>
      %broadcast_in_dim3A_240 = arith.constant 0xFF800000 : f32
      %broadcast_in_dim3A_241 = vector.broadcast %broadcast_in_dim3A_240 : f32 to vector<16xf32>
      %swap3A_242 = arith.index_cast %get3A_239 : i32 to index
      %swap3A_243 = tpu.vector_load %arg7[%swap3A_242] {strides = array<i32>} : memref<2064xf32, #tpu.memory_space<vmem>>, vector<16xf32>,
      tpu.vector_store %arg7[%swap3A_242], %broadcast_in_dim3A_241 {strides = array<i32>} : memref<2064xf32, #tpu.memory_space<vmem>>, vector<16xf32>,
      %add3A_244 = arith.constant 16 : i32
      %add3A_245 = arith.addi %get3A_239, %add3A_244 : i32
      %sub3A_246 = arith.constant 1 : i32
      %sub3A_247 = arith.subi %add3A_245, %sub3A_246 : i32
      %jit3A_248 = arith.constant 16 : i32
      %div3A_249 = arith.divsi %sub3A_247, %jit3A_248 : i32
      %sign3A_250 = arith.constant 0 : i32
      %sign3A_251 = arith.cmpi sgt, %sub3A_247, %sign3A_250 : i32
      %sign3A_252 = arith.extui %sign3A_251 : i1 to i32
      %sign3A_253 = arith.constant 0 : i32
      %sign3A_254 = arith.cmpi slt, %sub3A_247, %sign3A_253 : i32
      %sign3A_255 = arith.extui %sign3A_254 : i1 to i32
      %sign3A_256 = arith.subi %sign3A_252, %sign3A_255 : i32
      %sign3A_257 = arith.constant 0 : i32
      %sign3A_258 = arith.cmpi sgt, %jit3A_248, %sign3A_257 : i32
      %sign3A_259 = arith.extui %sign3A_258 : i1 to i32
      %sign3A_260 = arith.constant 0 : i32
      %sign3A_261 = arith.cmpi slt, %jit3A_248, %sign3A_260 : i32
      %sign3A_262 = arith.extui %sign3A_261 : i1 to i32
      %sign3A_263 = arith.subi %sign3A_259, %sign3A_262 : i32
      %ne3A_264 = arith.cmpi ne, %sign3A_256, %sign3A_263 : i32
      %rem3A_265 = arith.remsi %sub3A_247, %jit3A_248 : i32
      %ne3A_266 = arith.constant 0 : i32
      %ne3A_267 = arith.cmpi ne, %rem3A_265, %ne3A_266 : i32
      %and3A_268 = arith.andi %ne3A_264, %ne3A_267 : i1
      %sub3A_269 = arith.constant 1 : i32
      %sub3A_270 = arith.subi %div3A_249, %sub3A_269 : i32
      %select_n3A_271 = arith.select %and3A_268, %sub3A_270, %div3A_249 : i32
      %while3A_272 = arith.constant 0 : i32
      %while3A_273 = arith.subi %select_n3A_271, %while3A_272 : i32
      %while3A_274 = arith.addi %while3A_272, %while3A_273 : i32
      %while3A_275 = arith.constant 1 : i32
      %while3A_276 = arith.divsi %while3A_273, %while3A_275 : i32
      %while3A_277 = arith.muli %while3A_276, %while3A_275 : i32
      %while3A_278 = arith.addi %while3A_272, %while3A_277 : i32
      %while3A_279 = arith.constant 1 : i32
      %while3A_280:3 = scf.for %while3A_292 = %while3A_272 to %while3A_278 step %while3A_279 iter_args(%while3A_293 = %while3A_236#0, %while3A_294 = %while3A_236#1, %while3A_295 = %while3A_236#2) -> (vector<16xf32>, vector<16xf32>, vector<16xf32>)  : i32 {
        %mul3A_296 = arith.constant 16 : i32
        %mul3A_297 = arith.muli %while3A_292, %mul3A_296 : i32
        %get3A_298 = arith.index_cast %mul3A_297 : i32 to index
        %get3A_299 = tpu.vector_load %arg7[%get3A_298] {strides = array<i32>} : memref<2064xf32, #tpu.memory_space<vmem>>, vector<16xf32>,
        %ge3A_300 = arith.cmpf oge, %get3A_299, %while3A_295 : vector<16xf32>
        %all_reduce_population_count3A_301 = tpu.all_reduce %ge3A_300 {dim = 0 : i64, kind = #tpu.reduction_kind<sum>} : vector<16xi1> -> vector<16xi32>
        %slice3A_302 = vector.extract_strided_slice %all_reduce_population_count3A_301 {offsets = [0], sizes = [1], strides = [1]} : vector<16xi32> to vector<1xi32>
        %squeeze3A_303 = vector.extract %slice3A_302[0] : i32 from vector<1xi32>
        %gt3A = arith.constant 0 : i32
        %gt3A_304 = arith.cmpi sgt, %squeeze3A_303, %gt3A : i32
        %convert_element_type3A = arith.extui %gt3A_304 : i1 to i32
        %cond3A = arith.constant 0 : i32
        %cond3A_305 = arith.cmpi ne, %convert_element_type3A, %cond3A : i32
        %cond3A_306:3 = scf.if %cond3A_305 -> (vector<16xf32>, vector<16xf32>, vector<16xf32>) {
          %sort3A_307 = arith.constant dense<true> : vector<16xi1>
          %sort3A_308, %sort3A_309, %sort3A_310 = tpu.sort %get3A_299, %get3A_299 masked %sort3A_307 : (vector<16xf32>, vector<16xf32>, vector<16xi1>) -> (vector<16xi1>, vector<16xf32>, vector<16xf32>)
          %rev3A_311 = arith.constant 15 : i32
          %rev3A_312 = vector.broadcast %rev3A_311 : i32 to vector<16xi32>
          %rev3A_313 = tpu.iota {dimensions = array<i32: 0>} : vector<16xi32>
          %rev3A_314 = arith.subi %rev3A_312, %rev3A_313 : vector<16xi32>
          %rev3A_315 = tpu.dynamic_gather %sort3A_309[%rev3A_314] in [0] : vector<16xf32>, vector<16xi32> -> vector<16xf32>
          %rev3A_316 = arith.constant 15 : i32
          %rev3A_317 = vector.broadcast %rev3A_316 : i32 to vector<16xi32>
          %rev3A_318 = tpu.iota {dimensions = array<i32: 0>} : vector<16xi32>
          %rev3A_319 = arith.subi %rev3A_317, %rev3A_318 : vector<16xi32>
          %rev3A_320 = tpu.dynamic_gather %rev3A_315[%rev3A_319] in [0] : vector<16xf32>, vector<16xi32> -> vector<16xf32>
          %max3A_321 = arith.maximumf %while3A_294, %rev3A_320 : vector<16xf32>
          %sort3A_322 = arith.constant dense<true> : vector<16xi1>
          %sort3A_323, %sort3A_324, %sort3A_325 = tpu.sort %max3A_321, %max3A_321 masked %sort3A_322 : (vector<16xf32>, vector<16xf32>, vector<16xi1>) -> (vector<16xi1>, vector<16xf32>, vector<16xf32>)
          %rev3A_326 = arith.constant 15 : i32
          %rev3A_327 = vector.broadcast %rev3A_326 : i32 to vector<16xi32>
          %rev3A_328 = tpu.iota {dimensions = array<i32: 0>} : vector<16xi32>
          %rev3A_329 = arith.subi %rev3A_327, %rev3A_328 : vector<16xi32>
          %rev3A_330 = tpu.dynamic_gather %sort3A_324[%rev3A_329] in [0] : vector<16xf32>, vector<16xi32> -> vector<16xf32>
          %rev3A_331 = arith.constant 15 : i32
          %rev3A_332 = vector.broadcast %rev3A_331 : i32 to vector<16xi32>
          %rev3A_333 = tpu.iota {dimensions = array<i32: 0>} : vector<16xi32>
          %rev3A_334 = arith.subi %rev3A_332, %rev3A_333 : vector<16xi32>
          %rev3A_335 = tpu.dynamic_gather %rev3A_330[%rev3A_334] in [0] : vector<16xf32>, vector<16xi32> -> vector<16xf32>
          %max3A_336 = arith.maximumf %while3A_293, %rev3A_335 : vector<16xf32>
          %rev3A_337 = arith.constant 15 : i32
          %rev3A_338 = vector.broadcast %rev3A_337 : i32 to vector<16xi32>
          %rev3A_339 = tpu.iota {dimensions = array<i32: 0>} : vector<16xi32>
          %rev3A_340 = arith.subi %rev3A_338, %rev3A_339 : vector<16xi32>
          %rev3A_341 = tpu.dynamic_gather %rev3A_330[%rev3A_340] in [0] : vector<16xf32>, vector<16xi32> -> vector<16xf32>
          %min3A_342 = arith.minimumf %while3A_293, %rev3A_341 : vector<16xf32>
          %sort3A_343 = arith.constant dense<true> : vector<16xi1>
          %sort3A_344, %sort3A_345, %sort3A_346 = tpu.sort %max3A_336, %max3A_336 masked %sort3A_343 : (vector<16xf32>, vector<16xf32>, vector<16xi1>) -> (vector<16xi1>, vector<16xf32>, vector<16xf32>)
          %rev3A_347 = arith.constant 15 : i32
          %rev3A_348 = vector.broadcast %rev3A_347 : i32 to vector<16xi32>
          %rev3A_349 = tpu.iota {dimensions = array<i32: 0>} : vector<16xi32>
          %rev3A_350 = arith.subi %rev3A_348, %rev3A_349 : vector<16xi32>
          %rev3A_351 = tpu.dynamic_gather %sort3A_345[%rev3A_350] in [0] : vector<16xf32>, vector<16xi32> -> vector<16xf32>
          %sort3A_352 = arith.constant dense<true> : vector<16xi1>
          %sort3A_353, %sort3A_354, %sort3A_355 = tpu.sort %min3A_342, %min3A_342 masked %sort3A_352 : (vector<16xf32>, vector<16xf32>, vector<16xi1>) -> (vector<16xi1>, vector<16xf32>, vector<16xf32>)
          %rev3A_356 = arith.constant 15 : i32
          %rev3A_357 = vector.broadcast %rev3A_356 : i32 to vector<16xi32>
          %rev3A_358 = tpu.iota {dimensions = array<i32: 0>} : vector<16xi32>
          %rev3A_359 = arith.subi %rev3A_357, %rev3A_358 : vector<16xi32>
          %rev3A_360 = tpu.dynamic_gather %sort3A_354[%rev3A_359] in [0] : vector<16xf32>, vector<16xi32> -> vector<16xf32>
          %broadcast_in_dim3A_361 = arith.constant 15 : i32
          %broadcast_in_dim3A_362 = vector.broadcast %broadcast_in_dim3A_361 : i32 to vector<16x1xi32>
          %gather3A_363 = vector.shape_cast %broadcast_in_dim3A_362 : vector<16x1xi32> to vector<16xi32>
          %gather3A_364 = tpu.dynamic_gather %rev3A_360[%gather3A_363] in [0] : vector<16xf32>, vector<16xi32> -> vector<16xf32>
          %max3A_365 = arith.maximumf %while3A_295, %gather3A_364 : vector<16xf32>
          scf.yield %rev3A_351, %rev3A_360, %max3A_365 : vector<16xf32>, vector<16xf32>, vector<16xf32>
        } else {
          scf.yield %while3A_293, %while3A_294, %while3A_295 : vector<16xf32>, vector<16xf32>, vector<16xf32>
        }
        scf.yield %cond3A_306#0, %cond3A_306#1, %cond3A_306#2 : vector<16xf32>, vector<16xf32>, vector<16xf32>
      }
      %while3A_281 = arith.constant 1 : i32
      %while3A_282:3 = scf.for %while3A_292 = %while3A_278 to %while3A_274 step %while3A_281 iter_args(%while3A_293 = %while3A_280#0, %while3A_294 = %while3A_280#1, %while3A_295 = %while3A_280#2) -> (vector<16xf32>, vector<16xf32>, vector<16xf32>)  : i32 {
        %mul3A_296 = arith.constant 16 : i32
        %mul3A_297 = arith.muli %while3A_292, %mul3A_296 : i32
        %get3A_298 = arith.index_cast %mul3A_297 : i32 to index
        %get3A_299 = tpu.vector_load %arg7[%get3A_298] {strides = array<i32>} : memref<2064xf32, #tpu.memory_space<vmem>>, vector<16xf32>,
        %ge3A_300 = arith.cmpf oge, %get3A_299, %while3A_295 : vector<16xf32>
        %all_reduce_population_count3A_301 = tpu.all_reduce %ge3A_300 {dim = 0 : i64, kind = #tpu.reduction_kind<sum>} : vector<16xi1> -> vector<16xi32>
        %slice3A_302 = vector.extract_strided_slice %all_reduce_population_count3A_301 {offsets = [0], sizes = [1], strides = [1]} : vector<16xi32> to vector<1xi32>
        %squeeze3A_303 = vector.extract %slice3A_302[0] : i32 from vector<1xi32>
        %gt3A = arith.constant 0 : i32
        %gt3A_304 = arith.cmpi sgt, %squeeze3A_303, %gt3A : i32
        %convert_element_type3A = arith.extui %gt3A_304 : i1 to i32
        %cond3A = arith.constant 0 : i32
        %cond3A_305 = arith.cmpi ne, %convert_element_type3A, %cond3A : i32
        %cond3A_306:3 = scf.if %cond3A_305 -> (vector<16xf32>, vector<16xf32>, vector<16xf32>) {
          %sort3A_307 = arith.constant dense<true> : vector<16xi1>
          %sort3A_308, %sort3A_309, %sort3A_310 = tpu.sort %get3A_299, %get3A_299 masked %sort3A_307 : (vector<16xf32>, vector<16xf32>, vector<16xi1>) -> (vector<16xi1>, vector<16xf32>, vector<16xf32>)
          %rev3A_311 = arith.constant 15 : i32
          %rev3A_312 = vector.broadcast %rev3A_311 : i32 to vector<16xi32>
          %rev3A_313 = tpu.iota {dimensions = array<i32: 0>} : vector<16xi32>
          %rev3A_314 = arith.subi %rev3A_312, %rev3A_313 : vector<16xi32>
          %rev3A_315 = tpu.dynamic_gather %sort3A_309[%rev3A_314] in [0] : vector<16xf32>, vector<16xi32> -> vector<16xf32>
          %rev3A_316 = arith.constant 15 : i32
          %rev3A_317 = vector.broadcast %rev3A_316 : i32 to vector<16xi32>
          %rev3A_318 = tpu.iota {dimensions = array<i32: 0>} : vector<16xi32>
          %rev3A_319 = arith.subi %rev3A_317, %rev3A_318 : vector<16xi32>
          %rev3A_320 = tpu.dynamic_gather %rev3A_315[%rev3A_319] in [0] : vector<16xf32>, vector<16xi32> -> vector<16xf32>
          %max3A_321 = arith.maximumf %while3A_294, %rev3A_320 : vector<16xf32>
          %sort3A_322 = arith.constant dense<true> : vector<16xi1>
          %sort3A_323, %sort3A_324, %sort3A_325 = tpu.sort %max3A_321, %max3A_321 masked %sort3A_322 : (vector<16xf32>, vector<16xf32>, vector<16xi1>) -> (vector<16xi1>, vector<16xf32>, vector<16xf32>)
          %rev3A_326 = arith.constant 15 : i32
          %rev3A_327 = vector.broadcast %rev3A_326 : i32 to vector<16xi32>
          %rev3A_328 = tpu.iota {dimensions = array<i32: 0>} : vector<16xi32>
          %rev3A_329 = arith.subi %rev3A_327, %rev3A_328 : vector<16xi32>
          %rev3A_330 = tpu.dynamic_gather %sort3A_324[%rev3A_329] in [0] : vector<16xf32>, vector<16xi32> -> vector<16xf32>
          %rev3A_331 = arith.constant 15 : i32
          %rev3A_332 = vector.broadcast %rev3A_331 : i32 to vector<16xi32>
          %rev3A_333 = tpu.iota {dimensions = array<i32: 0>} : vector<16xi32>
          %rev3A_334 = arith.subi %rev3A_332, %rev3A_333 : vector<16xi32>
          %rev3A_335 = tpu.dynamic_gather %rev3A_330[%rev3A_334] in [0] : vector<16xf32>, vector<16xi32> -> vector<16xf32>
          %max3A_336 = arith.maximumf %while3A_293, %rev3A_335 : vector<16xf32>
          %rev3A_337 = arith.constant 15 : i32
          %rev3A_338 = vector.broadcast %rev3A_337 : i32 to vector<16xi32>
          %rev3A_339 = tpu.iota {dimensions = array<i32: 0>} : vector<16xi32>
          %rev3A_340 = arith.subi %rev3A_338, %rev3A_339 : vector<16xi32>
          %rev3A_341 = tpu.dynamic_gather %rev3A_330[%rev3A_340] in [0] : vector<16xf32>, vector<16xi32> -> vector<16xf32>
          %min3A_342 = arith.minimumf %while3A_293, %rev3A_341 : vector<16xf32>
          %sort3A_343 = arith.constant dense<true> : vector<16xi1>
          %sort3A_344, %sort3A_345, %sort3A_346 = tpu.sort %max3A_336, %max3A_336 masked %sort3A_343 : (vector<16xf32>, vector<16xf32>, vector<16xi1>) -> (vector<16xi1>, vector<16xf32>, vector<16xf32>)
          %rev3A_347 = arith.constant 15 : i32
          %rev3A_348 = vector.broadcast %rev3A_347 : i32 to vector<16xi32>
          %rev3A_349 = tpu.iota {dimensions = array<i32: 0>} : vector<16xi32>
          %rev3A_350 = arith.subi %rev3A_348, %rev3A_349 : vector<16xi32>
          %rev3A_351 = tpu.dynamic_gather %sort3A_345[%rev3A_350] in [0] : vector<16xf32>, vector<16xi32> -> vector<16xf32>
          %sort3A_352 = arith.constant dense<true> : vector<16xi1>
          %sort3A_353, %sort3A_354, %sort3A_355 = tpu.sort %min3A_342, %min3A_342 masked %sort3A_352 : (vector<16xf32>, vector<16xf32>, vector<16xi1>) -> (vector<16xi1>, vector<16xf32>, vector<16xf32>)
          %rev3A_356 = arith.constant 15 : i32
          %rev3A_357 = vector.broadcast %rev3A_356 : i32 to vector<16xi32>
          %rev3A_358 = tpu.iota {dimensions = array<i32: 0>} : vector<16xi32>
          %rev3A_359 = arith.subi %rev3A_357, %rev3A_358 : vector<16xi32>
          %rev3A_360 = tpu.dynamic_gather %sort3A_354[%rev3A_359] in [0] : vector<16xf32>, vector<16xi32> -> vector<16xf32>
          %broadcast_in_dim3A_361 = arith.constant 15 : i32
          %broadcast_in_dim3A_362 = vector.broadcast %broadcast_in_dim3A_361 : i32 to vector<16x1xi32>
          %gather3A_363 = vector.shape_cast %broadcast_in_dim3A_362 : vector<16x1xi32> to vector<16xi32>
          %gather3A_364 = tpu.dynamic_gather %rev3A_360[%gather3A_363] in [0] : vector<16xf32>, vector<16xi32> -> vector<16xf32>
          %max3A_365 = arith.maximumf %while3A_295, %gather3A_364 : vector<16xf32>
          scf.yield %rev3A_351, %rev3A_360, %max3A_365 : vector<16xf32>, vector<16xf32>, vector<16xf32>
        } else {
          scf.yield %while3A_293, %while3A_294, %while3A_295 : vector<16xf32>, vector<16xf32>, vector<16xf32>
        }
        scf.yield %cond3A_306#0, %cond3A_306#1, %cond3A_306#2 : vector<16xf32>, vector<16xf32>, vector<16xf32>
      }
      %swap3A_283 = arith.constant 0 : i32
      %swap3A_284 = arith.constant 1 : i32
      %swap3A_285 = arith.index_cast %swap3A_284 : i32 to index
      %swap3A_286 = memref.load %arg9[%swap3A_285] : memref<2xi32, #tpu.memory_space<smem>>
      memref.store %swap3A_283, %arg9[%swap3A_285] : memref<2xi32, #tpu.memory_space<smem>>
      %swap3A_287 = arith.constant 0 : index
      %swap3A_288 = tpu.vector_load %arg8[%swap3A_287] {strides = array<i32>} : memref<32xf32, #tpu.memory_space<vmem>>, vector<16xf32>,
      tpu.vector_store %arg8[%swap3A_287], %while3A_282#0 {strides = array<i32>} : memref<32xf32, #tpu.memory_space<vmem>>, vector<16xf32>,
      %swap3A_289 = arith.constant 16 : index
      %swap3A_290 = tpu.vector_load %arg8[%swap3A_289] {strides = array<i32>} : memref<32xf32, #tpu.memory_space<vmem>>, vector<16xf32>,
      tpu.vector_store %arg8[%swap3A_289], %while3A_282#1 {strides = array<i32>} : memref<32xf32, #tpu.memory_space<vmem>>, vector<16xf32>,
      "tpu.region"() ({
        %run_scoped3A = tpu.sem_alloc : memref<!tpu.dma_semaphore, #tpu.memory_space<semaphore_mem>>
        %dma_start3A = arith.constant 0 : i32
        %dma_start3A_292 = tpu.memref_slice %arg3[%add3A_11, %dma_start3A] : memref<128x32xf32, #tpu.memory_space<hbm>> -> memref<1x32xf32, #tpu.memory_space<hbm>>
        %dma_start3A_293 = tpu.memref_squeeze %dma_start3A_292 : memref<1x32xf32, #tpu.memory_space<hbm>> -> memref<32xf32, #tpu.memory_space<hbm>>
        %dma_start3A_294 = arith.constant 0 : i32
        %dma_start3A_295 = tpu.memref_slice %arg3[%add3A_11, %dma_start3A_294] : memref<128x32xf32, #tpu.memory_space<hbm>> -> memref<1x32xf32, #tpu.memory_space<hbm>>
        %dma_start3A_296 = tpu.memref_squeeze %dma_start3A_295 : memref<1x32xf32, #tpu.memory_space<hbm>> -> memref<32xf32, #tpu.memory_space<hbm>>
        tpu.enqueue_dma source(%arg8 : memref<32xf32, #tpu.memory_space<vmem>>) target(%dma_start3A_296 : memref<32xf32, #tpu.memory_space<hbm>>) target_semaphore(%run_scoped3A : memref<!tpu.dma_semaphore, #tpu.memory_space<semaphore_mem>>)
        %dma_wait3A = arith.constant 0 : i32
        %dma_wait3A_297 = tpu.memref_slice %arg3[%add3A_11, %dma_wait3A] : memref<128x32xf32, #tpu.memory_space<hbm>> -> memref<1x32xf32, #tpu.memory_space<hbm>>
        %dma_wait3A_298 = tpu.memref_squeeze %dma_wait3A_297 : memref<1x32xf32, #tpu.memory_space<hbm>> -> memref<32xf32, #tpu.memory_space<hbm>>
        %dma_wait3A_299 = arith.constant 0 : i32
        %dma_wait3A_300 = tpu.memref_slice %arg3[%add3A_11, %dma_wait3A_299] : memref<128x32xf32, #tpu.memory_space<hbm>> -> memref<1x32xf32, #tpu.memory_space<hbm>>
        %dma_wait3A_301 = tpu.memref_squeeze %dma_wait3A_300 : memref<1x32xf32, #tpu.memory_space<hbm>> -> memref<32xf32, #tpu.memory_space<hbm>>
        tpu.wait_dma2 semaphore(%run_scoped3A : memref<!tpu.dma_semaphore, #tpu.memory_space<semaphore_mem>>) src(%arg8 : memref<32xf32, #tpu.memory_space<vmem>>) dst(%dma_wait3A_301 : memref<32xf32, #tpu.memory_space<hbm>>)
        tpu.yield
      }) : () -> ()
      %scan3A_291 = arith.constant 0 : i32
      scf.yield %scan3A_291 : i32
    }
    %scan3A_6 = arith.constant 4 : i32
    return
  }
}

module attributes {stable_mosaic.version = 14 : i64} {
  func.func @body(%arg0: memref<128x32xf32, #tpu.memory_space<vmem>>, %arg1: memref<1x32xf32, #tpu.memory_space<vmem>>, %arg2: memref<1x32xf32, #tpu.memory_space<vmem>>, %arg3: memref<32x128xf32, #tpu.memory_space<vmem>>, %arg4: memref<1x128xf32, #tpu.memory_space<vmem>>, %arg5: memref<128x128xf32, #tpu.memory_space<vmem>>, %arg6: memref<1x128xf32, #tpu.memory_space<vmem>>, %arg7: memref<128x128xf32, #tpu.memory_space<vmem>>) attributes {dimension_semantics = [], scalar_prefetch = 0 : i64, scratch_operands = 0 : i64, tpu.core_type = #tpu.core_type<tc>} {
    %get3A = arith.constant 0 : index
    %get3A_0 = arith.constant 0 : index
    %get3A_1 = vector.load %arg0[%get3A, %get3A_0] : memref<128x32xf32, #tpu.memory_space<vmem>>, vector<128x32xf32>
    %reduce_sum3A = arith.constant dense<0.000000e+00> : vector<128xf32>
    %reduce_sum3A_2 = vector.multi_reduction <add>, %get3A_1, %reduce_sum3A [1] : vector<128x32xf32> to vector<128xf32>
    %broadcast_in_dim3A = vector.shape_cast %reduce_sum3A_2 : vector<128xf32> to vector<128x1xf32>
    %div3A = arith.constant 3.200000e+01 : f32
    %div3A_3 = vector.broadcast %div3A : f32 to vector<128x1xf32>
    %div3A_4 = arith.divf %broadcast_in_dim3A, %div3A_3 : vector<128x1xf32>
    %sub3A = vector.broadcast %div3A_4 : vector<128x1xf32> to vector<128x32xf32>
    %sub3A_5 = arith.subf %get3A_1, %sub3A : vector<128x32xf32>
    %integer_pow3A = arith.mulf %sub3A_5, %sub3A_5 : vector<128x32xf32>
    %reduce_sum3A_6 = arith.constant dense<0.000000e+00> : vector<128xf32>
    %reduce_sum3A_7 = vector.multi_reduction <add>, %integer_pow3A, %reduce_sum3A_6 [1] : vector<128x32xf32> to vector<128xf32>
    %broadcast_in_dim3A_8 = vector.shape_cast %reduce_sum3A_7 : vector<128xf32> to vector<128x1xf32>
    %div3A_9 = arith.constant 3.200000e+01 : f32
    %div3A_10 = vector.broadcast %div3A_9 : f32 to vector<128x1xf32>
    %div3A_11 = arith.divf %broadcast_in_dim3A_8, %div3A_10 : vector<128x1xf32>
    %sub3A_12 = vector.broadcast %div3A_4 : vector<128x1xf32> to vector<128x32xf32>
    %sub3A_13 = arith.subf %get3A_1, %sub3A_12 : vector<128x32xf32>
    %add3A = arith.constant 9.99999974E-6 : f32
    %add3A_14 = vector.broadcast %add3A : f32 to vector<128x1xf32>
    %add3A_15 = arith.addf %div3A_11, %add3A_14 : vector<128x1xf32>
    %rsqrt3A = math.rsqrt %add3A_15 : vector<128x1xf32>
    %mul3A = vector.broadcast %rsqrt3A : vector<128x1xf32> to vector<128x32xf32>
    %mul3A_16 = arith.mulf %sub3A_13, %mul3A : vector<128x32xf32>
    %get3A_17 = arith.constant 0 : index
    %get3A_18 = arith.constant 0 : index
    %get3A_19 = vector.load %arg1[%get3A_17, %get3A_18] : memref<1x32xf32, #tpu.memory_space<vmem>>, vector<1x32xf32>
    %mul3A_20 = vector.broadcast %get3A_19 : vector<1x32xf32> to vector<128x32xf32>
    %mul3A_21 = arith.mulf %mul3A_16, %mul3A_20 : vector<128x32xf32>
    %get3A_22 = arith.constant 0 : index
    %get3A_23 = arith.constant 0 : index
    %get3A_24 = vector.load %arg2[%get3A_22, %get3A_23] : memref<1x32xf32, #tpu.memory_space<vmem>>, vector<1x32xf32>
    %add3A_25 = vector.broadcast %get3A_24 : vector<1x32xf32> to vector<128x32xf32>
    %add3A_26 = arith.addf %mul3A_21, %add3A_25 : vector<128x32xf32>
    %get3A_27 = arith.constant 0 : index
    %get3A_28 = arith.constant 0 : index
    %get3A_29 = vector.load %arg3[%get3A_27, %get3A_28] : memref<32x128xf32, #tpu.memory_space<vmem>>, vector<32x128xf32>
    %dot_general3A = arith.constant dense<0.000000e+00> : vector<128x128xf32>
    %dot_general3A_30 = tpu.matmul %add3A_26, %get3A_29, %dot_general3A {dimension_numbers = #tpu.dot_dimension_numbers<[1], [0], [0], [1], [0, 0, 1, 1], [], []>, transpose_lhs_hint = false} : vector<128x32xf32>, vector<32x128xf32>, vector<128x128xf32> -> vector<128x128xf32>
    %get3A_31 = arith.constant 0 : index
    %get3A_32 = arith.constant 0 : index
    %get3A_33 = vector.load %arg4[%get3A_31, %get3A_32] : memref<1x128xf32, #tpu.memory_space<vmem>>, vector<1x128xf32>
    %add3A_34 = vector.broadcast %get3A_33 : vector<1x128xf32> to vector<128x128xf32>
    %add3A_35 = arith.addf %dot_general3A_30, %add3A_34 : vector<128x128xf32>
    %mul3A_36 = arith.constant 5.000000e-01 : f32
    %mul3A_37 = vector.broadcast %mul3A_36 : f32 to vector<128x128xf32>
    %mul3A_38 = arith.mulf %mul3A_37, %add3A_35 : vector<128x128xf32>
    %mul3A_39 = arith.constant 0.707106769 : f32
    %mul3A_40 = vector.broadcast %mul3A_39 : f32 to vector<128x128xf32>
    %mul3A_41 = arith.mulf %add3A_35, %mul3A_40 : vector<128x128xf32>
    %erf3A = math.erf %mul3A_41 : vector<128x128xf32>
    %add3A_42 = arith.constant 1.000000e+00 : f32
    %add3A_43 = vector.broadcast %add3A_42 : f32 to vector<128x128xf32>
    %add3A_44 = arith.addf %add3A_43, %erf3A : vector<128x128xf32>
    %mul3A_45 = arith.mulf %mul3A_38, %add3A_44 : vector<128x128xf32>
    %get3A_46 = arith.constant 0 : index
    %get3A_47 = arith.constant 0 : index
    %get3A_48 = vector.load %arg5[%get3A_46, %get3A_47] : memref<128x128xf32, #tpu.memory_space<vmem>>, vector<128x128xf32>
    %dot_general3A_49 = arith.constant dense<0.000000e+00> : vector<128x128xf32>
    %dot_general3A_50 = tpu.matmul %mul3A_45, %get3A_48, %dot_general3A_49 {dimension_numbers = #tpu.dot_dimension_numbers<[1], [0], [0], [1], [0, 0, 1, 1], [], []>, transpose_lhs_hint = false} : vector<128x128xf32>, vector<128x128xf32>, vector<128x128xf32> -> vector<128x128xf32>
    %get3A_51 = arith.constant 0 : index
    %get3A_52 = arith.constant 0 : index
    %get3A_53 = vector.load %arg6[%get3A_51, %get3A_52] : memref<1x128xf32, #tpu.memory_space<vmem>>, vector<1x128xf32>
    %add3A_54 = vector.broadcast %get3A_53 : vector<1x128xf32> to vector<128x128xf32>
    %add3A_55 = arith.addf %dot_general3A_50, %add3A_54 : vector<128x128xf32>
    %swap3A = arith.constant 0 : index
    %swap3A_56 = arith.constant 0 : index
    %swap3A_57 = vector.load %arg7[%swap3A, %swap3A_56] : memref<128x128xf32, #tpu.memory_space<vmem>>, vector<128x128xf32>
    tpu.vector_store %arg7[%swap3A, %swap3A_56], %add3A_55 {strides = array<i32>} : memref<128x128xf32, #tpu.memory_space<vmem>>, vector<128x128xf32>,
    return
  }
}

</mosaic_0001>

<sc_bundles>
// kernel: kernel.4.cloned.1.call-start
scs
__scs_entry_jumppad:
0x0: {  	(pc) =	sbr.rel $0x88, $3  }
0x1: {  	(tag) =	ssettag $0x0;
	lr =	simm.s32 $0x1  }
0x2: {  	[smem:$0x3F9A] =	sst lr;
	_ =	strace $0xD0000000  }
0x3: {  	_ = 	snop  }
0x4: {  	_ = 	snop  }
0x5: {  	_ = 	snop  }
0x6: {  	_ = 	snop  }
0x7: {  	_ = 	snop  }
__scs_overlays_trampoline_lowered:
0x8: {  	[smem:$0x3FA9] =	sst s0  }
0x9: {  	[smem:$0x3FAA] =	sst s1  }
0xa: {  	[smem:$0x3FAB] =	sst s2  }
0xb: {  	[smem:$0x3FAC] =	sst s3  }
0xc: {  	[smem:$0x3FAD] =	sst s4  }
0xd: {  	[smem:$0x3FAE] =	sst s5  }
0xe: {  	[smem:$0x3FAF] =	sst s6  }
0xf: {  	[smem:$0x3FB0] =	sst s7  }
0x10: {  	[smem:$0x3FB1] =	sst s8  }
0x11: {  	[smem:$0x3FB2] =	sst s9;
	s0 =	simm.s32 @!p0 $0x0  }
0x12: {  	s1 =	sld [smem:$0x3F98];
	s0 =	simm.s32 @p0 $0x1  }
0x13: {  	[smem:$0x3FB3] =	sst s0;
	s0 =	simm.s32 @!p1 $0x0  }
0x14: {  	s2 =	sld [smem:$0x3F97];
	s0 =	simm.s32 @p1 $0x1  }
0x15: {  	[smem:$0x3FB4] =	sst s0;
	s0 =	simm.s32 @!p2 $0x0  }
0x16: {  	s3 =	sld [smem:$0x3FDB];
	s0 =	simm.s32 @p2 $0x1  }
0x17: {  	s4 =	simm.s32 $0x1BF5;
	[smem:$0x3FB6] =	sst s0  }
0x18: {  	s0 =	sld [smem:$0x3F99];
	_ =	swait.ge [sflag:s4], $0x0  }
0x19: {  	s7 =	sld [smem:$0x3F9A]  }
0x1a: {  	s8 =	sadd.s32 $0xFFFFE003, lr  }
0x1b: {  	s9 =	sadd.s32 $0xFFFFFEF7, lr;
	s5 =	simm.s32 $0xFFFFFFFF;
	p2 =	slt.u32 s8, $0xFFFFF086  }
0x1c: {  	p1 =	slt.u32 s9, $0xF7A;
	s5 =	simm.s32 @!p2 $0x0  }
0x1d: {  	s5 =	simm.s32 @p1 $0x1;
	p0 =	seq.s32 s7, s2  }
0x1e: {  	s7 =	smul.u32 @!p0 $0xF7A, s2;
	p2 =	seq.s32 @!p0 s5, $0x0  }
0x1f: {  	s9 =	smul.u32 $0xF7A, s1;
	s8 =	simm.s32 @!p0 $0x1BF5;
	p2 =	por !p2, p0  }
0x20: {  	[sflag:s8] =	ssyncset.s32 @!p0 $0xFFFFF086;
	s6 =	sadd.s32 @!p0 s3, s7;
	s7 =	simm.s32 @!p0 $0x108  }
0x21: {  	s3 =	sadd.s32 s3, s9;
	s6 =	sadd.s32 @!p0 $0x88, s6;
	s7 =	simm.s32 @p2 $0x1082  }
0x22: {  	[simem:s7], [sflag:s8] =	dma.local @!p0 [hbm:s6], $0xF7A  }
0x23: {  	s9 =	sor.u32 $0xD0000000, s2;
	s6 =	simm.s32 $0x108;
	_ =	swait.ge @!p0 [sflag:s8], $0x0  }
0x24: {  	s3 =	sadd.s32 $0x88, s3;
	s6 =	simm.s32 @!p1 $0x1082;
	[sflag:s4] =	ssyncset.s32 $0xFFFFF086  }
0x25: {  	[simem:s6], [sflag:s4] =	dma.local [hbm:s3], $0xF7A  }
0x26: {  	[smem:$0x3F9A] =	sst s1;
	(tag) =	ssettag s2;
	_ =	strace s9  }
0x27: {  	s1 =	sld [smem:$0x3FAA]  }
0x28: {  	s2 =	sld [smem:$0x3FAB]  }
0x29: {  	s4 =	sld [smem:$0x3FAD]  }
0x2a: {  	p0 =	seq.s32 s5, $0x0;
	s5 =	sld [smem:$0x3FAE]  }
0x2b: {  	s6 =	sld [smem:$0x3FAF]  }
0x2c: {  	s7 =	sld [smem:$0x3FB0]  }
0x2d: {  	s3 =	simm.s32 $0x108;
	s8 =	sld [smem:$0x3FB1]  }
0x2e: {  	s3 =	simm.s32 @!p0 $0x1082;
	s9 =	sld [smem:$0x3FB2]  }
0x2f: {  	lr =	sadd.s32 s0, s3;
	s0 =	sld [smem:$0x3FA9]  }
0x30: {  	s3 =	sld [smem:$0x3FAC]  }
0x31: {  	[smem:$0x3FB5] =	sst s10  }
0x32: {  	s10 =	sld [smem:$0x3FB3];
	_ =	sdelay $0x3  }
0x33: {  	p0 =	seq.s32 s10, $0x1;
	s10 =	sld [smem:$0x3FB5];
	_ =	sdelay $0x3  }
0x34: {  	[smem:$0x3FB5] =	sst s10  }
0x35: {  	s10 =	sld [smem:$0x3FB4];
	_ =	sdelay $0x3  }
0x36: {  	p1 =	seq.s32 s10, $0x1;
	s10 =	sld [smem:$0x3FB5];
	_ =	sdelay $0x3  }
0x37: {  	[smem:$0x3FB5] =	sst s10  }
0x38: {  	s10 =	sld [smem:$0x3FB6]  }
0x39: {  	_ = 	snop;
	(pc) =	sbr.ind lr, $3  }
0x3a: {  	_ = 	snop  }
0x3b: {  	_ = 	snop  }
0x3c: {  	p2 =	seq.s32 s10, $0x1;
	s10 =	sld [smem:$0x3FB5]  }
0x3d: {  	_ =	shalt  }
0x3e: {  	_ =	shalt  }
0x3f: {  	_ =	shalt  }
0x40: {  	_ =	shalt  }
0x41: {  	_ =	shalt  }
0x42: {  	_ =	shalt  }
0x43: {  	_ =	shalt  }
0x44: {  	_ =	shalt  }
0x45: {  	_ =	shalt  }
0x46: {  	_ =	shalt  }
0x47: {  	_ =	shalt  }
0x48: {  	_ =	shalt  }
0x49: {  	_ =	shalt  }
0x4a: {  	_ =	shalt  }
0x4b: {  	_ =	shalt  }
0x4c: {  	_ =	shalt  }
0x4d: {  	_ =	shalt  }
0x4e: {  	_ =	shalt  }
0x4f: {  	_ =	shalt  }
0x50: {  	_ =	shalt  }
0x51: {  	_ =	shalt  }
0x52: {  	_ =	shalt  }
0x53: {  	_ =	shalt  }
0x54: {  	_ =	shalt  }
0x55: {  	_ =	shalt  }
0x56: {  	_ =	shalt  }
0x57: {  	_ =	shalt  }
0x58: {  	_ =	shalt  }
0x59: {  	_ =	shalt  }
0x5a: {  	_ =	shalt  }
0x5b: {  	_ =	shalt  }
0x5c: {  	_ =	shalt  }
0x5d: {  	_ =	shalt  }
0x5e: {  	_ =	shalt  }
0x5f: {  	_ =	shalt  }
0x60: {  	_ =	shalt  }
0x61: {  	_ =	shalt  }
0x62: {  	_ =	shalt  }
0x63: {  	_ =	shalt  }
0x64: {  	_ =	shalt  }
0x65: {  	_ =	shalt  }
0x66: {  	_ =	shalt  }
0x67: {  	_ =	shalt  }
0x68: {  	_ =	shalt  }
0x69: {  	_ =	shalt  }
0x6a: {  	_ =	shalt  }
0x6b: {  	_ =	shalt  }
0x6c: {  	_ =	shalt  }
0x6d: {  	_ =	shalt  }
0x6e: {  	_ =	shalt  }
0x6f: {  	_ =	shalt  }
0x70: {  	_ =	shalt  }
0x71: {  	_ =	shalt  }
0x72: {  	_ =	shalt  }
0x73: {  	_ =	shalt  }
0x74: {  	_ =	shalt  }
0x75: {  	_ =	shalt  }
0x76: {  	_ =	shalt  }
0x77: {  	_ =	shalt  }
0x78: {  	_ =	shalt  }
0x79: {  	_ =	shalt  }
0x7a: {  	_ =	shalt  }
0x7b: {  	_ =	shalt  }
0x7c: {  	_ =	shalt  }
0x7d: {  	_ =	shalt  }
0x7e: {  	_ =	shalt  }
0x7f: {  	_ =	shalt  }
0x80: {  	_ =	shalt  }
0x81: {  	_ =	shalt  }
0x82: {  	_ =	shalt  }
0x83: {  	_ =	shalt  }
0x84: {  	_ =	shalt  }
0x85: {  	_ =	shalt  }
0x86: {  	_ =	shalt  }
0x87: {  	_ =	shalt  }
.Lfunc_end0:
.L_simem_size_0:
called_computation_lowered:
.L_overlay_start_0:
0x88: {  	s2 =	sld [smem:$0x3FD9]  }
0x89: {  	s3 =	sld [smem:$0x3FFE];
	_ =	sdelay $0x1  }
0x8a: {  	s1 =	srdreg.scid  }
0x8b: {  	s0 =	sand.u32 $0x1, s1  }
0x8c: {  	s17 =	sshll.u32 s0, $0xA;
	s2 =	sadd.s32 s3, s2  }
0x8d: {  	s2 =	sadd.s32 s2, s17  }
0x8e: {  	[smem:$0x3FC1] =	sst s2  }
0x8f: {  	_ = 	snop  }
0x90: {  	s2 =	sld [smem:$0x3FD0];
	(tm) =	ssettm $0x1  }
0x91: {  	s18 =	sld [smem:$0x3FFB];
	_ =	sdelay $0x3  }
0x92: {  	_ =	strace s18  }
0x93: {  	s3 =	sld [smem:$0x3FFC];
	_ =	sdelay $0x3  }
0x94: {  	_ =	strace s3  }
0x95: {  	s3 =	sld [smem:$0x3FFD];
	_ =	sdelay $0x3  }
0x96: {  	_ =	strace s3  }
0x97: {  	_ =	strace $0x8FFFFFFF  }
0x98: {  	s19 =	sld [smem:$0x3FDB];
	_ =	sdelay $0x1  }
0x99: {  	s4 =	simm.s32 $_scs_section_size  }
0x9a: {  	s5 =	simm.s32 $_size__tile_overlayer_lowered;
	s6 =	simm.s32 $_tile_overlayer_lowered  }
0x9b: {  	s22 =	simm.s32 $0x1BFF;
	s21 =	sshll.u32 s6, $0x1;
	s3 =	sadd.s32 s4, s19  }
0x9c: {  	s7 =	simm.s32 $0x0;
	s20 =	sshll.u32 s5, $0x1;
	s5 =	sadd.s32 s21, s3  }
0x9d: {  	[timem:s7], [sflag:s22] =	dma.local [hbm:s5], s20  }
0x9e: {  	_ =	swait.ge [sflag:s22], s20  }
0x9f: {  	s4 =	ssub.s32 $0x0, s20;
	[sflag:s22] =	ssyncset.done $0x0  }
0xa0: {  	[sflag:s22] =	ssyncadd.s32 s4;
	_ =	sdelay $0x1  }
0xa1: {  	s23 =	simm.s32 $0x1B8B  }
0xa2: {  	_ =	swait.ge [sflag:s23], $0x1  }
0xa3: {  	[sflag:s23] =	ssyncset.done $0x0  }
0xa4: {  	s25 =	simm.s32 $0x1B8E;
	s24 =	sld [smem:$0x3FFE];
	[sflag:s23] =	ssyncadd.s32 $0xFFFFFFFF  }
0xa5: {  	s26 =	simm.s32 $execute0_lowered;
	[smem:$0x3FD2] =	sst s25  }
0xa6: {  	s5 =	sshll.u32 s26, $0x1;
	_ =	strace $0x80000046;
	[dreg:$0x1] =	wrdreg $0xFFFFFFFF  }
0xa7: {  	s28 =	simm.s32 $_size_execute0_lowered;
	s3 =	sadd.s32 s3, s5;
	[dreg:$0x0] =	wrdreg $0x0  }
0xa8: {  	s5 =	sshll.u32 s28, $0x1;
	[dreg:$0x2] =	wrdreg s3  }
0xa9: {  	[dreg:$0x3] =	wrdreg s5  }
0xaa: {  	[dreg:$0x4] =	wrdreg $0xC0  }
0xab: {  	_ =	task [dreg:s7], $0x5FFFF  }
0xac: {  	[dreg:$0x1] =	wrdreg $0xFFFFFFFF  }
0xad: {  	[dreg:$0x0] =	wrdreg $0x60  }
0xae: {  	[dreg:$0x2] =	wrdreg s24  }
0xaf: {  	[dreg:$0x3] =	wrdreg s2  }
0xb0: {  	[dreg:$0x4] =	wrdreg $0x9  }
0xb1: {  	_ =	task.clear_ibuf [dreg:s7], $0x5FFFF;
	_ =	strace $0x90000046  }
0xb2: {  	s29 =	simm.s32 $0x9;
	_ =	strace $0x80000048  }
0xb3: {  	_ =	swait.ge [sflag:s29], $0x1  }
0xb4: {  	[sflag:s29] =	ssyncadd.s32 $0xFFFFFFFF  }
0xb5: {  	_ =	strace $0x90000048  }
0xb6: {  	_ =	sfence  }
0xb7: {  	s30 =	sld [smem:$0x0];
	_ =	sdelay $0x2  }
0xb8: {  	s31 =	sshll.u32 s1, $0xD;
	s1 =	sshrl.u32 s1, $0x2  }
0xb9: {  	s3 =	sand.u32 $0x4000, s31;
	s1 =	sadd.s32 s1, s30  }
0xba: {  	s0 =	sor.u32 s3, s0;
	s1 =	sshll.u32 s1, $0x11  }
0xbb: {  	s0 =	sor.u32 s1, s0  }
0xbc: {  	s0 =	sadd.s32 $0x8F2B, s0  }
0xbd: {  	[sflag:s0] =	ssyncadd.remote.s32 $0x1  }
0xbe: {  	_ =	sfence.sel $0xFFFF  }
0xbf: {  	[dreg:$0x0] =	wrdreg $0xFFFFFFFF;
	(pc) =	sbr.abs _section_cstart, $3  }
0xc0: {  	[dreg:$0x1] =	wrdreg $0xFFFFFFFF  }
0xc1: {  	_ =	task.clear_ibuf [dreg:s7], $0x2FFFF;
	_ =	strace $0x9FFFFFFF  }
0xc2: {  	(tm) =	ssettm $0x7FFFFFFF  }
0xc3: {  	_ =	shalt  }
tec
execute0_lowered:
.L_overlay_start_1:
0x0: {  	(tag) =	ssettag $0x1  }
0x1: {  	s3 =	rddreg [dreg:$0x0]  }
0x2: {  	s1 =	rddreg [dreg:$0x1]  }
0x3: {  	s4 =	srdreg.scid;
	s0 =	rddreg [dreg:$0x2];
	s2 =	simm.s32 $0x0  }
0x4: {  	s9 =	simm.s32 $0x80;
	s10 =	simm.s32 $0x400;
	s11 =	simm.s32 $0x1  }
.Ltmp0:
0x5: {  	s12 =	simm.s32 $0x1DE80;
	s5 =	sand.u32 $0x1, s4;
	(pc) =	sbr.rel .LBB2_1-.Ltmp0, $4  }
0x6: {  	v0 =	vlaneseq.u32;
	s13 =	simm.s32 $0x0;
	[smem:$0x7FF] =	sst s2;
	s6 =	ssub.s32 $0x2, s5  }
0x7: {  	v2 =	vimm.s32 $0xF;
	v1 =	vmul.u32 $0xFFFFFFFF, v0;
	s4 =	sadd.s32 $0x1200, s3;
	s3 =	stileid.u32;
	s7 =	sshrl.u32 s6, $0x1  }
0x8: {  	v4 =	vimm.s32 $0xFFFFFFFF;
	vm0 =	vmxor vm0, vm0;
	vm1 =	vmmov $0x3ff;
	_ =	strace $0x80000047;
	s5 =	sshll.u32 s5, $0x9;
	s8 =	ssub.s32 s6, s7  }
0x9: {  	v5 =	vimm.f32 $-Inf;
	v3 =	vor.u32 $0x2700, v0;
	v1 =	vadd.s32 $0xF, v1;
	s6 =	smul.u32 $0xC3800, s3;
	s7 =	sshll.u32 s3, $0xA;
	s8 =	smax.u32 s8, $0x1  }
.LBB2_19:
0xa: {  	s13 =	sadd.s32 $0x1, s13  }
0xb: {  	p0 =	sne.s32 s13, s8  }
.Ltmp1:
0xc: {  	_ = 	snop;
	(pc) =	sbr.rel @!p0 .LBB2_20-.Ltmp1, $1  }
0xd: {  	_ =	sdelay $0x3  }
.LBB2_1:
.Ltmp2:
0xe: {  	(pc) =	sbr.rel .LBB2_2-.Ltmp2, $2  }
0xf: {  	_ =	sdelay $0x2  }
0x10: {  	s14 =	simm.s32 $0x0  }
.LBB2_17:
0x11: {  	v6 =	vperm.xlane @!p0 v12, v10;
	_ =	sdelay $0x1  }
0x12: {  	v7 =	vpsel p0, v7, v11;
	v8 =	vpsel p0, v8, v6  }
.LBB2_18:
0x13: {  	s15 =	sadd.s32 s7, s15;
	s14 =	sadd.s32 $0x1, s14  }
0x14: {  	[tilespmem:$0x1DE80] =	vst v8;
	s15 =	sshrl.u32 s15, $0x3;
	p0 =	sne.s32 s14, $0x4  }
.Ltmp3:
0x15: {  	[smem:$0x1] =	sst s2;
	[tilespmem:$0x1DE90] =	vst v7;
	s15 =	sadd.s32 s1, s15;
	(pc) =	sbr.rel @!p0 .LBB2_19-.Ltmp3, $4  }
0x16: {  	[hbm4b:s15+s2] =	stream.linear.scatter [tilespmem:s12], [sflag:$0x1], $0x80, $0x38;
	[tilespmem:$0x1DF00] =	vst v63  }
0x17: {  	_ =	swait.ge [sflag:s11], $0x80  }
0x18: {  	[sflag:s11] =	ssyncset.done $0x0  }
0x19: {  	[sflag:s11] =	ssyncadd.s32 $0xFFFFFF80  }
.LBB2_2:
0x1a: {  	s15 =	sshll.u32 s14, $0x7  }
0x1b: {  	s15 =	sadd.s32 s5, s15  }
0x1c: {  	s16 =	sadd.s32 s6, s15  }
0x1d: {  	s16 =	sshrl.u32 s16, $0x3  }
0x1e: {  	s17 =	simm.s32 $0x0;
	s16 =	sadd.s32 s4, s16  }
0x1f: {  	[tilespmem:s17], [sflag:$0x1] =	stream.strided.gather [hbm4b:s16+s9], $0x18700, s10, s9, $0x38;
	[tilespmem:$0x1DF00] =	vst v63  }
0x20: {  	_ =	swait.ge [sflag:s11], $0x18700  }
0x21: {  	[sflag:s11] =	ssyncset.done $0x0  }
0x22: {  	s18 =	simm.s32 $0xA0;
	[sflag:s11] =	ssyncadd.s32 $0xFFFE7900  }
0x23: {  	v6 =	vld [tilespmem:s18+$0xFFFFFF60]  }
0x24: {  	s30 =	simm.s32 $0xA0;
	v10 =	vld [tilespmem:s18+$0x90]  }
0x25: {  	s16 =	sand.u32 $0x3FFE0, s30;
	v7 =	vld [tilespmem:s18+$0x70]  }
0x26: {  	v8 =	vld [tilespmem:s16+$0x80]  }
0x27: {  	v9 =	vld [tilespmem:s18+$0x60]  }
0x28: {  	v16 =	vld [tilespmem:s18+$0x50]  }
0x29: {  	s31 =	sand.u32 $0x3FFC0, s17;
	v12 =	vld [tilespmem:s18+$0xFFFFFFF0]  }
0x2a: {  	v13 =	vld [tilespmem:s31+$0x80]  }
0x2b: {  	v17 =	vld [tilespmem:s18+$0x40]  }
0x2c: {  	v21 =	vld [tilespmem:s18+$0x30]  }
0x2d: {  	v22 =	vld [tilespmem:s18+$0x20]  }
0x2e: {  	v23 =	vld [tilespmem:s18+$0xFFFFFF70]  }
0x2f: {  	v24 =	vld [tilespmem:s18+$0xFFFFFF80]  }
0x30: {  	v25 =	vld [tilespmem:s18+$0xFFFFFF90]  }
0x31: {  	v14 =	vld [tilespmem:s18+$0x0]  }
0x32: {  	v18 =	vld [tilespmem:s18+$0xFFFFFFA0]  }
0x33: {  	v20 =	vld [tilespmem:s18+$0xFFFFFFB0]  }
0x34: {  	v11 =	vimm.f32 $-Inf;
	v19 =	vld [tilespmem:s18+$0xFFFFFFC0];
	v15 =	vmax.f32 v9, v7;
	v16 =	vmax.f32 v17, v16  }
0x35: {  	s19 =	simm.s32 $0x18730;
	s20 =	simm.s32 $0x1E0;
	v17 =	vmax.f32 v22, v21;
	v21 =	vmax.f32 v6, v23;
	v23 =	vld [tilespmem:s18+$0xFFFFFFD0];
	v24 =	vmax.f32 v24, v25  }
0x36: {  	s17 =	simm.s32 $0x0;
	s16 =	simm.s32 $0x18710;
	v22 =	vld [tilespmem:s18+$0x10];
	s18 =	simm.s32 $0x140;
	v9 =	vimm.f32 $-Inf;
	v7 =	vimm.f32 $-Inf;
	v6 =	vimm.f32 $-Inf  }
.LBB2_3:
0x37: {  	v25 =	vld [tilespmem:s20+$0xFFFFFF60];
	s21 =	sand.u32 $0x3FFC0, s18;
	s22 =	sadd.s32 $0xA0, s18;
	s17 =	sadd.s32 $0x2, s17  }
0x38: {  	v13 =	vmax.f32 v13, v12;
	s22 =	sand.u32 $0x3FFE0, s22;
	v26 =	vld [tilespmem:s20+$0x90];
	p0 =	slt.u32 s17, $0x26E;
	v18 =	vmax.f32 v18, v20  }
0x39: {  	v27 =	vmax.f32 v8, v10;
	v20 =	vld [tilespmem:s20+$0x70]  }
0x3a: {  	v12 =	vmax.f32 v21, v24;
	v8 =	vld [tilespmem:s22+$0x80];
	v10 =	vmax.f32 v19, v23  }
0x3b: {  	v19 =	vld [tilespmem:s20+$0x60];
	v23 =	vmax.f32 v18, v10;
	v14 =	vmax.f32 v14, v22  }
0x3c: {  	v15 =	vmax.f32 v16, v15;
	v18 =	vld [tilespmem:s20+$0x50];
	v21 =	vmax.f32 v12, v23;
	v14 =	vmax.f32 v14, v17  }
0x3d: {  	v12 =	vld [tilespmem:s20+$0xFFFFFFF0];
	v16 =	vmax.f32 v21, v13;
	v14 =	vmax.f32 v14, v15;
	v10 =	vmov v26  }
0x3e: {  	v13 =	vld [tilespmem:s21+$0x80];
	v15 =	vmax.f32 v11, v16;
	v11 =	vmin.f32 v11, v16;
	v17 =	vmax.f32 v14, v27  }
0x3f: {  	v21 =	vld [tilespmem:s20+$0x40];
	v22 =	vmax.f32 v9, v11;
	v9 =	vmin.f32 v9, v11;
	[tilespmem:s16+$0xFFFFFFF0] =	vst v16;
	v16 =	vmin.f32 v15, v17  }
0x40: {  	v23 =	vld [tilespmem:s20+$0x30];
	v11 =	vmax.f32 v7, v9;
	v7 =	vmin.f32 v7, v9;
	v9 =	vmin.f32 v22, v16;
	[tilespmem:s16+$0x0] =	vst v17;
	s16 =	smov.u32 s19  }
0x41: {  	v24 =	vld [tilespmem:s20+$0x20];
	v6 =	vmax.f32 v6, v7;
	v7 =	vmax.f32 v11, v9;
	v26 =	vmin.f32 v11, v9  }
0x42: {  	v11 =	vmax.f32 v15, v17;
	v9 =	vmax.f32 v22, v16;
	v14 =	vld [tilespmem:s20+$0x0];
	v6 =	vmax.f32 v6, v26  }
0x43: {  	v15 =	vmax.f32 v19, v20;
	v22 =	vld [tilespmem:s20+$0xFFFFFF70]  }
0x44: {  	v26 =	vld [tilespmem:s20+$0xFFFFFF80];
	v16 =	vmax.f32 v21, v18  }
0x45: {  	v27 =	vld [tilespmem:s20+$0xFFFFFF90]  }
.Ltmp4:
0x46: {  	v18 =	vld [tilespmem:s20+$0xFFFFFFA0];
	v17 =	vmax.f32 v24, v23;
	(pc) =	sbr.rel @p0 .LBB2_3-.Ltmp4, $4  }
0x47: {  	v20 =	vld [tilespmem:s20+$0xFFFFFFB0]  }
0x48: {  	v19 =	vld [tilespmem:s20+$0xFFFFFFC0];
	v21 =	vmax.f32 v25, v22  }
0x49: {  	v23 =	vld [tilespmem:s20+$0xFFFFFFD0]  }
0x4a: {  	s18 =	sadd.s32 $0x140, s18;
	s19 =	sadd.s32 $0x20, s19;
	v24 =	vmax.f32 v26, v27;
	v22 =	vld [tilespmem:s20+$0x10];
	s20 =	sadd.s32 $0x140, s20  }
0x4b: {  	_ =	sdelay $0x2  }
0x4c: {  	v12 =	vmax.f32 v13, v12;
	v18 =	vmax.f32 v18, v20;
	v38 =	vmax.f32 v19, v23  }
0x4d: {  	v39 =	vmax.f32 v21, v24;
	v13 =	vmax.f32 v18, v38;
	v14 =	vmax.f32 v14, v22  }
0x4e: {  	v15 =	vmax.f32 v16, v15;
	v13 =	vmax.f32 v39, v13;
	v14 =	vmax.f32 v14, v17  }
0x4f: {  	v8 =	vmax.f32 v8, v10;
	v10 =	vmax.f32 v13, v12;
	v40 =	vmax.f32 v14, v15  }
0x50: {  	v8 =	vmax.f32 v40, v8;
	[tilespmem:s16+$0xFFFFFFF0] =	vst v10  }
0x51: {  	[tilespmem:s16+$0x0] =	vst v8  }
0x52: {  	v41 =	vld [tilespmem:$0x18600]  }
0x53: {  	v42 =	vld [tilespmem:$0x18610]  }
0x54: {  	v43 =	vld [tilespmem:$0x18620]  }
0x55: {  	v44 =	vld [tilespmem:$0x18630]  }
0x56: {  	v45 =	vld [tilespmem:$0x18640]  }
0x57: {  	v46 =	vld [tilespmem:$0x18650]  }
0x58: {  	v47 =	vld [tilespmem:$0x18660]  }
0x59: {  	v48 =	vld [tilespmem:$0x18670]  }
0x5a: {  	v49 =	vld [tilespmem:$0x18680]  }
0x5b: {  	v50 =	vld [tilespmem:$0x18690];
	_ =	sdelay $0x1  }
0x5c: {  	v51 =	vmax.f32 v11, v10;
	v12 =	vmax.f32 v41, v42  }
0x5d: {  	v52 =	vmax.f32 v43, v44;
	v53 =	vmax.f32 v45, v46;
	v54 =	vmax.f32 v47, v48  }
0x5e: {  	v10 =	vmin.f32 v11, v10;
	v11 =	vmax.f32 v12, v52;
	v55 =	vmax.f32 v53, v54  }
0x5f: {  	v56 =	vmax.f32 v9, v10;
	v57 =	vmax.f32 v49, v50;
	v11 =	vmax.f32 v11, v55  }
0x60: {  	v58 =	vmin.f32 v51, v8;
	v8 =	vmax.f32 v51, v8;
	v11 =	vmax.f32 v11, v57  }
0x61: {  	v59 =	vmax.f32 v56, v58;
	v60 =	vmax.f32 v8, v11;
	v8 =	vmin.f32 v8, v11  }
0x62: {  	v61 =	vmax.f32 v59, v8;
	(xrf1) =	vsort.ascd.msk.f32 $0xffff, v60, v60  }
0x63: {  	(xrf1) =	vsort.ascd.msk.f32 $0xffff, v61, v61;
	_ =	sdelay $0xb  }
0x64: {  	v9 =	vmin.f32 v9, v10  }
0x65: {  	v10 =	vmax.f32 v7, v9;
	v7 =	vmin.f32 v7, v9;
	v9 =	vmin.f32 v56, v58;
	v62, _, _ =	vpop (xrf1)  }
0x66: {  	v6 =	vmax.f32 v6, v7;
	v7 =	vmax.f32 v10, v9;
	v63, _, _ =	vpop (xrf1)  }
0x67: {  	v9 =	vmin.f32 v10, v9;
	v8 =	vmin.f32 v59, v8;
	v10 =	vperm.xlane v63, v1  }
0x68: {  	v6 =	vmax.f32 v6, v9;
	v9 =	vmax.f32 v7, v8  }
0x69: {  	v7 =	vmin.f32 v7, v8;
	v8 =	vperm.xlane v62, v1;
	v10 =	vperm.xlane v10, v1  }
0x6a: {  	v6 =	vmax.f32 v6, v7;
	(xrf1) =	vsort.ascd.msk.f32 $0xffff, v9, v9  }
0x6b: {  	(xrf1) =	vsort.ascd.msk.f32 $0xffff, v6, v6;
	v6 =	vmax.f32 v8, v10  }
0x6c: {  	(xrf1) =	vsort.ascd.msk.f32 $0xffff, v6, v6;
	v6 =	vmin.f32 v8, v10  }
0x6d: {  	(xrf1) =	vsort.ascd.msk.f32 $0xffff, v6, v6;
	_ =	sdelay $0xa  }
0x6e: {  	v6, _, _ =	vpop (xrf1)  }
0x6f: {  	v7, _, _ =	vpop (xrf1)  }
0x70: {  	v6 =	vperm.xlane v6, v1;
	v8, _, _ =	vpop (xrf1)  }
0x71: {  	v9, _, _ =	vpop (xrf1)  }
0x72: {  	v6 =	vperm.xlane v6, v1;
	v9 =	vperm.xlane v9, v1;
	_ =	sdelay $0x1  }
0x73: {  	v6 =	vmax.f32 v9, v6  }
0x74: {  	(xrf1) =	vsort.ascd.msk.f32 $0xffff, v6, v6;
	_ =	sdelay $0xd  }
0x75: {  	v6, _, _ =	vpop (xrf1)  }
0x76: {  	v6 =	vperm.xlane v6, v1;
	_ =	sdelay $0x1  }
0x77: {  	v8 =	vperm.xlane v8, v1;
	v6 =	vperm.xlane v6, v1;
	_ =	sdelay $0x1  }
0x78: {  	v9 =	vmax.f32 v8, v6  }
0x79: {  	v6 =	vmin.f32 v8, v6;
	(xrf1) =	vsort.ascd.msk.f32 $0xffff, v9, v9  }
0x7a: {  	(xrf1) =	vsort.ascd.msk.f32 $0xffff, v6, v6;
	_ =	sdelay $0xc  }
0x7b: {  	v7 =	vperm.xlane v7, v1;
	v6, _, _ =	vpop (xrf1)  }
0x7c: {  	v8, _, _ =	vpop (xrf1)  }
0x7d: {  	v7 =	vperm.xlane v7, v1;
	v8 =	vperm.xlane v8, v1;
	_ =	sdelay $0x1  }
0x7e: {  	v7 =	vmax.f32 v8, v7  }
0x7f: {  	(xrf1) =	vsort.ascd.msk.f32 $0xffff, v7, v7;
	_ =	sdelay $0xd  }
0x80: {  	v7, _, _ =	vpop (xrf1)  }
0x81: {  	v7 =	vperm.xlane v7, v1;
	_ =	sdelay $0x1  }
0x82: {  	v6 =	vperm.xlane v6, v1;
	v7 =	vperm.xlane v7, v1;
	_ =	sdelay $0x1  }
0x83: {  	v6 =	vmin.f32 v6, v7  }
0x84: {  	(xrf1) =	vsort.ascd.msk.f32 $0xffff, v6, v6;
	_ =	sdelay $0x7  }
0x85: {  	s17 =	simm.s32 $0x18720;
	[tilespmem:$0x1AE00] =	vst v11  }
0x86: {  	v10 =	vld [tilespmem:s17+$0xFFFFFFE0]  }
0x87: {  	v9 =	vld [tilespmem:s17+$0x0]  }
0x88: {  	v8 =	vld [tilespmem:s17+$0x10]  }
0x89: {  	v7 =	vld [tilespmem:s17+$0xFFFFFFF0];
	_ =	sdelay $0x1  }
0x8a: {  	v6, _, _ =	vpop (xrf1)  }
0x8b: {  	v6 =	vperm.xlane v6, v1;
	_ =	sdelay $0x1  }
0x8c: {  	v8 =	vmax.f32 v9, v8;
	v7 =	vmax.f32 v10, v7;
	v6 =	vperm.xlane v6, v2  }
0x8d: {  	v7 =	vmax.f32 v7, v8  }
0x8e: {  	vm2 =	vge.f32 v7, v6  }
0x8f: {  	v7 =	vmpcnt.ones.xlane vm2;
	_ =	sdelay $0x1  }
0x90: {  	(v2sf) =	vpush v7, $0x0;
	_ =	sdelay $0xe  }
0x91: {  	s31 =	spop (v2sf)  }
0x92: {  	p0 =	slt.s32 s31, $0x1  }
0x93: {  	s18 =	simm.s32 $0x0;
	v7 =	vlaneseq.u32 @!p0  }
0x94: {  	s16 =	simm.s32 $0x0;
	vm2 =	vge.f32 @!p0 v10, v6;
	v8 =	vor.u32 @!p0 s18, v7  }
0x95: {  	v9 =	vmpcnt.ones.xlane @!p0 vm2;
	[tilespmem:s16+$0x1AE80] =	vst.msk @!p0 vm2, v8  }
0x96: {  	v8 =	vld @!p0 [tilespmem:s17+$0xFFFFFFF0]  }
0x97: {  	(v2sf) =	vpush @!p0 v9, $0x0;
	_ =	sdelay $0x3  }
0x98: {  	vm2 =	vge.f32 @!p0 v8, v6  }
0x99: {  	v8 =	vmpcnt.ones.xlane @!p0 vm2;
	_ =	sdelay $0x1  }
0x9a: {  	(v2sf) =	vpush @!p0 v8, $0x0;
	_ =	sdelay $0x7  }
0x9b: {  	s18 =	simm.s32 $0x10;
	s19 =	spop @!p0 (v2sf)  }
0x9c: {  	v8 =	vor.u32 @!p0 s18, v7;
	s18 =	sadd.s32 @!p0 $0x0, s19  }
0x9d: {  	[tilespmem:s18+$0x1AE80] =	vst.msk @!p0 vm2, v8  }
0x9e: {  	v8 =	vld @!p0 [tilespmem:s17+$0x0];
	_ =	sdelay $0x3  }
0x9f: {  	s19 =	simm.s32 $0x20;
	s20 =	spop @!p0 (v2sf)  }
0xa0: {  	v9 =	vor.u32 @!p0 s19, v7;
	vm2 =	vge.f32 @!p0 v8, v6;
	s18 =	sadd.s32 @!p0 s18, s20  }
0xa1: {  	[tilespmem:s18+$0x1AE80] =	vst.msk @!p0 vm2, v9  }
0xa2: {  	v9 =	vmpcnt.ones.xlane @!p0 vm2;
	v8 =	vld @!p0 [tilespmem:s17+$0x10];
	_ =	sdelay $0x1  }
0xa3: {  	(v2sf) =	vpush @!p0 v9, $0x0;
	_ =	sdelay $0x2  }
0xa4: {  	vm2 =	vge.f32 @!p0 v8, v6  }
0xa5: {  	v8 =	vmpcnt.ones.xlane @!p0 vm2;
	_ =	sdelay $0x1  }
0xa6: {  	(v2sf) =	vpush @!p0 v8, $0x0;
	_ =	sdelay $0x8  }
0xa7: {  	s17 =	simm.s32 $0x30;
	s19 =	spop @!p0 (v2sf)  }
0xa8: {  	v7 =	vor.u32 @!p0 s17, v7;
	s20 =	sadd.s32 @!p0 s18, s19  }
0xa9: {  	s17 =	simm.s32 $0x18760;
	[tilespmem:s20+$0x1AE80] =	vst.msk @!p0 vm2, v7  }
0xaa: {  	v8 =	vld [tilespmem:s17+$0xFFFFFFF0]  }
0xab: {  	v9 =	vld [tilespmem:s17+$0x10]  }
0xac: {  	v10 =	vld [tilespmem:s17+$0x0]  }
0xad: {  	v7 =	vld [tilespmem:s17+$0xFFFFFFE0];
	s21 =	spop @!p0 (v2sf)  }
0xae: {  	s18 =	simm.s32 $0x70;
	s19 =	simm.s32 $0xB0;
	s20 =	sadd.s32 @!p0 s20, s21  }
.LBB2_5:
0xaf: {  	s21 =	smov.u32 s16  }
0xb0: {  	s16 =	smov.u32 s20;
	[smem:$0x0] =	sst @!p0 s20  }
0xb1: {  	s16 =	smov.u32 @p0 s21;
	s20 =	smov.u32 s19;
	s19 =	sadd.s32 $0x40, s19  }
0xb2: {  	v9 =	vmax.f32 v10, v9;
	v8 =	vmax.f32 v7, v8;
	p1 =	sne.s32 s19, $0x2730  }
0xb3: {  	v8 =	vmax.f32 v8, v9  }
0xb4: {  	vm2 =	vge.f32 v8, v6  }
0xb5: {  	v8 =	vmpcnt.ones.xlane vm2;
	_ =	sdelay $0x1  }
0xb6: {  	(v2sf) =	vpush v8, $0x0;
	_ =	sdelay $0xe  }
0xb7: {  	s21 =	spop (v2sf)  }
0xb8: {  	p0 =	slt.s32 s21, $0x1  }
0xb9: {  	s22 =	sadd.s32 $0xFFFFFFE0, s18;
	s21 =	sadd.s32 $0xFFFFFFD0, s18;
	vm2 =	vge.f32 @!p0 v7, v6;
	v7 =	vlaneseq.u32 @!p0  }
0xba: {  	s23 =	sadd.s32 $0xFFFFFFF0, s18;
	v8 =	vor.u32 @!p0 s21, v7;
	v9 =	vmpcnt.ones.xlane @!p0 vm2;
	v10 =	vor.u32 @!p0 s22, v7  }
0xbb: {  	[tilespmem:s16+$0x1AE80] =	vst.msk @!p0 vm2, v8;
	v8 =	vor.u32 @!p0 s23, v7;
	v7 =	vor.u32 @!p0 s18, v7;
	s18 =	smov.u32 s20  }
0xbc: {  	v11 =	vld @!p0 [tilespmem:s17+$0xFFFFFFF0];
	(v2sf) =	vpush @!p0 v9, $0x0;
	_ =	sdelay $0x4  }
0xbd: {  	vm2 =	vge.f32 @!p0 v11, v6  }
0xbe: {  	v9 =	vmpcnt.ones.xlane @!p0 vm2;
	_ =	sdelay $0x1  }
0xbf: {  	(v2sf) =	vpush @!p0 v9, $0x0;
	_ =	sdelay $0x6  }
0xc0: {  	s20 =	spop @!p0 (v2sf)  }
0xc1: {  	s20 =	sadd.s32 @!p0 s16, s20  }
0xc2: {  	[tilespmem:s20+$0x1AE80] =	vst.msk @!p0 vm2, v10  }
0xc3: {  	v9 =	vld @!p0 [tilespmem:s17+$0x0];
	_ =	sdelay $0x4  }
0xc4: {  	vm2 =	vge.f32 @!p0 v9, v6;
	s21 =	spop @!p0 (v2sf)  }
0xc5: {  	s20 =	sadd.s32 @!p0 s20, s21;
	v9 =	vmpcnt.ones.xlane @!p0 vm2  }
0xc6: {  	[tilespmem:s20+$0x1AE80] =	vst.msk @!p0 vm2, v8  }
0xc7: {  	v8 =	vld @!p0 [tilespmem:s17+$0x10];
	(v2sf) =	vpush @!p0 v9, $0x0;
	_ =	sdelay $0x4  }
0xc8: {  	vm2 =	vge.f32 @!p0 v8, v6  }
0xc9: {  	v8 =	vmpcnt.ones.xlane @!p0 vm2;
	_ =	sdelay $0x1  }
0xca: {  	(v2sf) =	vpush @!p0 v8, $0x0;
	_ =	sdelay $0x6  }
0xcb: {  	s21 =	spop @!p0 (v2sf)  }
0xcc: {  	s20 =	sadd.s32 @!p0 s20, s21  }
0xcd: {  	s17 =	sadd.s32 $0x40, s17;
	[tilespmem:s20+$0x1AE80] =	vst.msk @!p0 vm2, v7  }
0xce: {  	v8 =	vld [tilespmem:s17+$0xFFFFFFF0]  }
0xcf: {  	v9 =	vld [tilespmem:s17+$0x10]  }
.Ltmp5:
0xd0: {  	v10 =	vld [tilespmem:s17+$0x0];
	(pc) =	sbr.rel @p1 .LBB2_5-.Ltmp5, $3  }
0xd1: {  	v7 =	vld [tilespmem:s17+$0xFFFFFFE0];
	_ =	sdelay $0x1  }
0xd2: {  	s21 =	spop @!p0 (v2sf)  }
0xd3: {  	s20 =	sadd.s32 @!p0 s20, s21  }
0xd4: {  	_ = 	snop  }
0xd5: {  	v9 =	vmax.f32 v10, v9;
	v8 =	vmax.f32 v7, v8  }
0xd6: {  	v8 =	vmax.f32 v8, v9  }
0xd7: {  	vm2 =	vge.f32 v8, v6  }
0xd8: {  	v8 =	vmpcnt.ones.xlane vm2;
	_ =	sdelay $0x1  }
0xd9: {  	(v2sf) =	vpush v8, $0x0;
	_ =	sdelay $0xe  }
0xda: {  	s19 =	spop (v2sf)  }
0xdb: {  	p1 =	slt.s32 s19, $0x1  }
0xdc: {  	vm2 =	vge.f32 @!p1 v7, v6  }
0xdd: {  	v7 =	vmpcnt.ones.xlane @!p1 vm2;
	_ =	sdelay $0x1  }
0xde: {  	(v2sf) =	vpush @!p1 v7, $0x0;
	_ =	sdelay $0x7  }
0xdf: {  	s19 =	sadd.s32 $0xFFFFFFD0, s18;
	v7 =	vlaneseq.u32 @!p1  }
0xe0: {  	[smem:$0x0] =	sst @!p0 s20;
	s20 =	smov.u32 @p0 s16;
	v8 =	vor.u32 @!p1 s19, v7  }
0xe1: {  	[tilespmem:s20+$0x1AE80] =	vst.msk @!p1 vm2, v8  }
0xe2: {  	v8 =	vld @!p1 [tilespmem:s17+$0xFFFFFFF0];
	_ =	sdelay $0x3  }
0xe3: {  	s16 =	sadd.s32 $0xFFFFFFE0, s18;
	s19 =	spop @!p1 (v2sf)  }
0xe4: {  	v9 =	vor.u32 @!p1 s16, v7;
	vm2 =	vge.f32 @!p1 v8, v6;
	s16 =	sadd.s32 @!p1 s20, s19  }
0xe5: {  	v8 =	vmpcnt.ones.xlane @!p1 vm2;
	[tilespmem:s16+$0x1AE80] =	vst.msk @!p1 vm2, v9  }
0xe6: {  	v9 =	vld @!p1 [tilespmem:s17+$0x0]  }
0xe7: {  	(v2sf) =	vpush @!p1 v8, $0x0;
	_ =	sdelay $0x3  }
0xe8: {  	vm2 =	vge.f32 @!p1 v9, v6  }
0xe9: {  	v8 =	vmpcnt.ones.xlane @!p1 vm2;
	_ =	sdelay $0x1  }
0xea: {  	(v2sf) =	vpush @!p1 v8, $0x0;
	_ =	sdelay $0x7  }
0xeb: {  	s19 =	sadd.s32 $0xFFFFFFF0, s18;
	s21 =	spop @!p1 (v2sf)  }
0xec: {  	v8 =	vor.u32 @!p1 s19, v7;
	s16 =	sadd.s32 @!p1 s16, s21  }
0xed: {  	[tilespmem:s16+$0x1AE80] =	vst.msk @!p1 vm2, v8  }
0xee: {  	v8 =	vld @!p1 [tilespmem:s17+$0x10];
	_ =	sdelay $0x3  }
0xef: {  	s17 =	spop @!p1 (v2sf)  }
0xf0: {  	v7 =	vor.u32 @!p1 s18, v7;
	vm2 =	vge.f32 @!p1 v8, v6;
	s16 =	sadd.s32 @!p1 s16, s17  }
0xf1: {  	[tilespmem:s16+$0x1AE80] =	vst.msk @!p1 vm2, v7  }
0xf2: {  	v7 =	vld [tilespmem:$0x1AE00];
	_ =	sdelay $0x3  }
0xf3: {  	v8 =	vmpcnt.ones.xlane @!p1 vm2  }
0xf4: {  	vm2 =	vge.f32 v7, v6  }
0xf5: {  	(v2sf) =	vpush @!p1 v8, $0x0;
	v7 =	vmpcnt.ones.xlane vm2;
	_ =	sdelay $0x1  }
0xf6: {  	(v2sf) =	vpush v7, $0x0;
	_ =	sdelay $0xc  }
0xf7: {  	s17 =	spop @!p1 (v2sf)  }
0xf8: {  	s17 =	sadd.s32 @!p1 s16, s17  }
0xf9: {  	[smem:$0x0] =	sst @!p1 s17;
	s17 =	smov.u32 @p1 s20;
	s26 =	spop (v2sf)  }
0xfa: {  	s28 =	sadd.s32 s17, s26  }
0xfb: {  	s16 =	sadd.s32 $0xF, s28  }
0xfc: {  	s29 =	sand.u32 $0xF, s16  }
0xfd: {  	s30 =	sshra.s32 s16, $0x1F;
	p5 =	slt.s32 s16, $0x1;
	p6 =	sne.s32 s29, $0x0  }
0xfe: {  	s31 =	sshrl.u32 s30, $0x1C;
	p0 =	por !p5, !p6  }
0xff: {  	s19 =	simm.s32 $0x1;
	s16 =	sadd.s32 s31, s16;
	p0 =	por !p0, !p0  }
0x100: {  	s16 =	sshra.s32 s16, $0x4;
	s19 =	simm.s32 @!p0 $0x0  }
0x101: {  	s16 =	ssub.s32 s16, s19  }
0x102: {  	p0 =	slt.s32 s16, $0x1  }
.Ltmp6:
0x103: {  	_ = 	snop;
	(pc) =	sbr.rel @!p0 .LBB2_8-.Ltmp6, $3  }
0x104: {  	_ =	sdelay $0x1  }
0x105: {  	[tilespmem:s17+$0x1AE80] =	vst.msk vm2, v3  }
0x106: {  	v9 =	vmov v6;
	s18 =	simm.s32 $0x0;
	v8 =	vimm.f32 $-Inf;
	v7 =	vimm.f32 $-Inf;
	s17 =	simm.s32 $0x0;
	[smem:$0x0] =	sst s28;
	[tilespmem:s28+$0x1AE80] =	vst v4  }
0x107: {  	v8 =	vimm.f32 $-Inf;
	v9 =	vmov v6  }
.LBB2_14:
0x108: {  	s16 =	sadd.s32 $0xF, s18  }
0x109: {  	s17 =	sand.u32 $0xF, s16  }
0x10a: {  	s31 =	sshra.s32 s16, $0x1F;
	p1 =	slt.s32 s16, $0x1;
	p0 =	sne.s32 s17, $0x0  }
0x10b: {  	s17 =	sshrl.u32 s31, $0x1C;
	p0 =	por !p1, !p0  }
0x10c: {  	s16 =	sadd.s32 s17, s16;
	s17 =	simm.s32 $0x1;
	p0 =	por !p0, !p0  }
0x10d: {  	s16 =	sshra.s32 s16, $0x4;
	s17 =	simm.s32 @!p0 $0x0  }
0x10e: {  	s16 =	ssub.s32 s16, s17  }
0x10f: {  	p0 =	slt.s32 s16, $0x1  }
.Ltmp7:
0x110: {  	_ = 	snop;
	(pc) =	sbr.rel @p0 .LBB2_18-.Ltmp7, $2  }
0x111: {  	_ =	sdelay $0x2  }
0x112: {  	[tilespmem:s18+$0x1D600] =	vst v5;
	s17 =	simm.s32 $0x1D600  }
0x113: {  	v6 =	vld [tilespmem:s17+$0x0];
	_ =	sdelay $0x4  }
0x114: {  	vm2 =	vge.f32 v6, v9  }
0x115: {  	v10 =	vmpcnt.ones.xlane vm2;
	_ =	sdelay $0x1  }
0x116: {  	(v2sf) =	vpush v10, $0x0;
	_ =	sdelay $0xe  }
0x117: {  	s18 =	spop (v2sf)  }
0x118: {  	p0 =	slt.s32 s18, $0x1  }
0x119: {  	(xrf1) =	vsort.ascd.msk.f32 @!p0 $0xffff, v6, v6;
	_ =	sdelay $0x8  }
0x11a: {  	v6 =	vlaneseq.u32 @!p0  }
0x11b: {  	v6 =	vmul.u32 @!p0 $0xFFFFFFFF, v6;
	_ =	sdelay $0x3  }
0x11c: {  	v10 =	vadd.s32 @!p0 $0xF, v6;
	v6, _, _ =	vpop @!p0 (xrf1)  }
0x11d: {  	v6 =	vperm.xlane @!p0 v6, v10;
	_ =	sdelay $0x1  }
0x11e: {  	v6 =	vperm.xlane @!p0 v6, v10;
	_ =	sdelay $0x1  }
0x11f: {  	v6 =	vmax.f32 @!p0 v7, v6  }
0x120: {  	(xrf1) =	vsort.ascd.msk.f32 @!p0 $0xffff, v6, v6;
	_ =	sdelay $0xd  }
0x121: {  	v6, _, _ =	vpop @!p0 (xrf1)  }
0x122: {  	v6 =	vperm.xlane @!p0 v6, v10;
	_ =	sdelay $0x1  }
0x123: {  	v6 =	vperm.xlane @!p0 v6, v10;
	_ =	sdelay $0x1  }
0x124: {  	v11 =	vmin.f32 @!p0 v8, v6  }
0x125: {  	v6 =	vmax.f32 @!p0 v8, v6;
	(xrf1) =	vsort.ascd.msk.f32 @!p0 $0xffff, v11, v11  }
0x126: {  	(xrf1) =	vsort.ascd.msk.f32 @!p0 $0xffff, v6, v6;
	_ =	sdelay $0x7  }
0x127: {  	s16 =	sadd.s32 $0xFFFFFFFF, s16  }
0x128: {  	p1 =	sne.s32 s16, $0x0  }
.Ltmp8:
0x129: {  	_ = 	snop;
	(pc) =	sbr.rel @!p1 .LBB2_17-.Ltmp8, $3  }
0x12a: {  	_ =	sdelay $0x1  }
0x12b: {  	v11, _, _ =	vpop @!p0 (xrf1)  }
0x12c: {  	s17 =	sadd.s32 $0x10, s17;
	v6 =	vimm.s32 @!p0 $0xF;
	v11 =	vperm.xlane @!p0 v11, v10;
	v12, _, _ =	vpop @!p0 (xrf1)  }
.LBB2_16:
0x12d: {  	v13 =	vld [tilespmem:s17+$0x0];
	s16 =	sadd.s32 $0xFFFFFFFF, s16;
	v10 =	vperm.xlane @!p0 v12, v10  }
0x12e: {  	v6 =	vperm.xlane @!p0 v11, v6;
	v7 =	vpsel p0, v7, v11;
	p1 =	sne.s32 s16, $0x0  }
0x12f: {  	v8 =	vpsel p0, v8, v10  }
0x130: {  	v6 =	vmax.f32 @!p0 v9, v6  }
0x131: {  	v9 =	vpsel p0, v9, v6  }
0x132: {  	vm2 =	vge.f32 v13, v9  }
0x133: {  	v6 =	vmpcnt.ones.xlane vm2;
	_ =	sdelay $0x1  }
0x134: {  	(v2sf) =	vpush v6, $0x0;
	_ =	sdelay $0xe  }
0x135: {  	s18 =	spop (v2sf)  }
0x136: {  	p0 =	slt.s32 s18, $0x1  }
0x137: {  	v6 =	vimm.s32 @!p0 $0xF;
	(xrf1) =	vsort.ascd.msk.f32 @!p0 $0xffff, v13, v13;
	_ =	sdelay $0xa  }
0x138: {  	v10 =	vlaneseq.u32 @!p0  }
0x139: {  	v10 =	vmul.u32 @!p0 $0xFFFFFFFF, v10;
	_ =	sdelay $0x1  }
0x13a: {  	v10 =	vadd.s32 @!p0 $0xF, v10;
	v11, _, _ =	vpop @!p0 (xrf1)  }
0x13b: {  	v11 =	vperm.xlane @!p0 v11, v10;
	_ =	sdelay $0x1  }
0x13c: {  	v11 =	vperm.xlane @!p0 v11, v10;
	_ =	sdelay $0x1  }
0x13d: {  	v11 =	vmax.f32 @!p0 v7, v11  }
0x13e: {  	(xrf1) =	vsort.ascd.msk.f32 @!p0 $0xffff, v11, v11;
	_ =	sdelay $0xd  }
0x13f: {  	v11, _, _ =	vpop @!p0 (xrf1)  }
0x140: {  	v11 =	vperm.xlane @!p0 v11, v10;
	_ =	sdelay $0x1  }
0x141: {  	v11 =	vperm.xlane @!p0 v11, v10;
	_ =	sdelay $0x1  }
0x142: {  	v12 =	vmax.f32 @!p0 v8, v11;
	v11 =	vmin.f32 @!p0 v8, v11  }
0x143: {  	(xrf1) =	vsort.ascd.msk.f32 @!p0 $0xffff, v11, v11  }
0x144: {  	(xrf1) =	vsort.ascd.msk.f32 @!p0 $0xffff, v12, v12;
	_ =	sdelay $0x9  }
.Ltmp9:
0x145: {  	(pc) =	sbr.rel @p1 .LBB2_16-.Ltmp9, $3  }
0x146: {  	_ =	sdelay $0x1  }
0x147: {  	v11, _, _ =	vpop @!p0 (xrf1)  }
0x148: {  	s17 =	sadd.s32 $0x10, s17;
	v11 =	vperm.xlane @!p0 v11, v10;
	v12, _, _ =	vpop @!p0 (xrf1)  }
.Ltmp10:
0x149: {  	_ = 	snop;
	(pc) =	sbr.rel .LBB2_17-.Ltmp10, $1  }
0x14a: {  	_ =	sdelay $0x3  }
.LBB2_9:
0x14b: {  	s18 =	simm.s32 @!p0 $0x0;
	v8 =	vpsel p0, v8, v8;
	v7 =	vpsel p0, v7, v7;
	v9 =	vpsel p0, v9, v9  }
.LBB2_13:
0x14c: {  	s19 =	sshll.u32 s17, $0x6  }
0x14d: {  	s19 =	sshra.s32 s19, $0x2  }
0x14e: {  	v11 =	vld [tilespmem:s19+$0x1AE80];
	_ =	sdelay $0x4  }
0x14f: {  	(v2sf) =	vpush v11, $0x0;
	_ =	sdelay $0xe  }
0x150: {  	s22 =	spop (v2sf)  }
0x151: {  	s20 =	sshrl.u32 s22, $0x4  }
0x152: {  	s20 =	smul.u32 $0xA0, s20  }
0x153: {  	vm2 =	vmmov vm0;
	v10 =	vmul.u32 $0x10, v0;
	s21 =	sand.u32 $0xF, s22;
	p0 =	sgt.s32 s22, $0xFFFFFFFF  }
0x154: {  	vm2 =	vmneg @p0 vm2;
	s23 =	sor.u32 s21, s20  }
0x155: {  	vm2 =	vmand vm2, vm1;
	v12 =	vadd.s32 s23, v10  }
0x156: {  	v12 =	vnsel vm2, $0x0, v12;
	_ =	sdelay $0x4  }
0x157: {  	v12 =	vld.idx.msk [tilespmem:v12+s2+$0x0], $0xffff;
	_ =	sdelay $0x4  }
0x158: {  	vm3 =	vge.f32 v12, v6  }
0x159: {  	vm2 =	vmand vm3, vm2  }
0x15a: {  	v13 =	vmpcnt.ones.xlane vm2;
	_ =	sdelay $0x1  }
0x15b: {  	(v2sf) =	vpush v13, $0x0  }
0x15c: {  	(v2sf) =	vpush v11, $0x1;
	_ =	sdelay $0xd  }
0x15d: {  	s24 =	spop (v2sf)  }
0x15e: {  	s25 =	spop (v2sf)  }
0x15f: {  	s26 =	sshrl.u32 s25, $0x4  }
0x160: {  	s21 =	smul.u32 $0xA0, s26  }
0x161: {  	vm3 =	vmmov vm0;
	s22 =	sand.u32 $0xF, s25;
	p0 =	sgt.s32 s25, $0xFFFFFFFF  }
0x162: {  	vm3 =	vmneg @p0 vm3;
	s28 =	sor.u32 s22, s21  }
0x163: {  	vm3 =	vmand vm3, vm1;
	v36 =	vadd.s32 s28, v10  }
0x164: {  	v13 =	vnsel vm3, $0x0, v36;
	_ =	sdelay $0x3  }
0x165: {  	[tilespmem:s18+$0x1D600] =	vst.msk vm2, v12  }
0x166: {  	v12 =	vld.idx.msk [tilespmem:v13+s2+$0x0], $0xffff;
	_ =	sdelay $0x4  }
0x167: {  	vm2 =	vge.f32 v12, v6  }
0x168: {  	vm2 =	vmand vm3, vm2  }
0x169: {  	v37 =	vmpcnt.ones.xlane vm2;
	_ =	sdelay $0x1  }
0x16a: {  	(v2sf) =	vpush v37, $0x0  }
0x16b: {  	(v2sf) =	vpush v11, $0x2;
	_ =	sdelay $0xd  }
0x16c: {  	s29 =	spop (v2sf)  }
0x16d: {  	s30 =	spop (v2sf)  }
0x16e: {  	s31 =	sshrl.u32 s30, $0x4  }
0x16f: {  	s22 =	smul.u32 $0xA0, s31  }
0x170: {  	vm3 =	vmmov vm0;
	p0 =	sgt.s32 s30, $0xFFFFFFFF;
	s21 =	sand.u32 $0xF, s30  }
0x171: {  	vm3 =	vmneg @p0 vm3;
	s21 =	sor.u32 s21, s22  }
0x172: {  	vm3 =	vmand vm3, vm1;
	v38 =	vadd.s32 s21, v10  }
0x173: {  	v13 =	vnsel vm3, $0x0, v38;
	_ =	sdelay $0x2  }
0x174: {  	s19 =	sadd.s32 s18, s24  }
0x175: {  	[tilespmem:s19+$0x1D600] =	vst.msk vm2, v12  }
0x176: {  	v12 =	vld.idx.msk [tilespmem:v13+s2+$0x0], $0xffff;
	_ =	sdelay $0x4  }
0x177: {  	vm2 =	vge.f32 v12, v6  }
0x178: {  	vm2 =	vmand vm3, vm2  }
0x179: {  	v39 =	vmpcnt.ones.xlane vm2;
	_ =	sdelay $0x1  }
0x17a: {  	(v2sf) =	vpush v39, $0x0  }
0x17b: {  	(v2sf) =	vpush v11, $0x3;
	_ =	sdelay $0xd  }
0x17c: {  	s23 =	spop (v2sf)  }
0x17d: {  	s24 =	spop (v2sf)  }
0x17e: {  	s25 =	sshrl.u32 s24, $0x4  }
0x17f: {  	s22 =	smul.u32 $0xA0, s25  }
0x180: {  	vm3 =	vmmov vm0;
	p0 =	sgt.s32 s24, $0xFFFFFFFF;
	s21 =	sand.u32 $0xF, s24  }
0x181: {  	vm3 =	vmneg @p0 vm3;
	s21 =	sor.u32 s21, s22  }
0x182: {  	vm3 =	vmand vm3, vm1;
	v40 =	vadd.s32 s21, v10  }
0x183: {  	v13 =	vnsel vm3, $0x0, v40;
	_ =	sdelay $0x2  }
0x184: {  	s18 =	sadd.s32 s19, s29  }
0x185: {  	[tilespmem:s18+$0x1D600] =	vst.msk vm2, v12  }
0x186: {  	v12 =	vld.idx.msk [tilespmem:v13+s2+$0x0], $0xffff;
	_ =	sdelay $0x4  }
0x187: {  	vm2 =	vge.f32 v12, v6  }
0x188: {  	vm2 =	vmand vm3, vm2  }
0x189: {  	v41 =	vmpcnt.ones.xlane vm2;
	_ =	sdelay $0x1  }
0x18a: {  	(v2sf) =	vpush v41, $0x0  }
0x18b: {  	(v2sf) =	vpush v11, $0x4;
	_ =	sdelay $0xd  }
0x18c: {  	s26 =	spop (v2sf)  }
0x18d: {  	s28 =	spop (v2sf)  }
0x18e: {  	s29 =	sshrl.u32 s28, $0x4  }
0x18f: {  	s22 =	smul.u32 $0xA0, s29  }
0x190: {  	vm3 =	vmmov vm0;
	p0 =	sgt.s32 s28, $0xFFFFFFFF;
	s21 =	sand.u32 $0xF, s28  }
0x191: {  	vm3 =	vmneg @p0 vm3;
	s21 =	sor.u32 s21, s22  }
0x192: {  	vm3 =	vmand vm3, vm1;
	v42 =	vadd.s32 s21, v10  }
0x193: {  	v13 =	vnsel vm3, $0x0, v42;
	_ =	sdelay $0x2  }
0x194: {  	s18 =	sadd.s32 s18, s23  }
0x195: {  	[tilespmem:s18+$0x1D600] =	vst.msk vm2, v12  }
0x196: {  	v12 =	vld.idx.msk [tilespmem:v13+s2+$0x0], $0xffff;
	_ =	sdelay $0x4  }
0x197: {  	vm2 =	vge.f32 v12, v6  }
0x198: {  	vm2 =	vmand vm3, vm2  }
0x199: {  	v43 =	vmpcnt.ones.xlane vm2;
	_ =	sdelay $0x1  }
0x19a: {  	(v2sf) =	vpush v43, $0x0  }
0x19b: {  	(v2sf) =	vpush v11, $0x5;
	_ =	sdelay $0xd  }
0x19c: {  	s30 =	spop (v2sf)  }
0x19d: {  	s31 =	spop (v2sf)  }
0x19e: {  	s23 =	sshrl.u32 s31, $0x4  }
0x19f: {  	s22 =	smul.u32 $0xA0, s23  }
0x1a0: {  	vm3 =	vmmov vm0;
	p0 =	sgt.s32 s31, $0xFFFFFFFF;
	s21 =	sand.u32 $0xF, s31  }
0x1a1: {  	vm3 =	vmneg @p0 vm3;
	s21 =	sor.u32 s21, s22  }
0x1a2: {  	vm3 =	vmand vm3, vm1;
	v44 =	vadd.s32 s21, v10  }
0x1a3: {  	v13 =	vnsel vm3, $0x0, v44;
	_ =	sdelay $0x2  }
0x1a4: {  	s18 =	sadd.s32 s18, s26  }
0x1a5: {  	[tilespmem:s18+$0x1D600] =	vst.msk vm2, v12  }
0x1a6: {  	v12 =	vld.idx.msk [tilespmem:v13+s2+$0x0], $0xffff;
	_ =	sdelay $0x4  }
0x1a7: {  	vm2 =	vge.f32 v12, v6  }
0x1a8: {  	vm2 =	vmand vm3, vm2  }
0x1a9: {  	v45 =	vmpcnt.ones.xlane vm2;
	_ =	sdelay $0x1  }
0x1aa: {  	(v2sf) =	vpush v45, $0x0  }
0x1ab: {  	(v2sf) =	vpush v11, $0x6;
	_ =	sdelay $0xd  }
0x1ac: {  	s24 =	spop (v2sf)  }
0x1ad: {  	s25 =	spop (v2sf)  }
0x1ae: {  	s26 =	sshrl.u32 s25, $0x4  }
0x1af: {  	s22 =	smul.u32 $0xA0, s26  }
0x1b0: {  	vm3 =	vmmov vm0;
	p0 =	sgt.s32 s25, $0xFFFFFFFF;
	s21 =	sand.u32 $0xF, s25  }
0x1b1: {  	vm3 =	vmneg @p0 vm3;
	s21 =	sor.u32 s21, s22  }
0x1b2: {  	vm3 =	vmand vm3, vm1;
	v46 =	vadd.s32 s21, v10  }
0x1b3: {  	v13 =	vnsel vm3, $0x0, v46;
	_ =	sdelay $0x2  }
0x1b4: {  	s18 =	sadd.s32 s18, s30  }
0x1b5: {  	[tilespmem:s18+$0x1D600] =	vst.msk vm2, v12  }
0x1b6: {  	v12 =	vld.idx.msk [tilespmem:v13+s2+$0x0], $0xffff;
	_ =	sdelay $0x4  }
0x1b7: {  	vm2 =	vge.f32 v12, v6  }
0x1b8: {  	vm2 =	vmand vm3, vm2  }
0x1b9: {  	v47 =	vmpcnt.ones.xlane vm2;
	_ =	sdelay $0x1  }
0x1ba: {  	(v2sf) =	vpush v47, $0x0  }
0x1bb: {  	(v2sf) =	vpush v11, $0x7;
	_ =	sdelay $0xd  }
0x1bc: {  	s28 =	spop (v2sf)  }
0x1bd: {  	s29 =	spop (v2sf)  }
0x1be: {  	s30 =	sshrl.u32 s29, $0x4  }
0x1bf: {  	s22 =	smul.u32 $0xA0, s30  }
0x1c0: {  	vm3 =	vmmov vm0;
	p0 =	sgt.s32 s29, $0xFFFFFFFF;
	s21 =	sand.u32 $0xF, s29  }
0x1c1: {  	vm3 =	vmneg @p0 vm3;
	s21 =	sor.u32 s21, s22  }
0x1c2: {  	vm3 =	vmand vm3, vm1;
	v48 =	vadd.s32 s21, v10  }
0x1c3: {  	v13 =	vnsel vm3, $0x0, v48;
	_ =	sdelay $0x2  }
0x1c4: {  	s18 =	sadd.s32 s18, s24  }
0x1c5: {  	[tilespmem:s18+$0x1D600] =	vst.msk vm2, v12  }
0x1c6: {  	v12 =	vld.idx.msk [tilespmem:v13+s2+$0x0], $0xffff;
	_ =	sdelay $0x4  }
0x1c7: {  	vm2 =	vge.f32 v12, v6  }
0x1c8: {  	vm2 =	vmand vm3, vm2  }
0x1c9: {  	v49 =	vmpcnt.ones.xlane vm2;
	_ =	sdelay $0x1  }
0x1ca: {  	(v2sf) =	vpush v49, $0x0  }
0x1cb: {  	(v2sf) =	vpush v11, $0x8;
	_ =	sdelay $0xd  }
0x1cc: {  	s31 =	spop (v2sf)  }
0x1cd: {  	s23 =	spop (v2sf)  }
0x1ce: {  	s24 =	sshrl.u32 s23, $0x4  }
0x1cf: {  	s22 =	smul.u32 $0xA0, s24  }
0x1d0: {  	vm3 =	vmmov vm0;
	p0 =	sgt.s32 s23, $0xFFFFFFFF;
	s21 =	sand.u32 $0xF, s23  }
0x1d1: {  	vm3 =	vmneg @p0 vm3;
	s21 =	sor.u32 s21, s22  }
0x1d2: {  	vm3 =	vmand vm3, vm1;
	v50 =	vadd.s32 s21, v10  }
0x1d3: {  	v13 =	vnsel vm3, $0x0, v50;
	_ =	sdelay $0x2  }
0x1d4: {  	s18 =	sadd.s32 s18, s28  }
0x1d5: {  	[tilespmem:s18+$0x1D600] =	vst.msk vm2, v12  }
0x1d6: {  	v12 =	vld.idx.msk [tilespmem:v13+s2+$0x0], $0xffff;
	_ =	sdelay $0x4  }
0x1d7: {  	vm2 =	vge.f32 v12, v6  }
0x1d8: {  	vm2 =	vmand vm3, vm2  }
0x1d9: {  	v51 =	vmpcnt.ones.xlane vm2;
	_ =	sdelay $0x1  }
0x1da: {  	(v2sf) =	vpush v51, $0x0  }
0x1db: {  	(v2sf) =	vpush v11, $0x9;
	_ =	sdelay $0xd  }
0x1dc: {  	s25 =	spop (v2sf)  }
0x1dd: {  	s26 =	spop (v2sf)  }
0x1de: {  	s28 =	sshrl.u32 s26, $0x4  }
0x1df: {  	s22 =	smul.u32 $0xA0, s28  }
0x1e0: {  	vm3 =	vmmov vm0;
	p0 =	sgt.s32 s26, $0xFFFFFFFF;
	s21 =	sand.u32 $0xF, s26  }
0x1e1: {  	vm3 =	vmneg @p0 vm3;
	s21 =	sor.u32 s21, s22  }
0x1e2: {  	vm3 =	vmand vm3, vm1;
	v52 =	vadd.s32 s21, v10  }
0x1e3: {  	v13 =	vnsel vm3, $0x0, v52;
	_ =	sdelay $0x2  }
0x1e4: {  	s18 =	sadd.s32 s18, s31  }
0x1e5: {  	[tilespmem:s18+$0x1D600] =	vst.msk vm2, v12  }
0x1e6: {  	v12 =	vld.idx.msk [tilespmem:v13+s2+$0x0], $0xffff;
	_ =	sdelay $0x4  }
0x1e7: {  	vm2 =	vge.f32 v12, v6  }
0x1e8: {  	vm2 =	vmand vm3, vm2  }
0x1e9: {  	v53 =	vmpcnt.ones.xlane vm2;
	_ =	sdelay $0x1  }
0x1ea: {  	(v2sf) =	vpush v53, $0x0  }
0x1eb: {  	(v2sf) =	vpush v11, $0xA;
	_ =	sdelay $0xd  }
0x1ec: {  	s29 =	spop (v2sf)  }
0x1ed: {  	s30 =	spop (v2sf)  }
0x1ee: {  	s31 =	sshrl.u32 s30, $0x4  }
0x1ef: {  	s22 =	smul.u32 $0xA0, s31  }
0x1f0: {  	vm3 =	vmmov vm0;
	p0 =	sgt.s32 s30, $0xFFFFFFFF;
	s21 =	sand.u32 $0xF, s30  }
0x1f1: {  	vm3 =	vmneg @p0 vm3;
	s21 =	sor.u32 s21, s22  }
0x1f2: {  	vm3 =	vmand vm3, vm1;
	v54 =	vadd.s32 s21, v10  }
0x1f3: {  	v13 =	vnsel vm3, $0x0, v54;
	_ =	sdelay $0x2  }
0x1f4: {  	s18 =	sadd.s32 s18, s25  }
0x1f5: {  	[tilespmem:s18+$0x1D600] =	vst.msk vm2, v12  }
0x1f6: {  	v12 =	vld.idx.msk [tilespmem:v13+s2+$0x0], $0xffff;
	_ =	sdelay $0x4  }
0x1f7: {  	vm2 =	vge.f32 v12, v6  }
0x1f8: {  	vm2 =	vmand vm3, vm2  }
0x1f9: {  	v55 =	vmpcnt.ones.xlane vm2;
	_ =	sdelay $0x1  }
0x1fa: {  	(v2sf) =	vpush v55, $0x0  }
0x1fb: {  	(v2sf) =	vpush v11, $0xB;
	_ =	sdelay $0xd  }
0x1fc: {  	s23 =	spop (v2sf)  }
0x1fd: {  	s24 =	spop (v2sf)  }
0x1fe: {  	s25 =	sshrl.u32 s24, $0x4  }
0x1ff: {  	s22 =	smul.u32 $0xA0, s25  }
0x200: {  	vm3 =	vmmov vm0;
	p0 =	sgt.s32 s24, $0xFFFFFFFF;
	s21 =	sand.u32 $0xF, s24  }
0x201: {  	vm3 =	vmneg @p0 vm3;
	s21 =	sor.u32 s21, s22  }
0x202: {  	vm3 =	vmand vm3, vm1;
	v56 =	vadd.s32 s21, v10  }
0x203: {  	v13 =	vnsel vm3, $0x0, v56;
	_ =	sdelay $0x2  }
0x204: {  	s18 =	sadd.s32 s18, s29  }
0x205: {  	[tilespmem:s18+$0x1D600] =	vst.msk vm2, v12  }
0x206: {  	v12 =	vld.idx.msk [tilespmem:v13+s2+$0x0], $0xffff;
	_ =	sdelay $0x4  }
0x207: {  	vm2 =	vge.f32 v12, v6  }
0x208: {  	vm2 =	vmand vm3, vm2  }
0x209: {  	v57 =	vmpcnt.ones.xlane vm2;
	_ =	sdelay $0x1  }
0x20a: {  	(v2sf) =	vpush v57, $0x0  }
0x20b: {  	(v2sf) =	vpush v11, $0xC;
	_ =	sdelay $0xd  }
0x20c: {  	s26 =	spop (v2sf)  }
0x20d: {  	s28 =	spop (v2sf)  }
0x20e: {  	s29 =	sshrl.u32 s28, $0x4  }
0x20f: {  	s22 =	smul.u32 $0xA0, s29  }
0x210: {  	vm3 =	vmmov vm0;
	p0 =	sgt.s32 s28, $0xFFFFFFFF;
	s21 =	sand.u32 $0xF, s28  }
0x211: {  	vm3 =	vmneg @p0 vm3;
	s21 =	sor.u32 s21, s22  }
0x212: {  	vm3 =	vmand vm3, vm1;
	v58 =	vadd.s32 s21, v10  }
0x213: {  	v13 =	vnsel vm3, $0x0, v58;
	_ =	sdelay $0x2  }
0x214: {  	s18 =	sadd.s32 s18, s23  }
0x215: {  	[tilespmem:s18+$0x1D600] =	vst.msk vm2, v12  }
0x216: {  	v12 =	vld.idx.msk [tilespmem:v13+s2+$0x0], $0xffff;
	_ =	sdelay $0x4  }
0x217: {  	vm2 =	vge.f32 v12, v6  }
0x218: {  	vm2 =	vmand vm3, vm2  }
0x219: {  	v59 =	vmpcnt.ones.xlane vm2;
	_ =	sdelay $0x1  }
0x21a: {  	(v2sf) =	vpush v59, $0x0  }
0x21b: {  	(v2sf) =	vpush v11, $0xD;
	_ =	sdelay $0xd  }
0x21c: {  	s30 =	spop (v2sf)  }
0x21d: {  	s31 =	spop (v2sf)  }
0x21e: {  	s23 =	sshrl.u32 s31, $0x4  }
0x21f: {  	s22 =	smul.u32 $0xA0, s23  }
0x220: {  	vm3 =	vmmov vm0;
	p0 =	sgt.s32 s31, $0xFFFFFFFF;
	s21 =	sand.u32 $0xF, s31  }
0x221: {  	vm3 =	vmneg @p0 vm3;
	s21 =	sor.u32 s21, s22  }
0x222: {  	vm3 =	vmand vm3, vm1;
	v60 =	vadd.s32 s21, v10  }
0x223: {  	v13 =	vnsel vm3, $0x0, v60;
	_ =	sdelay $0x2  }
0x224: {  	s18 =	sadd.s32 s18, s26  }
0x225: {  	[tilespmem:s18+$0x1D600] =	vst.msk vm2, v12  }
0x226: {  	v12 =	vld.idx.msk [tilespmem:v13+s2+$0x0], $0xffff;
	_ =	sdelay $0x4  }
0x227: {  	vm2 =	vge.f32 v12, v6  }
0x228: {  	vm2 =	vmand vm3, vm2  }
0x229: {  	v61 =	vmpcnt.ones.xlane vm2;
	_ =	sdelay $0x1  }
0x22a: {  	(v2sf) =	vpush v61, $0x0  }
0x22b: {  	(v2sf) =	vpush v11, $0xE;
	_ =	sdelay $0xd  }
0x22c: {  	s24 =	spop (v2sf)  }
0x22d: {  	s25 =	spop (v2sf)  }
0x22e: {  	s26 =	sshrl.u32 s25, $0x4  }
0x22f: {  	s22 =	smul.u32 $0xA0, s26  }
0x230: {  	vm3 =	vmmov vm0;
	p0 =	sgt.s32 s25, $0xFFFFFFFF;
	s21 =	sand.u32 $0xF, s25  }
0x231: {  	vm3 =	vmneg @p0 vm3;
	s21 =	sor.u32 s21, s22  }
0x232: {  	vm3 =	vmand vm3, vm1;
	v62 =	vadd.s32 s21, v10  }
0x233: {  	v13 =	vnsel vm3, $0x0, v62;
	_ =	sdelay $0x2  }
0x234: {  	s18 =	sadd.s32 s18, s30  }
0x235: {  	[tilespmem:s18+$0x1D600] =	vst.msk vm2, v12  }
0x236: {  	v12 =	vld.idx.msk [tilespmem:v13+s2+$0x0], $0xffff;
	_ =	sdelay $0x4  }
0x237: {  	vm2 =	vge.f32 v12, v6  }
0x238: {  	vm2 =	vmand vm3, vm2  }
0x239: {  	v63 =	vmpcnt.ones.xlane vm2;
	_ =	sdelay $0x1  }
0x23a: {  	(v2sf) =	vpush v63, $0x0  }
0x23b: {  	(v2sf) =	vpush v11, $0xF;
	_ =	sdelay $0xd  }
0x23c: {  	s28 =	spop (v2sf)  }
0x23d: {  	s29 =	spop (v2sf)  }
0x23e: {  	s30 =	sshrl.u32 s29, $0x4  }
0x23f: {  	s22 =	smul.u32 $0xA0, s30  }
0x240: {  	vm3 =	vmmov vm0;
	p0 =	sgt.s32 s29, $0xFFFFFFFF;
	s21 =	sand.u32 $0xF, s29  }
0x241: {  	vm3 =	vmneg @p0 vm3;
	s21 =	sor.u32 s21, s22  }
0x242: {  	vm3 =	vmand vm3, vm1;
	v10 =	vadd.s32 s21, v10  }
0x243: {  	v10 =	vnsel vm3, $0x0, v10;
	_ =	sdelay $0x2  }
0x244: {  	s18 =	sadd.s32 s18, s24  }
0x245: {  	[tilespmem:s18+$0x1D600] =	vst.msk vm2, v12  }
0x246: {  	v10 =	vld.idx.msk [tilespmem:v10+s2+$0x0], $0xffff;
	_ =	sdelay $0x4  }
0x247: {  	vm2 =	vge.f32 v10, v6  }
0x248: {  	vm2 =	vmand vm3, vm2  }
0x249: {  	v11 =	vmpcnt.ones.xlane vm2;
	_ =	sdelay $0x1  }
0x24a: {  	(v2sf) =	vpush v11, $0x0;
	_ =	sdelay $0xa  }
0x24b: {  	s17 =	sadd.s32 $0x1, s17  }
0x24c: {  	p0 =	sne.s32 s17, s16  }
.Ltmp11:
0x24d: {  	_ = 	snop;
	(pc) =	sbr.rel @!p0 .LBB2_14-.Ltmp11, $4  }
0x24e: {  	_ = 	snop  }
0x24f: {  	s19 =	sadd.s32 s18, s28;
	s31 =	spop (v2sf)  }
0x250: {  	s18 =	sadd.s32 s19, s31  }
0x251: {  	[tilespmem:s19+$0x1D600] =	vst.msk vm2, v10;
	[smem:$0x1] =	sst s18  }
.LBB2_8:
0x252: {  	p0 =	slt.s32 s18, $0x700  }
0x253: {  	s19 =	sadd.s32 @!p0 $0xF, s18  }
0x254: {  	s20 =	sand.u32 @!p0 $0xF, s19  }
0x255: {  	p1 =	slt.s32 @!p0 s19, $0x0;
	p2 =	sne.s32 @!p0 s20, $0x0  }
0x256: {  	s20 =	sshra.s32 @!p0 s19, $0x1F;
	p1 =	por @!p0 !p1, !p2  }
0x257: {  	s20 =	sshrl.u32 @!p0 s20, $0x1C;
	p1 =	por @!p0 !p1, !p1  }
0x258: {  	s19 =	sadd.s32 @!p0 s20, s19;
	s20 =	simm.s32 @!p0 $0x1;
	p1 =	por !p1, p0  }
0x259: {  	s19 =	sshra.s32 @!p0 s19, $0x4;
	s20 =	simm.s32 @p1 $0x0  }
0x25a: {  	s19 =	ssub.s32 @!p0 s19, s20  }
0x25b: {  	p1 =	slt.s32 @!p0 s19, $0x1  }
0x25c: {  	p1 =	por p0, p1  }
.Ltmp12:
0x25d: {  	_ = 	snop;
	(pc) =	sbr.rel @p1 .LBB2_9-.Ltmp12, $3  }
0x25e: {  	_ =	sdelay $0x1  }
0x25f: {  	v10 =	vimm.f32 @!p0 $-Inf  }
0x260: {  	[tilespmem:s18+$0x1D600] =	vst @!p0 v10;
	s20 =	simm.s32 @!p0 $0x1D600  }
0x261: {  	v10 =	vld [tilespmem:s20+$0x0];
	_ =	sdelay $0x4  }
0x262: {  	vm2 =	vge.f32 v10, v9  }
0x263: {  	v11 =	vmpcnt.ones.xlane vm2;
	_ =	sdelay $0x1  }
0x264: {  	(v2sf) =	vpush v11, $0x0;
	_ =	sdelay $0xe  }
0x265: {  	s18 =	spop (v2sf)  }
0x266: {  	p0 =	slt.s32 s18, $0x1  }
0x267: {  	(xrf1) =	vsort.ascd.msk.f32 @!p0 $0xffff, v10, v10;
	_ =	sdelay $0x8  }
0x268: {  	v10 =	vlaneseq.u32 @!p0  }
0x269: {  	v10 =	vmul.u32 @!p0 $0xFFFFFFFF, v10;
	_ =	sdelay $0x3  }
0x26a: {  	v11 =	vadd.s32 @!p0 $0xF, v10;
	v10, _, _ =	vpop @!p0 (xrf1)  }
0x26b: {  	v10 =	vperm.xlane @!p0 v10, v11;
	_ =	sdelay $0x1  }
0x26c: {  	v10 =	vperm.xlane @!p0 v10, v11;
	_ =	sdelay $0x1  }
0x26d: {  	v10 =	vmax.f32 @!p0 v7, v10  }
0x26e: {  	(xrf1) =	vsort.ascd.msk.f32 @!p0 $0xffff, v10, v10;
	_ =	sdelay $0xd  }
0x26f: {  	v10, _, _ =	vpop @!p0 (xrf1)  }
0x270: {  	v10 =	vperm.xlane @!p0 v10, v11;
	_ =	sdelay $0x1  }
0x271: {  	v10 =	vperm.xlane @!p0 v10, v11;
	_ =	sdelay $0x1  }
0x272: {  	v12 =	vmin.f32 @!p0 v8, v10  }
0x273: {  	v10 =	vmax.f32 @!p0 v8, v10;
	(xrf1) =	vsort.ascd.msk.f32 @!p0 $0xffff, v12, v12  }
0x274: {  	(xrf1) =	vsort.ascd.msk.f32 @!p0 $0xffff, v10, v10;
	_ =	sdelay $0x7  }
0x275: {  	s18 =	sadd.s32 $0xFFFFFFFF, s19  }
0x276: {  	p1 =	sne.s32 s18, $0x0  }
.Ltmp13:
0x277: {  	_ = 	snop;
	(pc) =	sbr.rel @!p1 .LBB2_12-.Ltmp13, $3  }
0x278: {  	_ =	sdelay $0x1  }
0x279: {  	v12, _, _ =	vpop @!p0 (xrf1)  }
0x27a: {  	s19 =	sadd.s32 $0x10, s20;
	v10 =	vimm.s32 @!p0 $0xF;
	v12 =	vperm.xlane @!p0 v12, v11;
	v13, _, _ =	vpop @!p0 (xrf1)  }
.LBB2_11:
0x27b: {  	v14 =	vld [tilespmem:s19+$0x0];
	s18 =	sadd.s32 $0xFFFFFFFF, s18;
	v11 =	vperm.xlane @!p0 v13, v11  }
0x27c: {  	p1 =	sne.s32 s18, $0x0;
	v10 =	vperm.xlane @!p0 v12, v10;
	v7 =	vpsel p0, v7, v12  }
0x27d: {  	v8 =	vpsel p0, v8, v11  }
0x27e: {  	v10 =	vmax.f32 @!p0 v9, v10  }
0x27f: {  	v9 =	vpsel p0, v9, v10  }
0x280: {  	vm2 =	vge.f32 v14, v9  }
0x281: {  	v10 =	vmpcnt.ones.xlane vm2;
	_ =	sdelay $0x1  }
0x282: {  	(v2sf) =	vpush v10, $0x0;
	_ =	sdelay $0xe  }
0x283: {  	s20 =	spop (v2sf)  }
0x284: {  	p0 =	slt.s32 s20, $0x1  }
0x285: {  	v10 =	vimm.s32 @!p0 $0xF;
	(xrf1) =	vsort.ascd.msk.f32 @!p0 $0xffff, v14, v14;
	_ =	sdelay $0xa  }
0x286: {  	v11 =	vlaneseq.u32 @!p0  }
0x287: {  	v11 =	vmul.u32 @!p0 $0xFFFFFFFF, v11;
	_ =	sdelay $0x1  }
0x288: {  	v11 =	vadd.s32 @!p0 $0xF, v11;
	v12, _, _ =	vpop @!p0 (xrf1)  }
0x289: {  	v12 =	vperm.xlane @!p0 v12, v11;
	_ =	sdelay $0x1  }
0x28a: {  	v12 =	vperm.xlane @!p0 v12, v11;
	_ =	sdelay $0x1  }
0x28b: {  	v12 =	vmax.f32 @!p0 v7, v12  }
0x28c: {  	(xrf1) =	vsort.ascd.msk.f32 @!p0 $0xffff, v12, v12;
	_ =	sdelay $0xd  }
0x28d: {  	v12, _, _ =	vpop @!p0 (xrf1)  }
0x28e: {  	v12 =	vperm.xlane @!p0 v12, v11;
	_ =	sdelay $0x1  }
0x28f: {  	v12 =	vperm.xlane @!p0 v12, v11;
	_ =	sdelay $0x1  }
0x290: {  	v13 =	vmax.f32 @!p0 v8, v12;
	v12 =	vmin.f32 @!p0 v8, v12  }
0x291: {  	(xrf1) =	vsort.ascd.msk.f32 @!p0 $0xffff, v12, v12  }
0x292: {  	(xrf1) =	vsort.ascd.msk.f32 @!p0 $0xffff, v13, v13;
	_ =	sdelay $0x9  }
.Ltmp14:
0x293: {  	(pc) =	sbr.rel @p1 .LBB2_11-.Ltmp14, $3  }
0x294: {  	_ =	sdelay $0x1  }
0x295: {  	v12, _, _ =	vpop @!p0 (xrf1)  }
0x296: {  	s19 =	sadd.s32 $0x10, s19;
	v12 =	vperm.xlane @!p0 v12, v11;
	v13, _, _ =	vpop @!p0 (xrf1)  }
.LBB2_12:
.Ltmp15:
0x297: {  	_ = 	snop;
	(pc) =	sbr.rel .LBB2_13-.Ltmp15, $4  }
0x298: {  	v10 =	vperm.xlane @!p0 v12, v10  }
0x299: {  	v11 =	vperm.xlane @!p0 v13, v11  }
0x29a: {  	v10 =	vmax.f32 @!p0 v9, v10  }
0x29b: {  	s18 =	simm.s32 $0x0;
	v7 =	vpsel p0, v7, v12;
	v8 =	vpsel p0, v8, v11;
	v9 =	vpsel p0, v9, v10  }
.LBB2_20:
0x29c: {  	_ =	sfence.sel $0x180000  }
0x29d: {  	[bflag:$0x0] =	sbarrier.arrive $0xFFFF  }
0x29e: {  	p0 =	sne.s32 s3, $0x0;
	_ =	strace $0x90000047  }
0x29f: {  	s0 =	sadd.s32 @!p0 $0x100000, s0;
	[bflag:$0x2] =	sbarrier.arrive $0xFFFF  }
0x2a0: {  	[sflag:s0] =	ssyncadd.tile.s32 @!p0 $0x1;
	_ =	shalt  }
.Lfunc_end2:
_tile_overlayer_lowered:
.L_overlay_start_2:
0x2a1: {  	(tag) =	ssettag $0x2  }
0x2a2: {  	s0 =	rddreg [dreg:$0x0];
	s2 =	stileid.u32  }
0x2a3: {  	s1 =	rddreg [dreg:$0x1];
	p0 =	sne.s32 s2, $0x0  }
0x2a4: {  	s3 =	rddreg [dreg:$0x2];
	[bflag:$0x3] =	sbarrier.arrive $0xFFFF;
	s2 =	simm.s32 @!p0 $0x1C01  }
0x2a5: {  	[timem:s3], [sflag:s2] =	dma.local @!p0 [hbm:s0], s1  }
0x2a6: {  	s0 =	simm.s32 @!p0 $0x1  }
0x2a7: {  	_ =	swait.ge @!p0 [sflag:s0], s1  }
0x2a8: {  	s1 =	ssub.s32 @!p0 $0x0, s1;
	[sflag:s0] =	ssyncset.done @!p0 $0x0  }
0x2a9: {  	[sflag:s0] =	ssyncadd.s32 @!p0 s1  }
0x2aa: {  	[bflag:$0x3] =	sbarrier.arrive $0xFFFF  }
0x2ab: {  	_ =	shalt  }

</sc_bundles>
